<compile_context>
chip_gen: v7x
topology: tpu7x:2x2x1
jax: 0.10.2.dev20260603
libtpu: 0.0.44.dev20260713+nightly
codegen_flags: <defaults>
</compile_context>

<pallas_src>
import functools

import jax
import jax.numpy as jnp
from jax import lax
from jax.experimental import pallas as pl
from jax.experimental.pallas import tpu as pltpu
from jax.experimental.pallas import tpu_sc as plsc

N = 10000
E = 320000
D = 128

NC = 2
NS = 16
NW = NC * NS

EB = 64
NB = 160
EW = NB * EB
EP = NW * EW
PH = 8
NPH = NB // PH

NP = 10112
RPT = NP // NS


def _sc_agg_build():
    mesh = plsc.VectorSubcoreMesh(core_axis_name="c", subcore_axis_name="s")

    @functools.partial(
        pl.kernel,
        out_type=jax.ShapeDtypeStruct((NC * NP, D), jnp.float32),
        mesh=mesh,
        scratch_types=[
            pltpu.VMEM((EW,), jnp.int32),
            pltpu.VMEM((PH, EB), jnp.int32),
            pltpu.VMEM((PH, EB), jnp.int32),
            pltpu.VMEM((EB, D), jnp.float32),
            pltpu.VMEM((EB, D), jnp.float32),
            pltpu.VMEM((EB, D), jnp.float32),
            pltpu.VMEM((EB, D), jnp.float32),
            pltpu.VMEM_SHARED((NP, D), jnp.float32),
            pltpu.SemaphoreType.DMA,
            pltpu.SemaphoreType.DMA,
            pltpu.SemaphoreType.DMA,
            pltpu.SemaphoreType.DMA,
            pltpu.SemaphoreType.DMA,
            pltpu.SemaphoreType.DMA,
        ],
    )
    def sc_agg(x_hbm, src_hbm, dst2_hbm, zeros_hbm, out_hbm,
               src_v, dstb0, dstb1, rows0, rows1, rows2, rows3, acc,
               sg0, sg1, sg2, sg3, si0, si1):
        c = lax.axis_index("c")
        s = lax.axis_index("s")
        w = c * NS + s
        r0 = w * NB

        rows = (rows0, rows1, rows2, rows3)
        sg = (sg0, sg1, sg2, sg3)

        XR = N - (NS - 1) * RPT

        @pl.when(c == 1)
        def _():
            pltpu.async_copy(zeros_hbm,
                             acc.at[pl.ds(s * RPT, RPT)], si0)

        @pl.when(jnp.logical_and(c == 0, s < NS - 1))
        def _():
            pltpu.async_copy(x_hbm.at[pl.ds(s * RPT, RPT)],
                             acc.at[pl.ds(s * RPT, RPT)], si0)

        @pl.when(jnp.logical_and(c == 0, s == NS - 1))
        def _():
            pltpu.async_copy(x_hbm.at[pl.ds((NS - 1) * RPT, XR)],
                             acc.at[pl.ds((NS - 1) * RPT, XR)], si0)
            pltpu.sync_copy(zeros_hbm.at[pl.ds(0, NP - N)],
                            acc.at[pl.ds(N, NP - N)])
        pltpu.sync_copy(src_hbm.at[pl.ds(w * EW, EW)], src_v)
        pltpu.sync_copy(dst2_hbm.at[pl.ds(r0, PH)], dstb0)
        pltpu.async_copy(dst2_hbm.at[pl.ds(r0 + PH, PH)], dstb1, si1)
        pltpu.async_copy(x_hbm.at[src_v.at[pl.ds(0, EB)]], rows0, sg0)
        pltpu.async_copy(x_hbm.at[src_v.at[pl.ds(EB, EB)]], rows1, sg1)
        pltpu.async_copy(x_hbm.at[src_v.at[pl.ds(2 * EB, EB)]], rows2, sg2)
        @pl.when(jnp.logical_or(c == 1, s < NS - 1))
        def _():
            pltpu.make_async_copy(zeros_hbm,
                                  acc.at[pl.ds(s * RPT, RPT)], si0).wait()

        @pl.when(jnp.logical_and(c == 0, s == NS - 1))
        def _():
            pltpu.make_async_copy(x_hbm.at[pl.ds((NS - 1) * RPT, XR)],
                                  acc.at[pl.ds((NS - 1) * RPT, XR)],
                                  si0).wait()
        plsc.subcore_barrier()

        def step(b_dyn, j, dstb, jj):
            k = j & 3
            pltpu.make_async_copy(
                x_hbm.at[src_v.at[pl.ds(0, EB)]], rows[k], sg[k]).wait()
            nxt = (b_dyn + (j + 3)) * EB
            kn = (j + 3) & 3

            def start_next():
                pltpu.async_copy(
                    x_hbm.at[src_v.at[pl.ds(nxt, EB)]], rows[kn], sg[kn])
            if j < 13:
                start_next()
            else:
                pl.when(b_dyn + j + 3 < NB)(start_next)
            pltpu.sync_copy(rows[k], acc.at[dstb.at[jj]], add=True)

        def body(i, carry):
            b_dyn = i * 2 * PH

            @pl.when(i > 0)
            def _():
                pltpu.make_async_copy(
                    dst2_hbm.at[pl.ds(r0, PH)], dstb0, si0).wait()
            for j in range(PH):
                step(b_dyn, j, dstb0, j)
            pltpu.make_async_copy(
                dst2_hbm.at[pl.ds(r0, PH)], dstb1, si1).wait()

            @pl.when(i < NPH // 2 - 1)
            def _():
                pltpu.async_copy(
                    dst2_hbm.at[pl.ds(r0 + (i * 2 + 2) * PH, PH)], dstb0, si0)
            for j in range(PH):
                step(b_dyn, PH + j, dstb1, j)

            @pl.when(i < NPH // 2 - 1)
            def _():
                pltpu.async_copy(
                    dst2_hbm.at[pl.ds(r0 + (i * 2 + 3) * PH, PH)], dstb1, si1)
            return carry

        lax.fori_loop(0, NPH // 2, body, 0, unroll=False)

        plsc.subcore_barrier()
        pltpu.sync_copy(acc.at[pl.ds(s * RPT, RPT)],
                        out_hbm.at[pl.ds(c * NP + s * RPT, RPT)])

    return sc_agg


_sc_agg = _sc_agg_build()


def _mlp_kernel(relu_out, p0_ref, p1_ref, wa_ref, ba_ref, wb_ref,
                bb_ref, o_ref):
    rst = p0_ref[...] + p1_ref[...]
    hid = jnp.dot(rst, wa_ref[...], preferred_element_type=jnp.float32)
    hid = jnp.maximum(hid + ba_ref[...], 0.0)
    out = jnp.dot(hid, wb_ref[...], preferred_element_type=jnp.float32)
    out = out + bb_ref[...]
    if relu_out:
        out = jnp.maximum(out, 0.0)
    o_ref[...] = out


def _mlp(p0, p1, Wa, ba, Wb, bb, relu_out, bn=2000):
    grid = N // bn
    return pl.pallas_call(
        functools.partial(_mlp_kernel, relu_out),
        grid=(grid,),
        in_specs=[
            pl.BlockSpec((bn, D), lambda i: (i, 0)),
            pl.BlockSpec((bn, D), lambda i: (i, 0)),
            pl.BlockSpec((D, D), lambda i: (0, 0)),
            pl.BlockSpec((1, D), lambda i: (0, 0)),
            pl.BlockSpec((D, D), lambda i: (0, 0)),
            pl.BlockSpec((1, D), lambda i: (0, 0)),
        ],
        out_specs=pl.BlockSpec((bn, D), lambda i: (i, 0)),
        out_shape=jax.ShapeDtypeStruct((N, D), jnp.float32),
    )(p0, p1, Wa, ba.reshape(1, D), Wb, bb.reshape(1, D))


def kernel(h, edge_index, W0a, b0a, W0b, b0b, W1a, b1a, W1b, b1b):
    x = h.T
    pad = EP - E
    pad_ar = jnp.arange(pad, dtype=jnp.int32)
    src = jnp.concatenate([edge_index[0], pad_ar % N])
    dst = jnp.concatenate([edge_index[1], N + pad_ar % (NP - N)])
    dst2 = dst.reshape(EP // EB, EB)

    zeros = jnp.zeros((RPT, D), jnp.float32)
    p = _sc_agg(x, src, dst2, zeros)
    x1 = _mlp(p[:N], p[NP:NP + N], W0a, b0a, W0b, b0b, relu_out=True)
    p2 = _sc_agg(x1, src, dst2, zeros)
    x2 = _mlp(p2[:N], p2[NP:NP + N], W1a, b1a, W1b, b1b, relu_out=False)
    return x2.T

# --- scband reference (transcript-rebuilt; emitter-appended) ---
"""Pipeline reference for scband-gin-16776142258593 (READ-ONLY COPY).

The authoritative reference and input builder live on the scoring server;
editing this copy changes nothing except your own understanding.
"""

import jax, jax.numpy as jnp
import numpy as np

N = 10000
E = 320000
D_IN = 128
D_HID = 128
D_OUT = 128


def _lin_init(key, fan_in, fan_out):
    s = 1.0 / np.sqrt(fan_in)
    kw, kb = jax.random.split(key)
    W = jax.random.uniform(kw, (fan_in, fan_out), minval=-s, maxval=s, dtype=jnp.float32)
    b = jax.random.uniform(kb, (fan_out,), minval=-s, maxval=s, dtype=jnp.float32)
    return W, b


def setup_inputs(seed: int = 0) -> dict:
    key = jax.random.key(seed)
    ks = jax.random.split(key, 6)
    h = jax.random.normal(ks[0], (D_IN, N), dtype=jnp.float32)
    edge_index = jax.random.randint(ks[1], (2, E), 0, N, dtype=jnp.int32)
    W0a, b0a = _lin_init(ks[2], D_IN, D_HID)
    W0b, b0b = _lin_init(ks[3], D_HID, D_HID)
    W1a, b1a = _lin_init(ks[4], D_HID, D_HID)
    W1b, b1b = _lin_init(ks[5], D_HID, D_OUT)
    return {"h": h, "edge_index": edge_index, "W0a": W0a, "b0a": b0a, "W0b": W0b, "b0b": b0b, "W1a": W1a, "b1a": b1a, "W1b": W1b, "b1b": b1b}


def _gin_conv(x, src, dst, Wa, ba, Wb, bb):
    # DGL GINConv, sum aggregator, eps=0: rst = (1+eps)*x + sum_{src->dst} x[src]
    msgs = jnp.take(x, src, axis=0)
    agg = jnp.zeros_like(x).at[dst].add(msgs)
    rst = x + agg
    # apply_func: 2-layer MLP, relu inner act, no final act
    hidden = jax.nn.relu(rst @ Wa + ba)
    return hidden @ Wb + bb


def reference(h, edge_index, W0a, b0a, W0b, b0b, W1a, b1a, W1b, b1b):
    src = edge_index[0]
    dst = edge_index[1]
    x = h.T  # [N, D_IN]
    # layer 0 + relu activation (dropout p=0 is identity)
    x = jax.nn.relu(_gin_conv(x, src, dst, W0a, b0a, W0b, b0b))
    # final layer, no l_act
    x = _gin_conv(x, src, dst, W1a, b1a, W1b, b1b)
    return x.T  # [D_OUT, N]

if __name__ == "__main__":
    import jax
    _d = setup_inputs()
    print(jax.jit(kernel)(*tuple(_d.values())))

</pallas_src>

<mosaic_0001>
#map = affine_map<(d0, d1) -> (0, 0)>
#map1 = affine_map<(d0, d1) -> (0)>
module attributes {stable_mosaic.version = 14 : i64} {
  func.func @sc_agg(%arg0: i32, %arg1: i32, %arg2: memref<10000x128xf32, #tpu.memory_space<hbm>>, %arg3: memref<327680xi32, #tpu.memory_space<hbm>>, %arg4: memref<5120x64xi32, #tpu.memory_space<hbm>>, %arg5: memref<632x128xf32, #tpu.memory_space<hbm>>, %arg6: memref<20224x128xf32, #tpu.memory_space<hbm>>, %arg7: memref<10240xi32, #tpu.memory_space<vmem>>, %arg8: memref<8x64xi32, #tpu.memory_space<vmem>>, %arg9: memref<8x64xi32, #tpu.memory_space<vmem>>, %arg10: memref<64x128xf32, #tpu.memory_space<vmem>>, %arg11: memref<64x128xf32, #tpu.memory_space<vmem>>, %arg12: memref<64x128xf32, #tpu.memory_space<vmem>>, %arg13: memref<64x128xf32, #tpu.memory_space<vmem>>, %arg14: memref<10112x128xf32, #tpu.memory_space<vmem_shared>>, %arg15: memref<!tpu.dma_semaphore, #tpu.memory_space<semaphore_mem>>, %arg16: memref<!tpu.dma_semaphore, #tpu.memory_space<semaphore_mem>>, %arg17: memref<!tpu.dma_semaphore, #tpu.memory_space<semaphore_mem>>, %arg18: memref<!tpu.dma_semaphore, #tpu.memory_space<semaphore_mem>>, %arg19: memref<!tpu.dma_semaphore, #tpu.memory_space<semaphore_mem>>, %arg20: memref<!tpu.dma_semaphore, #tpu.memory_space<semaphore_mem>>) attributes {dimension_semantics = [#tpu.dimension_semantics<core_parallel>, #tpu.dimension_semantics<subcore_parallel>], iteration_bounds = array<i64: 2, 16>, scalar_prefetch = 0 : i64, scratch_operands = 14 : i64, tpu.core_type = #tpu.core_type<sc_vector_subcore>, window_params = [{transform_indices = #map}, {transform_indices = #map1}, {transform_indices = #map}, {transform_indices = #map}, {transform_indices = #map}]} {
    %mul3A = arith.constant 16 : i32
    %mul3A_0 = arith.muli %arg0, %mul3A : i32
    %add3A = arith.addi %mul3A_0, %arg1 : i32
    %mul3A_1 = arith.constant 160 : i32
    %mul3A_2 = arith.muli %add3A, %mul3A_1 : i32
    %eq3A = arith.constant 1 : i32
    %eq3A_3 = arith.cmpi eq, %arg0, %eq3A : i32
    %convert_element_type3A = arith.extui %eq3A_3 : i1 to i32
    %cond3A = arith.constant 0 : i32
    %cond3A_4 = arith.cmpi ne, %convert_element_type3A, %cond3A : i32
    scf.if %cond3A_4 {
      %mul3A_69 = arith.constant 632 : i32
      %mul3A_70 = arith.muli %arg1, %mul3A_69 : i32
      %dma_start3A_71 = arith.constant 0 : i32
      %dma_start3A_72 = tpu.memref_slice %arg14[%mul3A_70, %dma_start3A_71] : memref<10112x128xf32, #tpu.memory_space<vmem_shared>> -> memref<632x128xf32, #tpu.memory_space<vmem_shared>>
      tpu.enqueue_dma source(%arg5 : memref<632x128xf32, #tpu.memory_space<hbm>>) target(%dma_start3A_72 : memref<632x128xf32, #tpu.memory_space<vmem_shared>>) target_semaphore(%arg19 : memref<!tpu.dma_semaphore, #tpu.memory_space<semaphore_mem>>)
    } else {
    }
    %eq3A_5 = arith.constant 0 : i32
    %eq3A_6 = arith.cmpi eq, %arg0, %eq3A_5 : i32
    %lt3A = arith.constant 15 : i32
    %lt3A_7 = arith.cmpi slt, %arg1, %lt3A : i32
    %and3A = arith.andi %eq3A_6, %lt3A_7 : i1
    %convert_element_type3A_8 = arith.extui %and3A : i1 to i32
    %cond3A_9 = arith.constant 0 : i32
    %cond3A_10 = arith.cmpi ne, %convert_element_type3A_8, %cond3A_9 : i32
    scf.if %cond3A_10 {
      %mul3A_69 = arith.constant 632 : i32
      %mul3A_70 = arith.muli %arg1, %mul3A_69 : i32
      %mul3A_71 = arith.constant 632 : i32
      %mul3A_72 = arith.muli %arg1, %mul3A_71 : i32
      %dma_start3A_73 = arith.constant 0 : i32
      %dma_start3A_74 = tpu.memref_slice %arg14[%mul3A_72, %dma_start3A_73] : memref<10112x128xf32, #tpu.memory_space<vmem_shared>> -> memref<632x128xf32, #tpu.memory_space<vmem_shared>>
      %dma_start3A_75 = arith.constant 0 : i32
      %dma_start3A_76 = tpu.memref_slice %arg2[%mul3A_70, %dma_start3A_75] : memref<10000x128xf32, #tpu.memory_space<hbm>> -> memref<632x128xf32, #tpu.memory_space<hbm>>
      tpu.enqueue_dma source(%dma_start3A_76 : memref<632x128xf32, #tpu.memory_space<hbm>>) target(%dma_start3A_74 : memref<632x128xf32, #tpu.memory_space<vmem_shared>>) target_semaphore(%arg19 : memref<!tpu.dma_semaphore, #tpu.memory_space<semaphore_mem>>)
    } else {
    }
    %eq3A_11 = arith.constant 0 : i32
    %eq3A_12 = arith.cmpi eq, %arg0, %eq3A_11 : i32
    %eq3A_13 = arith.constant 15 : i32
    %eq3A_14 = arith.cmpi eq, %arg1, %eq3A_13 : i32
    %and3A_15 = arith.andi %eq3A_12, %eq3A_14 : i1
    %convert_element_type3A_16 = arith.extui %and3A_15 : i1 to i32
    %cond3A_17 = arith.constant 0 : i32
    %cond3A_18 = arith.cmpi ne, %convert_element_type3A_16, %cond3A_17 : i32
    scf.if %cond3A_18 {
      %dma_start3A_69 = arith.constant 9480 : i32
      %dma_start3A_70 = arith.constant 0 : i32
      %dma_start3A_71 = tpu.memref_slice %arg14[%dma_start3A_69, %dma_start3A_70] : memref<10112x128xf32, #tpu.memory_space<vmem_shared>> -> memref<520x128xf32, #tpu.memory_space<vmem_shared>>
      %dma_start3A_72 = arith.constant 9480 : i32
      %dma_start3A_73 = arith.constant 0 : i32
      %dma_start3A_74 = tpu.memref_slice %arg2[%dma_start3A_72, %dma_start3A_73] : memref<10000x128xf32, #tpu.memory_space<hbm>> -> memref<520x128xf32, #tpu.memory_space<hbm>>
      tpu.enqueue_dma source(%dma_start3A_74 : memref<520x128xf32, #tpu.memory_space<hbm>>) target(%dma_start3A_71 : memref<520x128xf32, #tpu.memory_space<vmem_shared>>) target_semaphore(%arg19 : memref<!tpu.dma_semaphore, #tpu.memory_space<semaphore_mem>>)
      "tpu.region"() ({
        %run_scoped3A = tpu.sem_alloc : memref<!tpu.dma_semaphore, #tpu.memory_space<semaphore_mem>>
        %dma_start3A_75 = arith.constant 10000 : i32
        %dma_start3A_76 = arith.constant 0 : i32
        %dma_start3A_77 = tpu.memref_slice %arg14[%dma_start3A_75, %dma_start3A_76] : memref<10112x128xf32, #tpu.memory_space<vmem_shared>> -> memref<112x128xf32, #tpu.memory_space<vmem_shared>>
        %dma_start3A_78 = arith.constant 0 : i32
        %dma_start3A_79 = arith.constant 0 : i32
        %dma_start3A_80 = tpu.memref_slice %arg5[%dma_start3A_78, %dma_start3A_79] : memref<632x128xf32, #tpu.memory_space<hbm>> -> memref<112x128xf32, #tpu.memory_space<hbm>>
        tpu.enqueue_dma source(%dma_start3A_80 : memref<112x128xf32, #tpu.memory_space<hbm>>) target(%dma_start3A_77 : memref<112x128xf32, #tpu.memory_space<vmem_shared>>) target_semaphore(%run_scoped3A : memref<!tpu.dma_semaphore, #tpu.memory_space<semaphore_mem>>)
        %dma_wait3A = arith.constant 10000 : i32
        %dma_wait3A_81 = arith.constant 0 : i32
        %dma_wait3A_82 = tpu.memref_slice %arg14[%dma_wait3A, %dma_wait3A_81] : memref<10112x128xf32, #tpu.memory_space<vmem_shared>> -> memref<112x128xf32, #tpu.memory_space<vmem_shared>>
        %dma_wait3A_83 = arith.constant 0 : i32
        %dma_wait3A_84 = arith.constant 0 : i32
        %dma_wait3A_85 = tpu.memref_slice %arg5[%dma_wait3A_83, %dma_wait3A_84] : memref<632x128xf32, #tpu.memory_space<hbm>> -> memref<112x128xf32, #tpu.memory_space<hbm>>
        tpu.wait_dma2 semaphore(%run_scoped3A : memref<!tpu.dma_semaphore, #tpu.memory_space<semaphore_mem>>) src(%dma_wait3A_85 : memref<112x128xf32, #tpu.memory_space<hbm>>) dst(%dma_wait3A_82 : memref<112x128xf32, #tpu.memory_space<vmem_shared>>)
        tpu.yield
      }) : () -> ()
    } else {
    }
    %mul3A_19 = arith.constant 10240 : i32
    %mul3A_20 = arith.muli %add3A, %mul3A_19 : i32
    "tpu.region"() ({
      %run_scoped3A = tpu.sem_alloc : memref<!tpu.dma_semaphore, #tpu.memory_space<semaphore_mem>>
      %dma_start3A_69 = tpu.memref_slice %arg3[%mul3A_20] : memref<327680xi32, #tpu.memory_space<hbm>> -> memref<10240xi32, #tpu.memory_space<hbm>>
      %dma_start3A_70 = tpu.memref_slice %arg3[%mul3A_20] : memref<327680xi32, #tpu.memory_space<hbm>> -> memref<10240xi32, #tpu.memory_space<hbm>>
      tpu.enqueue_dma source(%dma_start3A_70 : memref<10240xi32, #tpu.memory_space<hbm>>) target(%arg7 : memref<10240xi32, #tpu.memory_space<vmem>>) target_semaphore(%run_scoped3A : memref<!tpu.dma_semaphore, #tpu.memory_space<semaphore_mem>>)
      %dma_wait3A = tpu.memref_slice %arg3[%mul3A_20] : memref<327680xi32, #tpu.memory_space<hbm>> -> memref<10240xi32, #tpu.memory_space<hbm>>
      %dma_wait3A_71 = tpu.memref_slice %arg3[%mul3A_20] : memref<327680xi32, #tpu.memory_space<hbm>> -> memref<10240xi32, #tpu.memory_space<hbm>>
      tpu.wait_dma2 semaphore(%run_scoped3A : memref<!tpu.dma_semaphore, #tpu.memory_space<semaphore_mem>>) src(%dma_wait3A_71 : memref<10240xi32, #tpu.memory_space<hbm>>) dst(%arg7 : memref<10240xi32, #tpu.memory_space<vmem>>)
      tpu.yield
    }) : () -> ()
    "tpu.region"() ({
      %run_scoped3A = tpu.sem_alloc : memref<!tpu.dma_semaphore, #tpu.memory_space<semaphore_mem>>
      %dma_start3A_69 = arith.constant 0 : i32
      %dma_start3A_70 = tpu.memref_slice %arg4[%mul3A_2, %dma_start3A_69] : memref<5120x64xi32, #tpu.memory_space<hbm>> -> memref<8x64xi32, #tpu.memory_space<hbm>>
      %dma_start3A_71 = arith.constant 0 : i32
      %dma_start3A_72 = tpu.memref_slice %arg4[%mul3A_2, %dma_start3A_71] : memref<5120x64xi32, #tpu.memory_space<hbm>> -> memref<8x64xi32, #tpu.memory_space<hbm>>
      tpu.enqueue_dma source(%dma_start3A_72 : memref<8x64xi32, #tpu.memory_space<hbm>>) target(%arg8 : memref<8x64xi32, #tpu.memory_space<vmem>>) target_semaphore(%run_scoped3A : memref<!tpu.dma_semaphore, #tpu.memory_space<semaphore_mem>>)
      %dma_wait3A = arith.constant 0 : i32
      %dma_wait3A_73 = tpu.memref_slice %arg4[%mul3A_2, %dma_wait3A] : memref<5120x64xi32, #tpu.memory_space<hbm>> -> memref<8x64xi32, #tpu.memory_space<hbm>>
      %dma_wait3A_74 = arith.constant 0 : i32
      %dma_wait3A_75 = tpu.memref_slice %arg4[%mul3A_2, %dma_wait3A_74] : memref<5120x64xi32, #tpu.memory_space<hbm>> -> memref<8x64xi32, #tpu.memory_space<hbm>>
      tpu.wait_dma2 semaphore(%run_scoped3A : memref<!tpu.dma_semaphore, #tpu.memory_space<semaphore_mem>>) src(%dma_wait3A_75 : memref<8x64xi32, #tpu.memory_space<hbm>>) dst(%arg8 : memref<8x64xi32, #tpu.memory_space<vmem>>)
      tpu.yield
    }) : () -> ()
    %add3A_21 = arith.constant 8 : i32
    %add3A_22 = arith.addi %mul3A_2, %add3A_21 : i32
    %dma_start3A = arith.constant 0 : i32
    %dma_start3A_23 = tpu.memref_slice %arg4[%add3A_22, %dma_start3A] : memref<5120x64xi32, #tpu.memory_space<hbm>> -> memref<8x64xi32, #tpu.memory_space<hbm>>
    %dma_start3A_24 = arith.constant 0 : i32
    %dma_start3A_25 = tpu.memref_slice %arg4[%add3A_22, %dma_start3A_24] : memref<5120x64xi32, #tpu.memory_space<hbm>> -> memref<8x64xi32, #tpu.memory_space<hbm>>
    tpu.enqueue_dma source(%dma_start3A_25 : memref<8x64xi32, #tpu.memory_space<hbm>>) target(%arg9 : memref<8x64xi32, #tpu.memory_space<vmem>>) target_semaphore(%arg20 : memref<!tpu.dma_semaphore, #tpu.memory_space<semaphore_mem>>)
    %dma_start3A_26 = arith.constant 0 : i32
    %dma_start3A_27 = tpu.memref_slice %arg7[%dma_start3A_26] : memref<10240xi32, #tpu.memory_space<vmem>> -> memref<64xi32, #tpu.memory_space<vmem>>
    %dma_start3A_28 = arith.constant 0 : i32
    %dma_start3A_29 = arith.constant 0 : i32
    %dma_start3A_30 = tpu.memref_slice %arg2[%dma_start3A_28, %dma_start3A_29] : memref<10000x128xf32, #tpu.memory_space<hbm>> -> memref<10000x128xf32, #tpu.memory_space<hbm>>
    tpu.enqueue_indirect_dma source(%dma_start3A_30 : memref<10000x128xf32, #tpu.memory_space<hbm>>) target(%arg10 : memref<64x128xf32, #tpu.memory_space<vmem>>) offsets(%dma_start3A_27 : memref<64xi32, #tpu.memory_space<vmem>>) semaphore(%arg15 : memref<!tpu.dma_semaphore, #tpu.memory_space<semaphore_mem>>)
    %dma_start3A_31 = arith.constant 64 : i32
    %dma_start3A_32 = tpu.memref_slice %arg7[%dma_start3A_31] : memref<10240xi32, #tpu.memory_space<vmem>> -> memref<64xi32, #tpu.memory_space<vmem>>
    %dma_start3A_33 = arith.constant 0 : i32
    %dma_start3A_34 = arith.constant 0 : i32
    %dma_start3A_35 = tpu.memref_slice %arg2[%dma_start3A_33, %dma_start3A_34] : memref<10000x128xf32, #tpu.memory_space<hbm>> -> memref<10000x128xf32, #tpu.memory_space<hbm>>
    tpu.enqueue_indirect_dma source(%dma_start3A_35 : memref<10000x128xf32, #tpu.memory_space<hbm>>) target(%arg11 : memref<64x128xf32, #tpu.memory_space<vmem>>) offsets(%dma_start3A_32 : memref<64xi32, #tpu.memory_space<vmem>>) semaphore(%arg16 : memref<!tpu.dma_semaphore, #tpu.memory_space<semaphore_mem>>)
    %dma_start3A_36 = arith.constant 128 : i32
    %dma_start3A_37 = tpu.memref_slice %arg7[%dma_start3A_36] : memref<10240xi32, #tpu.memory_space<vmem>> -> memref<64xi32, #tpu.memory_space<vmem>>
    %dma_start3A_38 = arith.constant 0 : i32
    %dma_start3A_39 = arith.constant 0 : i32
    %dma_start3A_40 = tpu.memref_slice %arg2[%dma_start3A_38, %dma_start3A_39] : memref<10000x128xf32, #tpu.memory_space<hbm>> -> memref<10000x128xf32, #tpu.memory_space<hbm>>
    tpu.enqueue_indirect_dma source(%dma_start3A_40 : memref<10000x128xf32, #tpu.memory_space<hbm>>) target(%arg12 : memref<64x128xf32, #tpu.memory_space<vmem>>) offsets(%dma_start3A_37 : memref<64xi32, #tpu.memory_space<vmem>>) semaphore(%arg17 : memref<!tpu.dma_semaphore, #tpu.memory_space<semaphore_mem>>)
    %eq3A_41 = arith.constant 1 : i32
    %eq3A_42 = arith.cmpi eq, %arg0, %eq3A_41 : i32
    %lt3A_43 = arith.constant 15 : i32
    %lt3A_44 = arith.cmpi slt, %arg1, %lt3A_43 : i32
    %or3A = arith.ori %eq3A_42, %lt3A_44 : i1
    %convert_element_type3A_45 = arith.extui %or3A : i1 to i32
    %cond3A_46 = arith.constant 0 : i32
    %cond3A_47 = arith.cmpi ne, %convert_element_type3A_45, %cond3A_46 : i32
    scf.if %cond3A_47 {
      %mul3A_69 = arith.constant 632 : i32
      %mul3A_70 = arith.muli %arg1, %mul3A_69 : i32
      %dma_wait3A = arith.constant 0 : i32
      %dma_wait3A_71 = tpu.memref_slice %arg14[%mul3A_70, %dma_wait3A] : memref<10112x128xf32, #tpu.memory_space<vmem_shared>> -> memref<632x128xf32, #tpu.memory_space<vmem_shared>>
      tpu.wait_dma2 semaphore(%arg19 : memref<!tpu.dma_semaphore, #tpu.memory_space<semaphore_mem>>) src(%arg5 : memref<632x128xf32, #tpu.memory_space<hbm>>) dst(%dma_wait3A_71 : memref<632x128xf32, #tpu.memory_space<vmem_shared>>)
    } else {
    }
    %eq3A_48 = arith.constant 0 : i32
    %eq3A_49 = arith.cmpi eq, %arg0, %eq3A_48 : i32
    %eq3A_50 = arith.constant 15 : i32
    %eq3A_51 = arith.cmpi eq, %arg1, %eq3A_50 : i32
    %and3A_52 = arith.andi %eq3A_49, %eq3A_51 : i1
    %convert_element_type3A_53 = arith.extui %and3A_52 : i1 to i32
    %cond3A_54 = arith.constant 0 : i32
    %cond3A_55 = arith.cmpi ne, %convert_element_type3A_53, %cond3A_54 : i32
    scf.if %cond3A_55 {
      %dma_wait3A = arith.constant 9480 : i32
      %dma_wait3A_69 = arith.constant 0 : i32
      %dma_wait3A_70 = tpu.memref_slice %arg14[%dma_wait3A, %dma_wait3A_69] : memref<10112x128xf32, #tpu.memory_space<vmem_shared>> -> memref<520x128xf32, #tpu.memory_space<vmem_shared>>
      %dma_wait3A_71 = arith.constant 9480 : i32
      %dma_wait3A_72 = arith.constant 0 : i32
      %dma_wait3A_73 = tpu.memref_slice %arg2[%dma_wait3A_71, %dma_wait3A_72] : memref<10000x128xf32, #tpu.memory_space<hbm>> -> memref<520x128xf32, #tpu.memory_space<hbm>>
      tpu.wait_dma2 semaphore(%arg19 : memref<!tpu.dma_semaphore, #tpu.memory_space<semaphore_mem>>) src(%dma_wait3A_73 : memref<520x128xf32, #tpu.memory_space<hbm>>) dst(%dma_wait3A_70 : memref<520x128xf32, #tpu.memory_space<vmem_shared>>)
    } else {
    }
    %barrier3A = arith.constant 0 : index
    tpu.barrier barrier_id(%barrier3A)
    %scan3A = arith.constant 0 : i32
    %scan3A_56 = arith.constant 0 : i32
    %scan3A_57 = arith.constant 10 : i32
    %scan3A_58 = arith.addi %scan3A_56, %scan3A_57 : i32
    %scan3A_59 = arith.constant 1 : i32
    scf.for %scan3A_69 = %scan3A_56 to %scan3A_58 step %scan3A_59  : i32 {
      %mul3A_70 = arith.constant 2 : i32
      %mul3A_71 = arith.muli %scan3A_69, %mul3A_70 : i32
      %mul3A_72 = arith.constant 8 : i32
      %mul3A_73 = arith.muli %mul3A_71, %mul3A_72 : i32
      %gt3A = arith.constant 0 : i32
      %gt3A_74 = arith.cmpi sgt, %scan3A_69, %gt3A : i32
      %convert_element_type3A_75 = arith.extui %gt3A_74 : i1 to i32
      %cond3A_76 = arith.constant 0 : i32
      %cond3A_77 = arith.cmpi ne, %convert_element_type3A_75, %cond3A_76 : i32
      scf.if %cond3A_77 {
        %dma_wait3A_329 = arith.constant 0 : i32
        %dma_wait3A_330 = tpu.memref_slice %arg4[%mul3A_2, %dma_wait3A_329] : memref<5120x64xi32, #tpu.memory_space<hbm>> -> memref<8x64xi32, #tpu.memory_space<hbm>>
        %dma_wait3A_331 = arith.constant 0 : i32
        %dma_wait3A_332 = tpu.memref_slice %arg4[%mul3A_2, %dma_wait3A_331] : memref<5120x64xi32, #tpu.memory_space<hbm>> -> memref<8x64xi32, #tpu.memory_space<hbm>>
        tpu.wait_dma2 semaphore(%arg19 : memref<!tpu.dma_semaphore, #tpu.memory_space<semaphore_mem>>) src(%dma_wait3A_332 : memref<8x64xi32, #tpu.memory_space<hbm>>) dst(%arg8 : memref<8x64xi32, #tpu.memory_space<vmem>>)
      } else {
      }
      %dma_wait3A = arith.constant 0 : i32
      %dma_wait3A_78 = tpu.memref_slice %arg7[%dma_wait3A] : memref<10240xi32, #tpu.memory_space<vmem>> -> memref<64xi32, #tpu.memory_space<vmem>>
      %dma_wait3A_79 = arith.constant 0 : i32
      %dma_wait3A_80 = arith.constant 0 : i32
      %dma_wait3A_81 = tpu.memref_slice %arg2[%dma_wait3A_79, %dma_wait3A_80] : memref<10000x128xf32, #tpu.memory_space<hbm>> -> memref<10000x128xf32, #tpu.memory_space<hbm>>
      tpu.wait_indirect_dma semaphore(%arg15 : memref<!tpu.dma_semaphore, #tpu.memory_space<semaphore_mem>>) src(%dma_wait3A_81 : memref<10000x128xf32, #tpu.memory_space<hbm>>) dst(%arg10 : memref<64x128xf32, #tpu.memory_space<vmem>>)
      %add3A_82 = arith.constant 3 : i32
      %add3A_83 = arith.addi %mul3A_73, %add3A_82 : i32
      %mul3A_84 = arith.constant 64 : i32
      %mul3A_85 = arith.muli %add3A_83, %mul3A_84 : i32
      %dma_start3A_86 = tpu.memref_slice %arg7[%mul3A_85] : memref<10240xi32, #tpu.memory_space<vmem>> -> memref<64xi32, #tpu.memory_space<vmem>>
      %dma_start3A_87 = arith.constant 0 : i32
      %dma_start3A_88 = arith.constant 0 : i32
      %dma_start3A_89 = tpu.memref_slice %arg2[%dma_start3A_87, %dma_start3A_88] : memref<10000x128xf32, #tpu.memory_space<hbm>> -> memref<10000x128xf32, #tpu.memory_space<hbm>>
      tpu.enqueue_indirect_dma source(%dma_start3A_89 : memref<10000x128xf32, #tpu.memory_space<hbm>>) target(%arg13 : memref<64x128xf32, #tpu.memory_space<vmem>>) offsets(%dma_start3A_86 : memref<64xi32, #tpu.memory_space<vmem>>) semaphore(%arg18 : memref<!tpu.dma_semaphore, #tpu.memory_space<semaphore_mem>>)
      %run_scoped3A = arith.constant 0 : i32
      "tpu.region"() ({
        %run_scoped3A_329 = tpu.sem_alloc : memref<!tpu.dma_semaphore, #tpu.memory_space<semaphore_mem>>
        %dma_start3A_330 = arith.constant 0 : i32
        %dma_start3A_331 = tpu.memref_slice %arg8[%run_scoped3A, %dma_start3A_330] : memref<8x64xi32, #tpu.memory_space<vmem>> -> memref<1x64xi32, #tpu.memory_space<vmem>>
        %dma_start3A_332 = tpu.memref_squeeze %dma_start3A_331 : memref<1x64xi32, #tpu.memory_space<vmem>> -> memref<64xi32, #tpu.memory_space<vmem>>
        %dma_start3A_333 = arith.constant 0 : i32
        %dma_start3A_334 = arith.constant 0 : i32
        %dma_start3A_335 = tpu.memref_slice %arg14[%dma_start3A_333, %dma_start3A_334] : memref<10112x128xf32, #tpu.memory_space<vmem_shared>> -> memref<10112x128xf32, #tpu.memory_space<vmem_shared>>
        tpu.enqueue_indirect_dma source(%arg10 : memref<64x128xf32, #tpu.memory_space<vmem>>) target(%dma_start3A_335 : memref<10112x128xf32, #tpu.memory_space<vmem_shared>>) offsets(%dma_start3A_332 : memref<64xi32, #tpu.memory_space<vmem>>) semaphore(%run_scoped3A_329 : memref<!tpu.dma_semaphore, #tpu.memory_space<semaphore_mem>>) {add = true}
        %dma_wait3A_336 = arith.constant 0 : i32
        %dma_wait3A_337 = tpu.memref_slice %arg8[%run_scoped3A, %dma_wait3A_336] : memref<8x64xi32, #tpu.memory_space<vmem>> -> memref<1x64xi32, #tpu.memory_space<vmem>>
        %dma_wait3A_338 = tpu.memref_squeeze %dma_wait3A_337 : memref<1x64xi32, #tpu.memory_space<vmem>> -> memref<64xi32, #tpu.memory_space<vmem>>
        %dma_wait3A_339 = arith.constant 0 : i32
        %dma_wait3A_340 = arith.constant 0 : i32
        %dma_wait3A_341 = tpu.memref_slice %arg14[%dma_wait3A_339, %dma_wait3A_340] : memref<10112x128xf32, #tpu.memory_space<vmem_shared>> -> memref<10112x128xf32, #tpu.memory_space<vmem_shared>>
        tpu.wait_indirect_dma semaphore(%run_scoped3A_329 : memref<!tpu.dma_semaphore, #tpu.memory_space<semaphore_mem>>) src(%arg10 : memref<64x128xf32, #tpu.memory_space<vmem>>) dst(%dma_wait3A_341 : memref<10112x128xf32, #tpu.memory_space<vmem_shared>>)
        tpu.yield
      }) : () -> ()
      %dma_wait3A_90 = arith.constant 0 : i32
      %dma_wait3A_91 = tpu.memref_slice %arg7[%dma_wait3A_90] : memref<10240xi32, #tpu.memory_space<vmem>> -> memref<64xi32, #tpu.memory_space<vmem>>
      %dma_wait3A_92 = arith.constant 0 : i32
      %dma_wait3A_93 = arith.constant 0 : i32
      %dma_wait3A_94 = tpu.memref_slice %arg2[%dma_wait3A_92, %dma_wait3A_93] : memref<10000x128xf32, #tpu.memory_space<hbm>> -> memref<10000x128xf32, #tpu.memory_space<hbm>>
      tpu.wait_indirect_dma semaphore(%arg16 : memref<!tpu.dma_semaphore, #tpu.memory_space<semaphore_mem>>) src(%dma_wait3A_94 : memref<10000x128xf32, #tpu.memory_space<hbm>>) dst(%arg11 : memref<64x128xf32, #tpu.memory_space<vmem>>)
      %add3A_95 = arith.constant 4 : i32
      %add3A_96 = arith.addi %mul3A_73, %add3A_95 : i32
      %mul3A_97 = arith.constant 64 : i32
      %mul3A_98 = arith.muli %add3A_96, %mul3A_97 : i32
      %dma_start3A_99 = tpu.memref_slice %arg7[%mul3A_98] : memref<10240xi32, #tpu.memory_space<vmem>> -> memref<64xi32, #tpu.memory_space<vmem>>
      %dma_start3A_100 = arith.constant 0 : i32
      %dma_start3A_101 = arith.constant 0 : i32
      %dma_start3A_102 = tpu.memref_slice %arg2[%dma_start3A_100, %dma_start3A_101] : memref<10000x128xf32, #tpu.memory_space<hbm>> -> memref<10000x128xf32, #tpu.memory_space<hbm>>
      tpu.enqueue_indirect_dma source(%dma_start3A_102 : memref<10000x128xf32, #tpu.memory_space<hbm>>) target(%arg10 : memref<64x128xf32, #tpu.memory_space<vmem>>) offsets(%dma_start3A_99 : memref<64xi32, #tpu.memory_space<vmem>>) semaphore(%arg15 : memref<!tpu.dma_semaphore, #tpu.memory_space<semaphore_mem>>)
      %run_scoped3A_103 = arith.constant 1 : i32
      "tpu.region"() ({
        %run_scoped3A_329 = tpu.sem_alloc : memref<!tpu.dma_semaphore, #tpu.memory_space<semaphore_mem>>
        %dma_start3A_330 = arith.constant 0 : i32
        %dma_start3A_331 = tpu.memref_slice %arg8[%run_scoped3A_103, %dma_start3A_330] : memref<8x64xi32, #tpu.memory_space<vmem>> -> memref<1x64xi32, #tpu.memory_space<vmem>>
        %dma_start3A_332 = tpu.memref_squeeze %dma_start3A_331 : memref<1x64xi32, #tpu.memory_space<vmem>> -> memref<64xi32, #tpu.memory_space<vmem>>
        %dma_start3A_333 = arith.constant 0 : i32
        %dma_start3A_334 = arith.constant 0 : i32
        %dma_start3A_335 = tpu.memref_slice %arg14[%dma_start3A_333, %dma_start3A_334] : memref<10112x128xf32, #tpu.memory_space<vmem_shared>> -> memref<10112x128xf32, #tpu.memory_space<vmem_shared>>
        tpu.enqueue_indirect_dma source(%arg11 : memref<64x128xf32, #tpu.memory_space<vmem>>) target(%dma_start3A_335 : memref<10112x128xf32, #tpu.memory_space<vmem_shared>>) offsets(%dma_start3A_332 : memref<64xi32, #tpu.memory_space<vmem>>) semaphore(%run_scoped3A_329 : memref<!tpu.dma_semaphore, #tpu.memory_space<semaphore_mem>>) {add = true}
        %dma_wait3A_336 = arith.constant 0 : i32
        %dma_wait3A_337 = tpu.memref_slice %arg8[%run_scoped3A_103, %dma_wait3A_336] : memref<8x64xi32, #tpu.memory_space<vmem>> -> memref<1x64xi32, #tpu.memory_space<vmem>>
        %dma_wait3A_338 = tpu.memref_squeeze %dma_wait3A_337 : memref<1x64xi32, #tpu.memory_space<vmem>> -> memref<64xi32, #tpu.memory_space<vmem>>
        %dma_wait3A_339 = arith.constant 0 : i32
        %dma_wait3A_340 = arith.constant 0 : i32
        %dma_wait3A_341 = tpu.memref_slice %arg14[%dma_wait3A_339, %dma_wait3A_340] : memref<10112x128xf32, #tpu.memory_space<vmem_shared>> -> memref<10112x128xf32, #tpu.memory_space<vmem_shared>>
        tpu.wait_indirect_dma semaphore(%run_scoped3A_329 : memref<!tpu.dma_semaphore, #tpu.memory_space<semaphore_mem>>) src(%arg11 : memref<64x128xf32, #tpu.memory_space<vmem>>) dst(%dma_wait3A_341 : memref<10112x128xf32, #tpu.memory_space<vmem_shared>>)
        tpu.yield
      }) : () -> ()
      %dma_wait3A_104 = arith.constant 0 : i32
      %dma_wait3A_105 = tpu.memref_slice %arg7[%dma_wait3A_104] : memref<10240xi32, #tpu.memory_space<vmem>> -> memref<64xi32, #tpu.memory_space<vmem>>
      %dma_wait3A_106 = arith.constant 0 : i32
      %dma_wait3A_107 = arith.constant 0 : i32
      %dma_wait3A_108 = tpu.memref_slice %arg2[%dma_wait3A_106, %dma_wait3A_107] : memref<10000x128xf32, #tpu.memory_space<hbm>> -> memref<10000x128xf32, #tpu.memory_space<hbm>>
      tpu.wait_indirect_dma semaphore(%arg17 : memref<!tpu.dma_semaphore, #tpu.memory_space<semaphore_mem>>) src(%dma_wait3A_108 : memref<10000x128xf32, #tpu.memory_space<hbm>>) dst(%arg12 : memref<64x128xf32, #tpu.memory_space<vmem>>)
      %add3A_109 = arith.constant 5 : i32
      %add3A_110 = arith.addi %mul3A_73, %add3A_109 : i32
      %mul3A_111 = arith.constant 64 : i32
      %mul3A_112 = arith.muli %add3A_110, %mul3A_111 : i32
      %dma_start3A_113 = tpu.memref_slice %arg7[%mul3A_112] : memref<10240xi32, #tpu.memory_space<vmem>> -> memref<64xi32, #tpu.memory_space<vmem>>
      %dma_start3A_114 = arith.constant 0 : i32
      %dma_start3A_115 = arith.constant 0 : i32
      %dma_start3A_116 = tpu.memref_slice %arg2[%dma_start3A_114, %dma_start3A_115] : memref<10000x128xf32, #tpu.memory_space<hbm>> -> memref<10000x128xf32, #tpu.memory_space<hbm>>
      tpu.enqueue_indirect_dma source(%dma_start3A_116 : memref<10000x128xf32, #tpu.memory_space<hbm>>) target(%arg11 : memref<64x128xf32, #tpu.memory_space<vmem>>) offsets(%dma_start3A_113 : memref<64xi32, #tpu.memory_space<vmem>>) semaphore(%arg16 : memref<!tpu.dma_semaphore, #tpu.memory_space<semaphore_mem>>)
      %run_scoped3A_117 = arith.constant 2 : i32
      "tpu.region"() ({
        %run_scoped3A_329 = tpu.sem_alloc : memref<!tpu.dma_semaphore, #tpu.memory_space<semaphore_mem>>
        %dma_start3A_330 = arith.constant 0 : i32
        %dma_start3A_331 = tpu.memref_slice %arg8[%run_scoped3A_117, %dma_start3A_330] : memref<8x64xi32, #tpu.memory_space<vmem>> -> memref<1x64xi32, #tpu.memory_space<vmem>>
        %dma_start3A_332 = tpu.memref_squeeze %dma_start3A_331 : memref<1x64xi32, #tpu.memory_space<vmem>> -> memref<64xi32, #tpu.memory_space<vmem>>
        %dma_start3A_333 = arith.constant 0 : i32
        %dma_start3A_334 = arith.constant 0 : i32
        %dma_start3A_335 = tpu.memref_slice %arg14[%dma_start3A_333, %dma_start3A_334] : memref<10112x128xf32, #tpu.memory_space<vmem_shared>> -> memref<10112x128xf32, #tpu.memory_space<vmem_shared>>
        tpu.enqueue_indirect_dma source(%arg12 : memref<64x128xf32, #tpu.memory_space<vmem>>) target(%dma_start3A_335 : memref<10112x128xf32, #tpu.memory_space<vmem_shared>>) offsets(%dma_start3A_332 : memref<64xi32, #tpu.memory_space<vmem>>) semaphore(%run_scoped3A_329 : memref<!tpu.dma_semaphore, #tpu.memory_space<semaphore_mem>>) {add = true}
        %dma_wait3A_336 = arith.constant 0 : i32
        %dma_wait3A_337 = tpu.memref_slice %arg8[%run_scoped3A_117, %dma_wait3A_336] : memref<8x64xi32, #tpu.memory_space<vmem>> -> memref<1x64xi32, #tpu.memory_space<vmem>>
        %dma_wait3A_338 = tpu.memref_squeeze %dma_wait3A_337 : memref<1x64xi32, #tpu.memory_space<vmem>> -> memref<64xi32, #tpu.memory_space<vmem>>
        %dma_wait3A_339 = arith.constant 0 : i32
        %dma_wait3A_340 = arith.constant 0 : i32
        %dma_wait3A_341 = tpu.memref_slice %arg14[%dma_wait3A_339, %dma_wait3A_340] : memref<10112x128xf32, #tpu.memory_space<vmem_shared>> -> memref<10112x128xf32, #tpu.memory_space<vmem_shared>>
        tpu.wait_indirect_dma semaphore(%run_scoped3A_329 : memref<!tpu.dma_semaphore, #tpu.memory_space<semaphore_mem>>) src(%arg12 : memref<64x128xf32, #tpu.memory_space<vmem>>) dst(%dma_wait3A_341 : memref<10112x128xf32, #tpu.memory_space<vmem_shared>>)
        tpu.yield
      }) : () -> ()
      %dma_wait3A_118 = arith.constant 0 : i32
      %dma_wait3A_119 = tpu.memref_slice %arg7[%dma_wait3A_118] : memref<10240xi32, #tpu.memory_space<vmem>> -> memref<64xi32, #tpu.memory_space<vmem>>
      %dma_wait3A_120 = arith.constant 0 : i32
      %dma_wait3A_121 = arith.constant 0 : i32
      %dma_wait3A_122 = tpu.memref_slice %arg2[%dma_wait3A_120, %dma_wait3A_121] : memref<10000x128xf32, #tpu.memory_space<hbm>> -> memref<10000x128xf32, #tpu.memory_space<hbm>>
      tpu.wait_indirect_dma semaphore(%arg18 : memref<!tpu.dma_semaphore, #tpu.memory_space<semaphore_mem>>) src(%dma_wait3A_122 : memref<10000x128xf32, #tpu.memory_space<hbm>>) dst(%arg13 : memref<64x128xf32, #tpu.memory_space<vmem>>)
      %add3A_123 = arith.constant 6 : i32
      %add3A_124 = arith.addi %mul3A_73, %add3A_123 : i32
      %mul3A_125 = arith.constant 64 : i32
      %mul3A_126 = arith.muli %add3A_124, %mul3A_125 : i32
      %dma_start3A_127 = tpu.memref_slice %arg7[%mul3A_126] : memref<10240xi32, #tpu.memory_space<vmem>> -> memref<64xi32, #tpu.memory_space<vmem>>
      %dma_start3A_128 = arith.constant 0 : i32
      %dma_start3A_129 = arith.constant 0 : i32
      %dma_start3A_130 = tpu.memref_slice %arg2[%dma_start3A_128, %dma_start3A_129] : memref<10000x128xf32, #tpu.memory_space<hbm>> -> memref<10000x128xf32, #tpu.memory_space<hbm>>
      tpu.enqueue_indirect_dma source(%dma_start3A_130 : memref<10000x128xf32, #tpu.memory_space<hbm>>) target(%arg12 : memref<64x128xf32, #tpu.memory_space<vmem>>) offsets(%dma_start3A_127 : memref<64xi32, #tpu.memory_space<vmem>>) semaphore(%arg17 : memref<!tpu.dma_semaphore, #tpu.memory_space<semaphore_mem>>)
      %run_scoped3A_131 = arith.constant 3 : i32
      "tpu.region"() ({
        %run_scoped3A_329 = tpu.sem_alloc : memref<!tpu.dma_semaphore, #tpu.memory_space<semaphore_mem>>
        %dma_start3A_330 = arith.constant 0 : i32
        %dma_start3A_331 = tpu.memref_slice %arg8[%run_scoped3A_131, %dma_start3A_330] : memref<8x64xi32, #tpu.memory_space<vmem>> -> memref<1x64xi32, #tpu.memory_space<vmem>>
        %dma_start3A_332 = tpu.memref_squeeze %dma_start3A_331 : memref<1x64xi32, #tpu.memory_space<vmem>> -> memref<64xi32, #tpu.memory_space<vmem>>
        %dma_start3A_333 = arith.constant 0 : i32
        %dma_start3A_334 = arith.constant 0 : i32
        %dma_start3A_335 = tpu.memref_slice %arg14[%dma_start3A_333, %dma_start3A_334] : memref<10112x128xf32, #tpu.memory_space<vmem_shared>> -> memref<10112x128xf32, #tpu.memory_space<vmem_shared>>
        tpu.enqueue_indirect_dma source(%arg13 : memref<64x128xf32, #tpu.memory_space<vmem>>) target(%dma_start3A_335 : memref<10112x128xf32, #tpu.memory_space<vmem_shared>>) offsets(%dma_start3A_332 : memref<64xi32, #tpu.memory_space<vmem>>) semaphore(%run_scoped3A_329 : memref<!tpu.dma_semaphore, #tpu.memory_space<semaphore_mem>>) {add = true}
        %dma_wait3A_336 = arith.constant 0 : i32
        %dma_wait3A_337 = tpu.memref_slice %arg8[%run_scoped3A_131, %dma_wait3A_336] : memref<8x64xi32, #tpu.memory_space<vmem>> -> memref<1x64xi32, #tpu.memory_space<vmem>>
        %dma_wait3A_338 = tpu.memref_squeeze %dma_wait3A_337 : memref<1x64xi32, #tpu.memory_space<vmem>> -> memref<64xi32, #tpu.memory_space<vmem>>
        %dma_wait3A_339 = arith.constant 0 : i32
        %dma_wait3A_340 = arith.constant 0 : i32
        %dma_wait3A_341 = tpu.memref_slice %arg14[%dma_wait3A_339, %dma_wait3A_340] : memref<10112x128xf32, #tpu.memory_space<vmem_shared>> -> memref<10112x128xf32, #tpu.memory_space<vmem_shared>>
        tpu.wait_indirect_dma semaphore(%run_scoped3A_329 : memref<!tpu.dma_semaphore, #tpu.memory_space<semaphore_mem>>) src(%arg13 : memref<64x128xf32, #tpu.memory_space<vmem>>) dst(%dma_wait3A_341 : memref<10112x128xf32, #tpu.memory_space<vmem_shared>>)
        tpu.yield
      }) : () -> ()
      %dma_wait3A_132 = arith.constant 0 : i32
      %dma_wait3A_133 = tpu.memref_slice %arg7[%dma_wait3A_132] : memref<10240xi32, #tpu.memory_space<vmem>> -> memref<64xi32, #tpu.memory_space<vmem>>
      %dma_wait3A_134 = arith.constant 0 : i32
      %dma_wait3A_135 = arith.constant 0 : i32
      %dma_wait3A_136 = tpu.memref_slice %arg2[%dma_wait3A_134, %dma_wait3A_135] : memref<10000x128xf32, #tpu.memory_space<hbm>> -> memref<10000x128xf32, #tpu.memory_space<hbm>>
      tpu.wait_indirect_dma semaphore(%arg15 : memref<!tpu.dma_semaphore, #tpu.memory_space<semaphore_mem>>) src(%dma_wait3A_136 : memref<10000x128xf32, #tpu.memory_space<hbm>>) dst(%arg10 : memref<64x128xf32, #tpu.memory_space<vmem>>)
      %add3A_137 = arith.constant 7 : i32
      %add3A_138 = arith.addi %mul3A_73, %add3A_137 : i32
      %mul3A_139 = arith.constant 64 : i32
      %mul3A_140 = arith.muli %add3A_138, %mul3A_139 : i32
      %dma_start3A_141 = tpu.memref_slice %arg7[%mul3A_140] : memref<10240xi32, #tpu.memory_space<vmem>> -> memref<64xi32, #tpu.memory_space<vmem>>
      %dma_start3A_142 = arith.constant 0 : i32
      %dma_start3A_143 = arith.constant 0 : i32
      %dma_start3A_144 = tpu.memref_slice %arg2[%dma_start3A_142, %dma_start3A_143] : memref<10000x128xf32, #tpu.memory_space<hbm>> -> memref<10000x128xf32, #tpu.memory_space<hbm>>
      tpu.enqueue_indirect_dma source(%dma_start3A_144 : memref<10000x128xf32, #tpu.memory_space<hbm>>) target(%arg13 : memref<64x128xf32, #tpu.memory_space<vmem>>) offsets(%dma_start3A_141 : memref<64xi32, #tpu.memory_space<vmem>>) semaphore(%arg18 : memref<!tpu.dma_semaphore, #tpu.memory_space<semaphore_mem>>)
      %run_scoped3A_145 = arith.constant 4 : i32
      "tpu.region"() ({
        %run_scoped3A_329 = tpu.sem_alloc : memref<!tpu.dma_semaphore, #tpu.memory_space<semaphore_mem>>
        %dma_start3A_330 = arith.constant 0 : i32
        %dma_start3A_331 = tpu.memref_slice %arg8[%run_scoped3A_145, %dma_start3A_330] : memref<8x64xi32, #tpu.memory_space<vmem>> -> memref<1x64xi32, #tpu.memory_space<vmem>>
        %dma_start3A_332 = tpu.memref_squeeze %dma_start3A_331 : memref<1x64xi32, #tpu.memory_space<vmem>> -> memref<64xi32, #tpu.memory_space<vmem>>
        %dma_start3A_333 = arith.constant 0 : i32
        %dma_start3A_334 = arith.constant 0 : i32
        %dma_start3A_335 = tpu.memref_slice %arg14[%dma_start3A_333, %dma_start3A_334] : memref<10112x128xf32, #tpu.memory_space<vmem_shared>> -> memref<10112x128xf32, #tpu.memory_space<vmem_shared>>
        tpu.enqueue_indirect_dma source(%arg10 : memref<64x128xf32, #tpu.memory_space<vmem>>) target(%dma_start3A_335 : memref<10112x128xf32, #tpu.memory_space<vmem_shared>>) offsets(%dma_start3A_332 : memref<64xi32, #tpu.memory_space<vmem>>) semaphore(%run_scoped3A_329 : memref<!tpu.dma_semaphore, #tpu.memory_space<semaphore_mem>>) {add = true}
        %dma_wait3A_336 = arith.constant 0 : i32
        %dma_wait3A_337 = tpu.memref_slice %arg8[%run_scoped3A_145, %dma_wait3A_336] : memref<8x64xi32, #tpu.memory_space<vmem>> -> memref<1x64xi32, #tpu.memory_space<vmem>>
        %dma_wait3A_338 = tpu.memref_squeeze %dma_wait3A_337 : memref<1x64xi32, #tpu.memory_space<vmem>> -> memref<64xi32, #tpu.memory_space<vmem>>
        %dma_wait3A_339 = arith.constant 0 : i32
        %dma_wait3A_340 = arith.constant 0 : i32
        %dma_wait3A_341 = tpu.memref_slice %arg14[%dma_wait3A_339, %dma_wait3A_340] : memref<10112x128xf32, #tpu.memory_space<vmem_shared>> -> memref<10112x128xf32, #tpu.memory_space<vmem_shared>>
        tpu.wait_indirect_dma semaphore(%run_scoped3A_329 : memref<!tpu.dma_semaphore, #tpu.memory_space<semaphore_mem>>) src(%arg10 : memref<64x128xf32, #tpu.memory_space<vmem>>) dst(%dma_wait3A_341 : memref<10112x128xf32, #tpu.memory_space<vmem_shared>>)
        tpu.yield
      }) : () -> ()
      %dma_wait3A_146 = arith.constant 0 : i32
      %dma_wait3A_147 = tpu.memref_slice %arg7[%dma_wait3A_146] : memref<10240xi32, #tpu.memory_space<vmem>> -> memref<64xi32, #tpu.memory_space<vmem>>
      %dma_wait3A_148 = arith.constant 0 : i32
      %dma_wait3A_149 = arith.constant 0 : i32
      %dma_wait3A_150 = tpu.memref_slice %arg2[%dma_wait3A_148, %dma_wait3A_149] : memref<10000x128xf32, #tpu.memory_space<hbm>> -> memref<10000x128xf32, #tpu.memory_space<hbm>>
      tpu.wait_indirect_dma semaphore(%arg16 : memref<!tpu.dma_semaphore, #tpu.memory_space<semaphore_mem>>) src(%dma_wait3A_150 : memref<10000x128xf32, #tpu.memory_space<hbm>>) dst(%arg11 : memref<64x128xf32, #tpu.memory_space<vmem>>)
      %add3A_151 = arith.constant 8 : i32
      %add3A_152 = arith.addi %mul3A_73, %add3A_151 : i32
      %mul3A_153 = arith.constant 64 : i32
      %mul3A_154 = arith.muli %add3A_152, %mul3A_153 : i32
      %dma_start3A_155 = tpu.memref_slice %arg7[%mul3A_154] : memref<10240xi32, #tpu.memory_space<vmem>> -> memref<64xi32, #tpu.memory_space<vmem>>
      %dma_start3A_156 = arith.constant 0 : i32
      %dma_start3A_157 = arith.constant 0 : i32
      %dma_start3A_158 = tpu.memref_slice %arg2[%dma_start3A_156, %dma_start3A_157] : memref<10000x128xf32, #tpu.memory_space<hbm>> -> memref<10000x128xf32, #tpu.memory_space<hbm>>
      tpu.enqueue_indirect_dma source(%dma_start3A_158 : memref<10000x128xf32, #tpu.memory_space<hbm>>) target(%arg10 : memref<64x128xf32, #tpu.memory_space<vmem>>) offsets(%dma_start3A_155 : memref<64xi32, #tpu.memory_space<vmem>>) semaphore(%arg15 : memref<!tpu.dma_semaphore, #tpu.memory_space<semaphore_mem>>)
      %run_scoped3A_159 = arith.constant 5 : i32
      "tpu.region"() ({
        %run_scoped3A_329 = tpu.sem_alloc : memref<!tpu.dma_semaphore, #tpu.memory_space<semaphore_mem>>
        %dma_start3A_330 = arith.constant 0 : i32
        %dma_start3A_331 = tpu.memref_slice %arg8[%run_scoped3A_159, %dma_start3A_330] : memref<8x64xi32, #tpu.memory_space<vmem>> -> memref<1x64xi32, #tpu.memory_space<vmem>>
        %dma_start3A_332 = tpu.memref_squeeze %dma_start3A_331 : memref<1x64xi32, #tpu.memory_space<vmem>> -> memref<64xi32, #tpu.memory_space<vmem>>
        %dma_start3A_333 = arith.constant 0 : i32
        %dma_start3A_334 = arith.constant 0 : i32
        %dma_start3A_335 = tpu.memref_slice %arg14[%dma_start3A_333, %dma_start3A_334] : memref<10112x128xf32, #tpu.memory_space<vmem_shared>> -> memref<10112x128xf32, #tpu.memory_space<vmem_shared>>
        tpu.enqueue_indirect_dma source(%arg11 : memref<64x128xf32, #tpu.memory_space<vmem>>) target(%dma_start3A_335 : memref<10112x128xf32, #tpu.memory_space<vmem_shared>>) offsets(%dma_start3A_332 : memref<64xi32, #tpu.memory_space<vmem>>) semaphore(%run_scoped3A_329 : memref<!tpu.dma_semaphore, #tpu.memory_space<semaphore_mem>>) {add = true}
        %dma_wait3A_336 = arith.constant 0 : i32
        %dma_wait3A_337 = tpu.memref_slice %arg8[%run_scoped3A_159, %dma_wait3A_336] : memref<8x64xi32, #tpu.memory_space<vmem>> -> memref<1x64xi32, #tpu.memory_space<vmem>>
        %dma_wait3A_338 = tpu.memref_squeeze %dma_wait3A_337 : memref<1x64xi32, #tpu.memory_space<vmem>> -> memref<64xi32, #tpu.memory_space<vmem>>
        %dma_wait3A_339 = arith.constant 0 : i32
        %dma_wait3A_340 = arith.constant 0 : i32
        %dma_wait3A_341 = tpu.memref_slice %arg14[%dma_wait3A_339, %dma_wait3A_340] : memref<10112x128xf32, #tpu.memory_space<vmem_shared>> -> memref<10112x128xf32, #tpu.memory_space<vmem_shared>>
        tpu.wait_indirect_dma semaphore(%run_scoped3A_329 : memref<!tpu.dma_semaphore, #tpu.memory_space<semaphore_mem>>) src(%arg11 : memref<64x128xf32, #tpu.memory_space<vmem>>) dst(%dma_wait3A_341 : memref<10112x128xf32, #tpu.memory_space<vmem_shared>>)
        tpu.yield
      }) : () -> ()
      %dma_wait3A_160 = arith.constant 0 : i32
      %dma_wait3A_161 = tpu.memref_slice %arg7[%dma_wait3A_160] : memref<10240xi32, #tpu.memory_space<vmem>> -> memref<64xi32, #tpu.memory_space<vmem>>
      %dma_wait3A_162 = arith.constant 0 : i32
      %dma_wait3A_163 = arith.constant 0 : i32
      %dma_wait3A_164 = tpu.memref_slice %arg2[%dma_wait3A_162, %dma_wait3A_163] : memref<10000x128xf32, #tpu.memory_space<hbm>> -> memref<10000x128xf32, #tpu.memory_space<hbm>>
      tpu.wait_indirect_dma semaphore(%arg17 : memref<!tpu.dma_semaphore, #tpu.memory_space<semaphore_mem>>) src(%dma_wait3A_164 : memref<10000x128xf32, #tpu.memory_space<hbm>>) dst(%arg12 : memref<64x128xf32, #tpu.memory_space<vmem>>)
      %add3A_165 = arith.constant 9 : i32
      %add3A_166 = arith.addi %mul3A_73, %add3A_165 : i32
      %mul3A_167 = arith.constant 64 : i32
      %mul3A_168 = arith.muli %add3A_166, %mul3A_167 : i32
      %dma_start3A_169 = tpu.memref_slice %arg7[%mul3A_168] : memref<10240xi32, #tpu.memory_space<vmem>> -> memref<64xi32, #tpu.memory_space<vmem>>
      %dma_start3A_170 = arith.constant 0 : i32
      %dma_start3A_171 = arith.constant 0 : i32
      %dma_start3A_172 = tpu.memref_slice %arg2[%dma_start3A_170, %dma_start3A_171] : memref<10000x128xf32, #tpu.memory_space<hbm>> -> memref<10000x128xf32, #tpu.memory_space<hbm>>
      tpu.enqueue_indirect_dma source(%dma_start3A_172 : memref<10000x128xf32, #tpu.memory_space<hbm>>) target(%arg11 : memref<64x128xf32, #tpu.memory_space<vmem>>) offsets(%dma_start3A_169 : memref<64xi32, #tpu.memory_space<vmem>>) semaphore(%arg16 : memref<!tpu.dma_semaphore, #tpu.memory_space<semaphore_mem>>)
      %run_scoped3A_173 = arith.constant 6 : i32
      "tpu.region"() ({
        %run_scoped3A_329 = tpu.sem_alloc : memref<!tpu.dma_semaphore, #tpu.memory_space<semaphore_mem>>
        %dma_start3A_330 = arith.constant 0 : i32
        %dma_start3A_331 = tpu.memref_slice %arg8[%run_scoped3A_173, %dma_start3A_330] : memref<8x64xi32, #tpu.memory_space<vmem>> -> memref<1x64xi32, #tpu.memory_space<vmem>>
        %dma_start3A_332 = tpu.memref_squeeze %dma_start3A_331 : memref<1x64xi32, #tpu.memory_space<vmem>> -> memref<64xi32, #tpu.memory_space<vmem>>
        %dma_start3A_333 = arith.constant 0 : i32
        %dma_start3A_334 = arith.constant 0 : i32
        %dma_start3A_335 = tpu.memref_slice %arg14[%dma_start3A_333, %dma_start3A_334] : memref<10112x128xf32, #tpu.memory_space<vmem_shared>> -> memref<10112x128xf32, #tpu.memory_space<vmem_shared>>
        tpu.enqueue_indirect_dma source(%arg12 : memref<64x128xf32, #tpu.memory_space<vmem>>) target(%dma_start3A_335 : memref<10112x128xf32, #tpu.memory_space<vmem_shared>>) offsets(%dma_start3A_332 : memref<64xi32, #tpu.memory_space<vmem>>) semaphore(%run_scoped3A_329 : memref<!tpu.dma_semaphore, #tpu.memory_space<semaphore_mem>>) {add = true}
        %dma_wait3A_336 = arith.constant 0 : i32
        %dma_wait3A_337 = tpu.memref_slice %arg8[%run_scoped3A_173, %dma_wait3A_336] : memref<8x64xi32, #tpu.memory_space<vmem>> -> memref<1x64xi32, #tpu.memory_space<vmem>>
        %dma_wait3A_338 = tpu.memref_squeeze %dma_wait3A_337 : memref<1x64xi32, #tpu.memory_space<vmem>> -> memref<64xi32, #tpu.memory_space<vmem>>
        %dma_wait3A_339 = arith.constant 0 : i32
        %dma_wait3A_340 = arith.constant 0 : i32
        %dma_wait3A_341 = tpu.memref_slice %arg14[%dma_wait3A_339, %dma_wait3A_340] : memref<10112x128xf32, #tpu.memory_space<vmem_shared>> -> memref<10112x128xf32, #tpu.memory_space<vmem_shared>>
        tpu.wait_indirect_dma semaphore(%run_scoped3A_329 : memref<!tpu.dma_semaphore, #tpu.memory_space<semaphore_mem>>) src(%arg12 : memref<64x128xf32, #tpu.memory_space<vmem>>) dst(%dma_wait3A_341 : memref<10112x128xf32, #tpu.memory_space<vmem_shared>>)
        tpu.yield
      }) : () -> ()
      %dma_wait3A_174 = arith.constant 0 : i32
      %dma_wait3A_175 = tpu.memref_slice %arg7[%dma_wait3A_174] : memref<10240xi32, #tpu.memory_space<vmem>> -> memref<64xi32, #tpu.memory_space<vmem>>
      %dma_wait3A_176 = arith.constant 0 : i32
      %dma_wait3A_177 = arith.constant 0 : i32
      %dma_wait3A_178 = tpu.memref_slice %arg2[%dma_wait3A_176, %dma_wait3A_177] : memref<10000x128xf32, #tpu.memory_space<hbm>> -> memref<10000x128xf32, #tpu.memory_space<hbm>>
      tpu.wait_indirect_dma semaphore(%arg18 : memref<!tpu.dma_semaphore, #tpu.memory_space<semaphore_mem>>) src(%dma_wait3A_178 : memref<10000x128xf32, #tpu.memory_space<hbm>>) dst(%arg13 : memref<64x128xf32, #tpu.memory_space<vmem>>)
      %add3A_179 = arith.constant 10 : i32
      %add3A_180 = arith.addi %mul3A_73, %add3A_179 : i32
      %mul3A_181 = arith.constant 64 : i32
      %mul3A_182 = arith.muli %add3A_180, %mul3A_181 : i32
      %dma_start3A_183 = tpu.memref_slice %arg7[%mul3A_182] : memref<10240xi32, #tpu.memory_space<vmem>> -> memref<64xi32, #tpu.memory_space<vmem>>
      %dma_start3A_184 = arith.constant 0 : i32
      %dma_start3A_185 = arith.constant 0 : i32
      %dma_start3A_186 = tpu.memref_slice %arg2[%dma_start3A_184, %dma_start3A_185] : memref<10000x128xf32, #tpu.memory_space<hbm>> -> memref<10000x128xf32, #tpu.memory_space<hbm>>
      tpu.enqueue_indirect_dma source(%dma_start3A_186 : memref<10000x128xf32, #tpu.memory_space<hbm>>) target(%arg12 : memref<64x128xf32, #tpu.memory_space<vmem>>) offsets(%dma_start3A_183 : memref<64xi32, #tpu.memory_space<vmem>>) semaphore(%arg17 : memref<!tpu.dma_semaphore, #tpu.memory_space<semaphore_mem>>)
      %run_scoped3A_187 = arith.constant 7 : i32
      "tpu.region"() ({
        %run_scoped3A_329 = tpu.sem_alloc : memref<!tpu.dma_semaphore, #tpu.memory_space<semaphore_mem>>
        %dma_start3A_330 = arith.constant 0 : i32
        %dma_start3A_331 = tpu.memref_slice %arg8[%run_scoped3A_187, %dma_start3A_330] : memref<8x64xi32, #tpu.memory_space<vmem>> -> memref<1x64xi32, #tpu.memory_space<vmem>>
        %dma_start3A_332 = tpu.memref_squeeze %dma_start3A_331 : memref<1x64xi32, #tpu.memory_space<vmem>> -> memref<64xi32, #tpu.memory_space<vmem>>
        %dma_start3A_333 = arith.constant 0 : i32
        %dma_start3A_334 = arith.constant 0 : i32
        %dma_start3A_335 = tpu.memref_slice %arg14[%dma_start3A_333, %dma_start3A_334] : memref<10112x128xf32, #tpu.memory_space<vmem_shared>> -> memref<10112x128xf32, #tpu.memory_space<vmem_shared>>
        tpu.enqueue_indirect_dma source(%arg13 : memref<64x128xf32, #tpu.memory_space<vmem>>) target(%dma_start3A_335 : memref<10112x128xf32, #tpu.memory_space<vmem_shared>>) offsets(%dma_start3A_332 : memref<64xi32, #tpu.memory_space<vmem>>) semaphore(%run_scoped3A_329 : memref<!tpu.dma_semaphore, #tpu.memory_space<semaphore_mem>>) {add = true}
        %dma_wait3A_336 = arith.constant 0 : i32
        %dma_wait3A_337 = tpu.memref_slice %arg8[%run_scoped3A_187, %dma_wait3A_336] : memref<8x64xi32, #tpu.memory_space<vmem>> -> memref<1x64xi32, #tpu.memory_space<vmem>>
        %dma_wait3A_338 = tpu.memref_squeeze %dma_wait3A_337 : memref<1x64xi32, #tpu.memory_space<vmem>> -> memref<64xi32, #tpu.memory_space<vmem>>
        %dma_wait3A_339 = arith.constant 0 : i32
        %dma_wait3A_340 = arith.constant 0 : i32
        %dma_wait3A_341 = tpu.memref_slice %arg14[%dma_wait3A_339, %dma_wait3A_340] : memref<10112x128xf32, #tpu.memory_space<vmem_shared>> -> memref<10112x128xf32, #tpu.memory_space<vmem_shared>>
        tpu.wait_indirect_dma semaphore(%run_scoped3A_329 : memref<!tpu.dma_semaphore, #tpu.memory_space<semaphore_mem>>) src(%arg13 : memref<64x128xf32, #tpu.memory_space<vmem>>) dst(%dma_wait3A_341 : memref<10112x128xf32, #tpu.memory_space<vmem_shared>>)
        tpu.yield
      }) : () -> ()
      %dma_wait3A_188 = arith.constant 0 : i32
      %dma_wait3A_189 = tpu.memref_slice %arg4[%mul3A_2, %dma_wait3A_188] : memref<5120x64xi32, #tpu.memory_space<hbm>> -> memref<8x64xi32, #tpu.memory_space<hbm>>
      %dma_wait3A_190 = arith.constant 0 : i32
      %dma_wait3A_191 = tpu.memref_slice %arg4[%mul3A_2, %dma_wait3A_190] : memref<5120x64xi32, #tpu.memory_space<hbm>> -> memref<8x64xi32, #tpu.memory_space<hbm>>
      tpu.wait_dma2 semaphore(%arg20 : memref<!tpu.dma_semaphore, #tpu.memory_space<semaphore_mem>>) src(%dma_wait3A_191 : memref<8x64xi32, #tpu.memory_space<hbm>>) dst(%arg9 : memref<8x64xi32, #tpu.memory_space<vmem>>)
      %lt3A_192 = arith.constant 9 : i32
      %lt3A_193 = arith.cmpi slt, %scan3A_69, %lt3A_192 : i32
      %convert_element_type3A_194 = arith.extui %lt3A_193 : i1 to i32
      %cond3A_195 = arith.constant 0 : i32
      %cond3A_196 = arith.cmpi ne, %convert_element_type3A_194, %cond3A_195 : i32
      scf.if %cond3A_196 {
        %mul3A_329 = arith.constant 2 : i32
        %mul3A_330 = arith.muli %scan3A_69, %mul3A_329 : i32
        %add3A_331 = arith.constant 2 : i32
        %add3A_332 = arith.addi %mul3A_330, %add3A_331 : i32
        %mul3A_333 = arith.constant 8 : i32
        %mul3A_334 = arith.muli %add3A_332, %mul3A_333 : i32
        %add3A_335 = arith.addi %mul3A_2, %mul3A_334 : i32
        %dma_start3A_336 = arith.constant 0 : i32
        %dma_start3A_337 = tpu.memref_slice %arg4[%add3A_335, %dma_start3A_336] : memref<5120x64xi32, #tpu.memory_space<hbm>> -> memref<8x64xi32, #tpu.memory_space<hbm>>
        %dma_start3A_338 = arith.constant 0 : i32
        %dma_start3A_339 = tpu.memref_slice %arg4[%add3A_335, %dma_start3A_338] : memref<5120x64xi32, #tpu.memory_space<hbm>> -> memref<8x64xi32, #tpu.memory_space<hbm>>
        tpu.enqueue_dma source(%dma_start3A_339 : memref<8x64xi32, #tpu.memory_space<hbm>>) target(%arg8 : memref<8x64xi32, #tpu.memory_space<vmem>>) target_semaphore(%arg19 : memref<!tpu.dma_semaphore, #tpu.memory_space<semaphore_mem>>)
      } else {
      }
      %dma_wait3A_197 = arith.constant 0 : i32
      %dma_wait3A_198 = tpu.memref_slice %arg7[%dma_wait3A_197] : memref<10240xi32, #tpu.memory_space<vmem>> -> memref<64xi32, #tpu.memory_space<vmem>>
      %dma_wait3A_199 = arith.constant 0 : i32
      %dma_wait3A_200 = arith.constant 0 : i32
      %dma_wait3A_201 = tpu.memref_slice %arg2[%dma_wait3A_199, %dma_wait3A_200] : memref<10000x128xf32, #tpu.memory_space<hbm>> -> memref<10000x128xf32, #tpu.memory_space<hbm>>
      tpu.wait_indirect_dma semaphore(%arg15 : memref<!tpu.dma_semaphore, #tpu.memory_space<semaphore_mem>>) src(%dma_wait3A_201 : memref<10000x128xf32, #tpu.memory_space<hbm>>) dst(%arg10 : memref<64x128xf32, #tpu.memory_space<vmem>>)
      %add3A_202 = arith.constant 11 : i32
      %add3A_203 = arith.addi %mul3A_73, %add3A_202 : i32
      %mul3A_204 = arith.constant 64 : i32
      %mul3A_205 = arith.muli %add3A_203, %mul3A_204 : i32
      %dma_start3A_206 = tpu.memref_slice %arg7[%mul3A_205] : memref<10240xi32, #tpu.memory_space<vmem>> -> memref<64xi32, #tpu.memory_space<vmem>>
      %dma_start3A_207 = arith.constant 0 : i32
      %dma_start3A_208 = arith.constant 0 : i32
      %dma_start3A_209 = tpu.memref_slice %arg2[%dma_start3A_207, %dma_start3A_208] : memref<10000x128xf32, #tpu.memory_space<hbm>> -> memref<10000x128xf32, #tpu.memory_space<hbm>>
      tpu.enqueue_indirect_dma source(%dma_start3A_209 : memref<10000x128xf32, #tpu.memory_space<hbm>>) target(%arg13 : memref<64x128xf32, #tpu.memory_space<vmem>>) offsets(%dma_start3A_206 : memref<64xi32, #tpu.memory_space<vmem>>) semaphore(%arg18 : memref<!tpu.dma_semaphore, #tpu.memory_space<semaphore_mem>>)
      %run_scoped3A_210 = arith.constant 0 : i32
      "tpu.region"() ({
        %run_scoped3A_329 = tpu.sem_alloc : memref<!tpu.dma_semaphore, #tpu.memory_space<semaphore_mem>>
        %dma_start3A_330 = arith.constant 0 : i32
        %dma_start3A_331 = tpu.memref_slice %arg9[%run_scoped3A_210, %dma_start3A_330] : memref<8x64xi32, #tpu.memory_space<vmem>> -> memref<1x64xi32, #tpu.memory_space<vmem>>
        %dma_start3A_332 = tpu.memref_squeeze %dma_start3A_331 : memref<1x64xi32, #tpu.memory_space<vmem>> -> memref<64xi32, #tpu.memory_space<vmem>>
        %dma_start3A_333 = arith.constant 0 : i32
        %dma_start3A_334 = arith.constant 0 : i32
        %dma_start3A_335 = tpu.memref_slice %arg14[%dma_start3A_333, %dma_start3A_334] : memref<10112x128xf32, #tpu.memory_space<vmem_shared>> -> memref<10112x128xf32, #tpu.memory_space<vmem_shared>>
        tpu.enqueue_indirect_dma source(%arg10 : memref<64x128xf32, #tpu.memory_space<vmem>>) target(%dma_start3A_335 : memref<10112x128xf32, #tpu.memory_space<vmem_shared>>) offsets(%dma_start3A_332 : memref<64xi32, #tpu.memory_space<vmem>>) semaphore(%run_scoped3A_329 : memref<!tpu.dma_semaphore, #tpu.memory_space<semaphore_mem>>) {add = true}
        %dma_wait3A_336 = arith.constant 0 : i32
        %dma_wait3A_337 = tpu.memref_slice %arg9[%run_scoped3A_210, %dma_wait3A_336] : memref<8x64xi32, #tpu.memory_space<vmem>> -> memref<1x64xi32, #tpu.memory_space<vmem>>
        %dma_wait3A_338 = tpu.memref_squeeze %dma_wait3A_337 : memref<1x64xi32, #tpu.memory_space<vmem>> -> memref<64xi32, #tpu.memory_space<vmem>>
        %dma_wait3A_339 = arith.constant 0 : i32
        %dma_wait3A_340 = arith.constant 0 : i32
        %dma_wait3A_341 = tpu.memref_slice %arg14[%dma_wait3A_339, %dma_wait3A_340] : memref<10112x128xf32, #tpu.memory_space<vmem_shared>> -> memref<10112x128xf32, #tpu.memory_space<vmem_shared>>
        tpu.wait_indirect_dma semaphore(%run_scoped3A_329 : memref<!tpu.dma_semaphore, #tpu.memory_space<semaphore_mem>>) src(%arg10 : memref<64x128xf32, #tpu.memory_space<vmem>>) dst(%dma_wait3A_341 : memref<10112x128xf32, #tpu.memory_space<vmem_shared>>)
        tpu.yield
      }) : () -> ()
      %dma_wait3A_211 = arith.constant 0 : i32
      %dma_wait3A_212 = tpu.memref_slice %arg7[%dma_wait3A_211] : memref<10240xi32, #tpu.memory_space<vmem>> -> memref<64xi32, #tpu.memory_space<vmem>>
      %dma_wait3A_213 = arith.constant 0 : i32
      %dma_wait3A_214 = arith.constant 0 : i32
      %dma_wait3A_215 = tpu.memref_slice %arg2[%dma_wait3A_213, %dma_wait3A_214] : memref<10000x128xf32, #tpu.memory_space<hbm>> -> memref<10000x128xf32, #tpu.memory_space<hbm>>
      tpu.wait_indirect_dma semaphore(%arg16 : memref<!tpu.dma_semaphore, #tpu.memory_space<semaphore_mem>>) src(%dma_wait3A_215 : memref<10000x128xf32, #tpu.memory_space<hbm>>) dst(%arg11 : memref<64x128xf32, #tpu.memory_space<vmem>>)
      %add3A_216 = arith.constant 12 : i32
      %add3A_217 = arith.addi %mul3A_73, %add3A_216 : i32
      %mul3A_218 = arith.constant 64 : i32
      %mul3A_219 = arith.muli %add3A_217, %mul3A_218 : i32
      %dma_start3A_220 = tpu.memref_slice %arg7[%mul3A_219] : memref<10240xi32, #tpu.memory_space<vmem>> -> memref<64xi32, #tpu.memory_space<vmem>>
      %dma_start3A_221 = arith.constant 0 : i32
      %dma_start3A_222 = arith.constant 0 : i32
      %dma_start3A_223 = tpu.memref_slice %arg2[%dma_start3A_221, %dma_start3A_222] : memref<10000x128xf32, #tpu.memory_space<hbm>> -> memref<10000x128xf32, #tpu.memory_space<hbm>>
      tpu.enqueue_indirect_dma source(%dma_start3A_223 : memref<10000x128xf32, #tpu.memory_space<hbm>>) target(%arg10 : memref<64x128xf32, #tpu.memory_space<vmem>>) offsets(%dma_start3A_220 : memref<64xi32, #tpu.memory_space<vmem>>) semaphore(%arg15 : memref<!tpu.dma_semaphore, #tpu.memory_space<semaphore_mem>>)
      %run_scoped3A_224 = arith.constant 1 : i32
      "tpu.region"() ({
        %run_scoped3A_329 = tpu.sem_alloc : memref<!tpu.dma_semaphore, #tpu.memory_space<semaphore_mem>>
        %dma_start3A_330 = arith.constant 0 : i32
        %dma_start3A_331 = tpu.memref_slice %arg9[%run_scoped3A_224, %dma_start3A_330] : memref<8x64xi32, #tpu.memory_space<vmem>> -> memref<1x64xi32, #tpu.memory_space<vmem>>
        %dma_start3A_332 = tpu.memref_squeeze %dma_start3A_331 : memref<1x64xi32, #tpu.memory_space<vmem>> -> memref<64xi32, #tpu.memory_space<vmem>>
        %dma_start3A_333 = arith.constant 0 : i32
        %dma_start3A_334 = arith.constant 0 : i32
        %dma_start3A_335 = tpu.memref_slice %arg14[%dma_start3A_333, %dma_start3A_334] : memref<10112x128xf32, #tpu.memory_space<vmem_shared>> -> memref<10112x128xf32, #tpu.memory_space<vmem_shared>>
        tpu.enqueue_indirect_dma source(%arg11 : memref<64x128xf32, #tpu.memory_space<vmem>>) target(%dma_start3A_335 : memref<10112x128xf32, #tpu.memory_space<vmem_shared>>) offsets(%dma_start3A_332 : memref<64xi32, #tpu.memory_space<vmem>>) semaphore(%run_scoped3A_329 : memref<!tpu.dma_semaphore, #tpu.memory_space<semaphore_mem>>) {add = true}
        %dma_wait3A_336 = arith.constant 0 : i32
        %dma_wait3A_337 = tpu.memref_slice %arg9[%run_scoped3A_224, %dma_wait3A_336] : memref<8x64xi32, #tpu.memory_space<vmem>> -> memref<1x64xi32, #tpu.memory_space<vmem>>
        %dma_wait3A_338 = tpu.memref_squeeze %dma_wait3A_337 : memref<1x64xi32, #tpu.memory_space<vmem>> -> memref<64xi32, #tpu.memory_space<vmem>>
        %dma_wait3A_339 = arith.constant 0 : i32
        %dma_wait3A_340 = arith.constant 0 : i32
        %dma_wait3A_341 = tpu.memref_slice %arg14[%dma_wait3A_339, %dma_wait3A_340] : memref<10112x128xf32, #tpu.memory_space<vmem_shared>> -> memref<10112x128xf32, #tpu.memory_space<vmem_shared>>
        tpu.wait_indirect_dma semaphore(%run_scoped3A_329 : memref<!tpu.dma_semaphore, #tpu.memory_space<semaphore_mem>>) src(%arg11 : memref<64x128xf32, #tpu.memory_space<vmem>>) dst(%dma_wait3A_341 : memref<10112x128xf32, #tpu.memory_space<vmem_shared>>)
        tpu.yield
      }) : () -> ()
      %dma_wait3A_225 = arith.constant 0 : i32
      %dma_wait3A_226 = tpu.memref_slice %arg7[%dma_wait3A_225] : memref<10240xi32, #tpu.memory_space<vmem>> -> memref<64xi32, #tpu.memory_space<vmem>>
      %dma_wait3A_227 = arith.constant 0 : i32
      %dma_wait3A_228 = arith.constant 0 : i32
      %dma_wait3A_229 = tpu.memref_slice %arg2[%dma_wait3A_227, %dma_wait3A_228] : memref<10000x128xf32, #tpu.memory_space<hbm>> -> memref<10000x128xf32, #tpu.memory_space<hbm>>
      tpu.wait_indirect_dma semaphore(%arg17 : memref<!tpu.dma_semaphore, #tpu.memory_space<semaphore_mem>>) src(%dma_wait3A_229 : memref<10000x128xf32, #tpu.memory_space<hbm>>) dst(%arg12 : memref<64x128xf32, #tpu.memory_space<vmem>>)
      %add3A_230 = arith.constant 13 : i32
      %add3A_231 = arith.addi %mul3A_73, %add3A_230 : i32
      %mul3A_232 = arith.constant 64 : i32
      %mul3A_233 = arith.muli %add3A_231, %mul3A_232 : i32
      %dma_start3A_234 = tpu.memref_slice %arg7[%mul3A_233] : memref<10240xi32, #tpu.memory_space<vmem>> -> memref<64xi32, #tpu.memory_space<vmem>>
      %dma_start3A_235 = arith.constant 0 : i32
      %dma_start3A_236 = arith.constant 0 : i32
      %dma_start3A_237 = tpu.memref_slice %arg2[%dma_start3A_235, %dma_start3A_236] : memref<10000x128xf32, #tpu.memory_space<hbm>> -> memref<10000x128xf32, #tpu.memory_space<hbm>>
      tpu.enqueue_indirect_dma source(%dma_start3A_237 : memref<10000x128xf32, #tpu.memory_space<hbm>>) target(%arg11 : memref<64x128xf32, #tpu.memory_space<vmem>>) offsets(%dma_start3A_234 : memref<64xi32, #tpu.memory_space<vmem>>) semaphore(%arg16 : memref<!tpu.dma_semaphore, #tpu.memory_space<semaphore_mem>>)
      %run_scoped3A_238 = arith.constant 2 : i32
      "tpu.region"() ({
        %run_scoped3A_329 = tpu.sem_alloc : memref<!tpu.dma_semaphore, #tpu.memory_space<semaphore_mem>>
        %dma_start3A_330 = arith.constant 0 : i32
        %dma_start3A_331 = tpu.memref_slice %arg9[%run_scoped3A_238, %dma_start3A_330] : memref<8x64xi32, #tpu.memory_space<vmem>> -> memref<1x64xi32, #tpu.memory_space<vmem>>
        %dma_start3A_332 = tpu.memref_squeeze %dma_start3A_331 : memref<1x64xi32, #tpu.memory_space<vmem>> -> memref<64xi32, #tpu.memory_space<vmem>>
        %dma_start3A_333 = arith.constant 0 : i32
        %dma_start3A_334 = arith.constant 0 : i32
        %dma_start3A_335 = tpu.memref_slice %arg14[%dma_start3A_333, %dma_start3A_334] : memref<10112x128xf32, #tpu.memory_space<vmem_shared>> -> memref<10112x128xf32, #tpu.memory_space<vmem_shared>>
        tpu.enqueue_indirect_dma source(%arg12 : memref<64x128xf32, #tpu.memory_space<vmem>>) target(%dma_start3A_335 : memref<10112x128xf32, #tpu.memory_space<vmem_shared>>) offsets(%dma_start3A_332 : memref<64xi32, #tpu.memory_space<vmem>>) semaphore(%run_scoped3A_329 : memref<!tpu.dma_semaphore, #tpu.memory_space<semaphore_mem>>) {add = true}
        %dma_wait3A_336 = arith.constant 0 : i32
        %dma_wait3A_337 = tpu.memref_slice %arg9[%run_scoped3A_238, %dma_wait3A_336] : memref<8x64xi32, #tpu.memory_space<vmem>> -> memref<1x64xi32, #tpu.memory_space<vmem>>
        %dma_wait3A_338 = tpu.memref_squeeze %dma_wait3A_337 : memref<1x64xi32, #tpu.memory_space<vmem>> -> memref<64xi32, #tpu.memory_space<vmem>>
        %dma_wait3A_339 = arith.constant 0 : i32
        %dma_wait3A_340 = arith.constant 0 : i32
        %dma_wait3A_341 = tpu.memref_slice %arg14[%dma_wait3A_339, %dma_wait3A_340] : memref<10112x128xf32, #tpu.memory_space<vmem_shared>> -> memref<10112x128xf32, #tpu.memory_space<vmem_shared>>
        tpu.wait_indirect_dma semaphore(%run_scoped3A_329 : memref<!tpu.dma_semaphore, #tpu.memory_space<semaphore_mem>>) src(%arg12 : memref<64x128xf32, #tpu.memory_space<vmem>>) dst(%dma_wait3A_341 : memref<10112x128xf32, #tpu.memory_space<vmem_shared>>)
        tpu.yield
      }) : () -> ()
      %dma_wait3A_239 = arith.constant 0 : i32
      %dma_wait3A_240 = tpu.memref_slice %arg7[%dma_wait3A_239] : memref<10240xi32, #tpu.memory_space<vmem>> -> memref<64xi32, #tpu.memory_space<vmem>>
      %dma_wait3A_241 = arith.constant 0 : i32
      %dma_wait3A_242 = arith.constant 0 : i32
      %dma_wait3A_243 = tpu.memref_slice %arg2[%dma_wait3A_241, %dma_wait3A_242] : memref<10000x128xf32, #tpu.memory_space<hbm>> -> memref<10000x128xf32, #tpu.memory_space<hbm>>
      tpu.wait_indirect_dma semaphore(%arg18 : memref<!tpu.dma_semaphore, #tpu.memory_space<semaphore_mem>>) src(%dma_wait3A_243 : memref<10000x128xf32, #tpu.memory_space<hbm>>) dst(%arg13 : memref<64x128xf32, #tpu.memory_space<vmem>>)
      %add3A_244 = arith.constant 14 : i32
      %add3A_245 = arith.addi %mul3A_73, %add3A_244 : i32
      %mul3A_246 = arith.constant 64 : i32
      %mul3A_247 = arith.muli %add3A_245, %mul3A_246 : i32
      %dma_start3A_248 = tpu.memref_slice %arg7[%mul3A_247] : memref<10240xi32, #tpu.memory_space<vmem>> -> memref<64xi32, #tpu.memory_space<vmem>>
      %dma_start3A_249 = arith.constant 0 : i32
      %dma_start3A_250 = arith.constant 0 : i32
      %dma_start3A_251 = tpu.memref_slice %arg2[%dma_start3A_249, %dma_start3A_250] : memref<10000x128xf32, #tpu.memory_space<hbm>> -> memref<10000x128xf32, #tpu.memory_space<hbm>>
      tpu.enqueue_indirect_dma source(%dma_start3A_251 : memref<10000x128xf32, #tpu.memory_space<hbm>>) target(%arg12 : memref<64x128xf32, #tpu.memory_space<vmem>>) offsets(%dma_start3A_248 : memref<64xi32, #tpu.memory_space<vmem>>) semaphore(%arg17 : memref<!tpu.dma_semaphore, #tpu.memory_space<semaphore_mem>>)
      %run_scoped3A_252 = arith.constant 3 : i32
      "tpu.region"() ({
        %run_scoped3A_329 = tpu.sem_alloc : memref<!tpu.dma_semaphore, #tpu.memory_space<semaphore_mem>>
        %dma_start3A_330 = arith.constant 0 : i32
        %dma_start3A_331 = tpu.memref_slice %arg9[%run_scoped3A_252, %dma_start3A_330] : memref<8x64xi32, #tpu.memory_space<vmem>> -> memref<1x64xi32, #tpu.memory_space<vmem>>
        %dma_start3A_332 = tpu.memref_squeeze %dma_start3A_331 : memref<1x64xi32, #tpu.memory_space<vmem>> -> memref<64xi32, #tpu.memory_space<vmem>>
        %dma_start3A_333 = arith.constant 0 : i32
        %dma_start3A_334 = arith.constant 0 : i32
        %dma_start3A_335 = tpu.memref_slice %arg14[%dma_start3A_333, %dma_start3A_334] : memref<10112x128xf32, #tpu.memory_space<vmem_shared>> -> memref<10112x128xf32, #tpu.memory_space<vmem_shared>>
        tpu.enqueue_indirect_dma source(%arg13 : memref<64x128xf32, #tpu.memory_space<vmem>>) target(%dma_start3A_335 : memref<10112x128xf32, #tpu.memory_space<vmem_shared>>) offsets(%dma_start3A_332 : memref<64xi32, #tpu.memory_space<vmem>>) semaphore(%run_scoped3A_329 : memref<!tpu.dma_semaphore, #tpu.memory_space<semaphore_mem>>) {add = true}
        %dma_wait3A_336 = arith.constant 0 : i32
        %dma_wait3A_337 = tpu.memref_slice %arg9[%run_scoped3A_252, %dma_wait3A_336] : memref<8x64xi32, #tpu.memory_space<vmem>> -> memref<1x64xi32, #tpu.memory_space<vmem>>
        %dma_wait3A_338 = tpu.memref_squeeze %dma_wait3A_337 : memref<1x64xi32, #tpu.memory_space<vmem>> -> memref<64xi32, #tpu.memory_space<vmem>>
        %dma_wait3A_339 = arith.constant 0 : i32
        %dma_wait3A_340 = arith.constant 0 : i32
        %dma_wait3A_341 = tpu.memref_slice %arg14[%dma_wait3A_339, %dma_wait3A_340] : memref<10112x128xf32, #tpu.memory_space<vmem_shared>> -> memref<10112x128xf32, #tpu.memory_space<vmem_shared>>
        tpu.wait_indirect_dma semaphore(%run_scoped3A_329 : memref<!tpu.dma_semaphore, #tpu.memory_space<semaphore_mem>>) src(%arg13 : memref<64x128xf32, #tpu.memory_space<vmem>>) dst(%dma_wait3A_341 : memref<10112x128xf32, #tpu.memory_space<vmem_shared>>)
        tpu.yield
      }) : () -> ()
      %dma_wait3A_253 = arith.constant 0 : i32
      %dma_wait3A_254 = tpu.memref_slice %arg7[%dma_wait3A_253] : memref<10240xi32, #tpu.memory_space<vmem>> -> memref<64xi32, #tpu.memory_space<vmem>>
      %dma_wait3A_255 = arith.constant 0 : i32
      %dma_wait3A_256 = arith.constant 0 : i32
      %dma_wait3A_257 = tpu.memref_slice %arg2[%dma_wait3A_255, %dma_wait3A_256] : memref<10000x128xf32, #tpu.memory_space<hbm>> -> memref<10000x128xf32, #tpu.memory_space<hbm>>
      tpu.wait_indirect_dma semaphore(%arg15 : memref<!tpu.dma_semaphore, #tpu.memory_space<semaphore_mem>>) src(%dma_wait3A_257 : memref<10000x128xf32, #tpu.memory_space<hbm>>) dst(%arg10 : memref<64x128xf32, #tpu.memory_space<vmem>>)
      %add3A_258 = arith.constant 15 : i32
      %add3A_259 = arith.addi %mul3A_73, %add3A_258 : i32
      %mul3A_260 = arith.constant 64 : i32
      %mul3A_261 = arith.muli %add3A_259, %mul3A_260 : i32
      %dma_start3A_262 = tpu.memref_slice %arg7[%mul3A_261] : memref<10240xi32, #tpu.memory_space<vmem>> -> memref<64xi32, #tpu.memory_space<vmem>>
      %dma_start3A_263 = arith.constant 0 : i32
      %dma_start3A_264 = arith.constant 0 : i32
      %dma_start3A_265 = tpu.memref_slice %arg2[%dma_start3A_263, %dma_start3A_264] : memref<10000x128xf32, #tpu.memory_space<hbm>> -> memref<10000x128xf32, #tpu.memory_space<hbm>>
      tpu.enqueue_indirect_dma source(%dma_start3A_265 : memref<10000x128xf32, #tpu.memory_space<hbm>>) target(%arg13 : memref<64x128xf32, #tpu.memory_space<vmem>>) offsets(%dma_start3A_262 : memref<64xi32, #tpu.memory_space<vmem>>) semaphore(%arg18 : memref<!tpu.dma_semaphore, #tpu.memory_space<semaphore_mem>>)
      %run_scoped3A_266 = arith.constant 4 : i32
      "tpu.region"() ({
        %run_scoped3A_329 = tpu.sem_alloc : memref<!tpu.dma_semaphore, #tpu.memory_space<semaphore_mem>>
        %dma_start3A_330 = arith.constant 0 : i32
        %dma_start3A_331 = tpu.memref_slice %arg9[%run_scoped3A_266, %dma_start3A_330] : memref<8x64xi32, #tpu.memory_space<vmem>> -> memref<1x64xi32, #tpu.memory_space<vmem>>
        %dma_start3A_332 = tpu.memref_squeeze %dma_start3A_331 : memref<1x64xi32, #tpu.memory_space<vmem>> -> memref<64xi32, #tpu.memory_space<vmem>>
        %dma_start3A_333 = arith.constant 0 : i32
        %dma_start3A_334 = arith.constant 0 : i32
        %dma_start3A_335 = tpu.memref_slice %arg14[%dma_start3A_333, %dma_start3A_334] : memref<10112x128xf32, #tpu.memory_space<vmem_shared>> -> memref<10112x128xf32, #tpu.memory_space<vmem_shared>>
        tpu.enqueue_indirect_dma source(%arg10 : memref<64x128xf32, #tpu.memory_space<vmem>>) target(%dma_start3A_335 : memref<10112x128xf32, #tpu.memory_space<vmem_shared>>) offsets(%dma_start3A_332 : memref<64xi32, #tpu.memory_space<vmem>>) semaphore(%run_scoped3A_329 : memref<!tpu.dma_semaphore, #tpu.memory_space<semaphore_mem>>) {add = true}
        %dma_wait3A_336 = arith.constant 0 : i32
        %dma_wait3A_337 = tpu.memref_slice %arg9[%run_scoped3A_266, %dma_wait3A_336] : memref<8x64xi32, #tpu.memory_space<vmem>> -> memref<1x64xi32, #tpu.memory_space<vmem>>
        %dma_wait3A_338 = tpu.memref_squeeze %dma_wait3A_337 : memref<1x64xi32, #tpu.memory_space<vmem>> -> memref<64xi32, #tpu.memory_space<vmem>>
        %dma_wait3A_339 = arith.constant 0 : i32
        %dma_wait3A_340 = arith.constant 0 : i32
        %dma_wait3A_341 = tpu.memref_slice %arg14[%dma_wait3A_339, %dma_wait3A_340] : memref<10112x128xf32, #tpu.memory_space<vmem_shared>> -> memref<10112x128xf32, #tpu.memory_space<vmem_shared>>
        tpu.wait_indirect_dma semaphore(%run_scoped3A_329 : memref<!tpu.dma_semaphore, #tpu.memory_space<semaphore_mem>>) src(%arg10 : memref<64x128xf32, #tpu.memory_space<vmem>>) dst(%dma_wait3A_341 : memref<10112x128xf32, #tpu.memory_space<vmem_shared>>)
        tpu.yield
      }) : () -> ()
      %dma_wait3A_267 = arith.constant 0 : i32
      %dma_wait3A_268 = tpu.memref_slice %arg7[%dma_wait3A_267] : memref<10240xi32, #tpu.memory_space<vmem>> -> memref<64xi32, #tpu.memory_space<vmem>>
      %dma_wait3A_269 = arith.constant 0 : i32
      %dma_wait3A_270 = arith.constant 0 : i32
      %dma_wait3A_271 = tpu.memref_slice %arg2[%dma_wait3A_269, %dma_wait3A_270] : memref<10000x128xf32, #tpu.memory_space<hbm>> -> memref<10000x128xf32, #tpu.memory_space<hbm>>
      tpu.wait_indirect_dma semaphore(%arg16 : memref<!tpu.dma_semaphore, #tpu.memory_space<semaphore_mem>>) src(%dma_wait3A_271 : memref<10000x128xf32, #tpu.memory_space<hbm>>) dst(%arg11 : memref<64x128xf32, #tpu.memory_space<vmem>>)
      %add3A_272 = arith.constant 16 : i32
      %add3A_273 = arith.addi %mul3A_73, %add3A_272 : i32
      %mul3A_274 = arith.constant 64 : i32
      %mul3A_275 = arith.muli %add3A_273, %mul3A_274 : i32
      %add3A_276 = arith.constant 13 : i32
      %add3A_277 = arith.addi %mul3A_73, %add3A_276 : i32
      %add3A_278 = arith.constant 3 : i32
      %add3A_279 = arith.addi %add3A_277, %add3A_278 : i32
      %lt3A_280 = arith.constant 160 : i32
      %lt3A_281 = arith.cmpi slt, %add3A_279, %lt3A_280 : i32
      %convert_element_type3A_282 = arith.extui %lt3A_281 : i1 to i32
      %cond3A_283 = arith.constant 0 : i32
      %cond3A_284 = arith.cmpi ne, %convert_element_type3A_282, %cond3A_283 : i32
      scf.if %cond3A_284 {
        %dma_start3A_329 = tpu.memref_slice %arg7[%mul3A_275] : memref<10240xi32, #tpu.memory_space<vmem>> -> memref<64xi32, #tpu.memory_space<vmem>>
        %dma_start3A_330 = arith.constant 0 : i32
        %dma_start3A_331 = arith.constant 0 : i32
        %dma_start3A_332 = tpu.memref_slice %arg2[%dma_start3A_330, %dma_start3A_331] : memref<10000x128xf32, #tpu.memory_space<hbm>> -> memref<10000x128xf32, #tpu.memory_space<hbm>>
        tpu.enqueue_indirect_dma source(%dma_start3A_332 : memref<10000x128xf32, #tpu.memory_space<hbm>>) target(%arg10 : memref<64x128xf32, #tpu.memory_space<vmem>>) offsets(%dma_start3A_329 : memref<64xi32, #tpu.memory_space<vmem>>) semaphore(%arg15 : memref<!tpu.dma_semaphore, #tpu.memory_space<semaphore_mem>>)
      } else {
      }
      %run_scoped3A_285 = arith.constant 5 : i32
      "tpu.region"() ({
        %run_scoped3A_329 = tpu.sem_alloc : memref<!tpu.dma_semaphore, #tpu.memory_space<semaphore_mem>>
        %dma_start3A_330 = arith.constant 0 : i32
        %dma_start3A_331 = tpu.memref_slice %arg9[%run_scoped3A_285, %dma_start3A_330] : memref<8x64xi32, #tpu.memory_space<vmem>> -> memref<1x64xi32, #tpu.memory_space<vmem>>
        %dma_start3A_332 = tpu.memref_squeeze %dma_start3A_331 : memref<1x64xi32, #tpu.memory_space<vmem>> -> memref<64xi32, #tpu.memory_space<vmem>>
        %dma_start3A_333 = arith.constant 0 : i32
        %dma_start3A_334 = arith.constant 0 : i32
        %dma_start3A_335 = tpu.memref_slice %arg14[%dma_start3A_333, %dma_start3A_334] : memref<10112x128xf32, #tpu.memory_space<vmem_shared>> -> memref<10112x128xf32, #tpu.memory_space<vmem_shared>>
        tpu.enqueue_indirect_dma source(%arg11 : memref<64x128xf32, #tpu.memory_space<vmem>>) target(%dma_start3A_335 : memref<10112x128xf32, #tpu.memory_space<vmem_shared>>) offsets(%dma_start3A_332 : memref<64xi32, #tpu.memory_space<vmem>>) semaphore(%run_scoped3A_329 : memref<!tpu.dma_semaphore, #tpu.memory_space<semaphore_mem>>) {add = true}
        %dma_wait3A_336 = arith.constant 0 : i32
        %dma_wait3A_337 = tpu.memref_slice %arg9[%run_scoped3A_285, %dma_wait3A_336] : memref<8x64xi32, #tpu.memory_space<vmem>> -> memref<1x64xi32, #tpu.memory_space<vmem>>
        %dma_wait3A_338 = tpu.memref_squeeze %dma_wait3A_337 : memref<1x64xi32, #tpu.memory_space<vmem>> -> memref<64xi32, #tpu.memory_space<vmem>>
        %dma_wait3A_339 = arith.constant 0 : i32
        %dma_wait3A_340 = arith.constant 0 : i32
        %dma_wait3A_341 = tpu.memref_slice %arg14[%dma_wait3A_339, %dma_wait3A_340] : memref<10112x128xf32, #tpu.memory_space<vmem_shared>> -> memref<10112x128xf32, #tpu.memory_space<vmem_shared>>
        tpu.wait_indirect_dma semaphore(%run_scoped3A_329 : memref<!tpu.dma_semaphore, #tpu.memory_space<semaphore_mem>>) src(%arg11 : memref<64x128xf32, #tpu.memory_space<vmem>>) dst(%dma_wait3A_341 : memref<10112x128xf32, #tpu.memory_space<vmem_shared>>)
        tpu.yield
      }) : () -> ()
      %dma_wait3A_286 = arith.constant 0 : i32
      %dma_wait3A_287 = tpu.memref_slice %arg7[%dma_wait3A_286] : memref<10240xi32, #tpu.memory_space<vmem>> -> memref<64xi32, #tpu.memory_space<vmem>>
      %dma_wait3A_288 = arith.constant 0 : i32
      %dma_wait3A_289 = arith.constant 0 : i32
      %dma_wait3A_290 = tpu.memref_slice %arg2[%dma_wait3A_288, %dma_wait3A_289] : memref<10000x128xf32, #tpu.memory_space<hbm>> -> memref<10000x128xf32, #tpu.memory_space<hbm>>
      tpu.wait_indirect_dma semaphore(%arg17 : memref<!tpu.dma_semaphore, #tpu.memory_space<semaphore_mem>>) src(%dma_wait3A_290 : memref<10000x128xf32, #tpu.memory_space<hbm>>) dst(%arg12 : memref<64x128xf32, #tpu.memory_space<vmem>>)
      %add3A_291 = arith.constant 17 : i32
      %add3A_292 = arith.addi %mul3A_73, %add3A_291 : i32
      %mul3A_293 = arith.constant 64 : i32
      %mul3A_294 = arith.muli %add3A_292, %mul3A_293 : i32
      %add3A_295 = arith.constant 14 : i32
      %add3A_296 = arith.addi %mul3A_73, %add3A_295 : i32
      %add3A_297 = arith.constant 3 : i32
      %add3A_298 = arith.addi %add3A_296, %add3A_297 : i32
      %lt3A_299 = arith.constant 160 : i32
      %lt3A_300 = arith.cmpi slt, %add3A_298, %lt3A_299 : i32
      %convert_element_type3A_301 = arith.extui %lt3A_300 : i1 to i32
      %cond3A_302 = arith.constant 0 : i32
      %cond3A_303 = arith.cmpi ne, %convert_element_type3A_301, %cond3A_302 : i32
      scf.if %cond3A_303 {
        %dma_start3A_329 = tpu.memref_slice %arg7[%mul3A_294] : memref<10240xi32, #tpu.memory_space<vmem>> -> memref<64xi32, #tpu.memory_space<vmem>>
        %dma_start3A_330 = arith.constant 0 : i32
        %dma_start3A_331 = arith.constant 0 : i32
        %dma_start3A_332 = tpu.memref_slice %arg2[%dma_start3A_330, %dma_start3A_331] : memref<10000x128xf32, #tpu.memory_space<hbm>> -> memref<10000x128xf32, #tpu.memory_space<hbm>>
        tpu.enqueue_indirect_dma source(%dma_start3A_332 : memref<10000x128xf32, #tpu.memory_space<hbm>>) target(%arg11 : memref<64x128xf32, #tpu.memory_space<vmem>>) offsets(%dma_start3A_329 : memref<64xi32, #tpu.memory_space<vmem>>) semaphore(%arg16 : memref<!tpu.dma_semaphore, #tpu.memory_space<semaphore_mem>>)
      } else {
      }
      %run_scoped3A_304 = arith.constant 6 : i32
      "tpu.region"() ({
        %run_scoped3A_329 = tpu.sem_alloc : memref<!tpu.dma_semaphore, #tpu.memory_space<semaphore_mem>>
        %dma_start3A_330 = arith.constant 0 : i32
        %dma_start3A_331 = tpu.memref_slice %arg9[%run_scoped3A_304, %dma_start3A_330] : memref<8x64xi32, #tpu.memory_space<vmem>> -> memref<1x64xi32, #tpu.memory_space<vmem>>
        %dma_start3A_332 = tpu.memref_squeeze %dma_start3A_331 : memref<1x64xi32, #tpu.memory_space<vmem>> -> memref<64xi32, #tpu.memory_space<vmem>>
        %dma_start3A_333 = arith.constant 0 : i32
        %dma_start3A_334 = arith.constant 0 : i32
        %dma_start3A_335 = tpu.memref_slice %arg14[%dma_start3A_333, %dma_start3A_334] : memref<10112x128xf32, #tpu.memory_space<vmem_shared>> -> memref<10112x128xf32, #tpu.memory_space<vmem_shared>>
        tpu.enqueue_indirect_dma source(%arg12 : memref<64x128xf32, #tpu.memory_space<vmem>>) target(%dma_start3A_335 : memref<10112x128xf32, #tpu.memory_space<vmem_shared>>) offsets(%dma_start3A_332 : memref<64xi32, #tpu.memory_space<vmem>>) semaphore(%run_scoped3A_329 : memref<!tpu.dma_semaphore, #tpu.memory_space<semaphore_mem>>) {add = true}
        %dma_wait3A_336 = arith.constant 0 : i32
        %dma_wait3A_337 = tpu.memref_slice %arg9[%run_scoped3A_304, %dma_wait3A_336] : memref<8x64xi32, #tpu.memory_space<vmem>> -> memref<1x64xi32, #tpu.memory_space<vmem>>
        %dma_wait3A_338 = tpu.memref_squeeze %dma_wait3A_337 : memref<1x64xi32, #tpu.memory_space<vmem>> -> memref<64xi32, #tpu.memory_space<vmem>>
        %dma_wait3A_339 = arith.constant 0 : i32
        %dma_wait3A_340 = arith.constant 0 : i32
        %dma_wait3A_341 = tpu.memref_slice %arg14[%dma_wait3A_339, %dma_wait3A_340] : memref<10112x128xf32, #tpu.memory_space<vmem_shared>> -> memref<10112x128xf32, #tpu.memory_space<vmem_shared>>
        tpu.wait_indirect_dma semaphore(%run_scoped3A_329 : memref<!tpu.dma_semaphore, #tpu.memory_space<semaphore_mem>>) src(%arg12 : memref<64x128xf32, #tpu.memory_space<vmem>>) dst(%dma_wait3A_341 : memref<10112x128xf32, #tpu.memory_space<vmem_shared>>)
        tpu.yield
      }) : () -> ()
      %dma_wait3A_305 = arith.constant 0 : i32
      %dma_wait3A_306 = tpu.memref_slice %arg7[%dma_wait3A_305] : memref<10240xi32, #tpu.memory_space<vmem>> -> memref<64xi32, #tpu.memory_space<vmem>>
      %dma_wait3A_307 = arith.constant 0 : i32
      %dma_wait3A_308 = arith.constant 0 : i32
      %dma_wait3A_309 = tpu.memref_slice %arg2[%dma_wait3A_307, %dma_wait3A_308] : memref<10000x128xf32, #tpu.memory_space<hbm>> -> memref<10000x128xf32, #tpu.memory_space<hbm>>
      tpu.wait_indirect_dma semaphore(%arg18 : memref<!tpu.dma_semaphore, #tpu.memory_space<semaphore_mem>>) src(%dma_wait3A_309 : memref<10000x128xf32, #tpu.memory_space<hbm>>) dst(%arg13 : memref<64x128xf32, #tpu.memory_space<vmem>>)
      %add3A_310 = arith.constant 18 : i32
      %add3A_311 = arith.addi %mul3A_73, %add3A_310 : i32
      %mul3A_312 = arith.constant 64 : i32
      %mul3A_313 = arith.muli %add3A_311, %mul3A_312 : i32
      %add3A_314 = arith.constant 15 : i32
      %add3A_315 = arith.addi %mul3A_73, %add3A_314 : i32
      %add3A_316 = arith.constant 3 : i32
      %add3A_317 = arith.addi %add3A_315, %add3A_316 : i32
      %lt3A_318 = arith.constant 160 : i32
      %lt3A_319 = arith.cmpi slt, %add3A_317, %lt3A_318 : i32
      %convert_element_type3A_320 = arith.extui %lt3A_319 : i1 to i32
      %cond3A_321 = arith.constant 0 : i32
      %cond3A_322 = arith.cmpi ne, %convert_element_type3A_320, %cond3A_321 : i32
      scf.if %cond3A_322 {
        %dma_start3A_329 = tpu.memref_slice %arg7[%mul3A_313] : memref<10240xi32, #tpu.memory_space<vmem>> -> memref<64xi32, #tpu.memory_space<vmem>>
        %dma_start3A_330 = arith.constant 0 : i32
        %dma_start3A_331 = arith.constant 0 : i32
        %dma_start3A_332 = tpu.memref_slice %arg2[%dma_start3A_330, %dma_start3A_331] : memref<10000x128xf32, #tpu.memory_space<hbm>> -> memref<10000x128xf32, #tpu.memory_space<hbm>>
        tpu.enqueue_indirect_dma source(%dma_start3A_332 : memref<10000x128xf32, #tpu.memory_space<hbm>>) target(%arg12 : memref<64x128xf32, #tpu.memory_space<vmem>>) offsets(%dma_start3A_329 : memref<64xi32, #tpu.memory_space<vmem>>) semaphore(%arg17 : memref<!tpu.dma_semaphore, #tpu.memory_space<semaphore_mem>>)
      } else {
      }
      %run_scoped3A_323 = arith.constant 7 : i32
      "tpu.region"() ({
        %run_scoped3A_329 = tpu.sem_alloc : memref<!tpu.dma_semaphore, #tpu.memory_space<semaphore_mem>>
        %dma_start3A_330 = arith.constant 0 : i32
        %dma_start3A_331 = tpu.memref_slice %arg9[%run_scoped3A_323, %dma_start3A_330] : memref<8x64xi32, #tpu.memory_space<vmem>> -> memref<1x64xi32, #tpu.memory_space<vmem>>
        %dma_start3A_332 = tpu.memref_squeeze %dma_start3A_331 : memref<1x64xi32, #tpu.memory_space<vmem>> -> memref<64xi32, #tpu.memory_space<vmem>>
        %dma_start3A_333 = arith.constant 0 : i32
        %dma_start3A_334 = arith.constant 0 : i32
        %dma_start3A_335 = tpu.memref_slice %arg14[%dma_start3A_333, %dma_start3A_334] : memref<10112x128xf32, #tpu.memory_space<vmem_shared>> -> memref<10112x128xf32, #tpu.memory_space<vmem_shared>>
        tpu.enqueue_indirect_dma source(%arg13 : memref<64x128xf32, #tpu.memory_space<vmem>>) target(%dma_start3A_335 : memref<10112x128xf32, #tpu.memory_space<vmem_shared>>) offsets(%dma_start3A_332 : memref<64xi32, #tpu.memory_space<vmem>>) semaphore(%run_scoped3A_329 : memref<!tpu.dma_semaphore, #tpu.memory_space<semaphore_mem>>) {add = true}
        %dma_wait3A_336 = arith.constant 0 : i32
        %dma_wait3A_337 = tpu.memref_slice %arg9[%run_scoped3A_323, %dma_wait3A_336] : memref<8x64xi32, #tpu.memory_space<vmem>> -> memref<1x64xi32, #tpu.memory_space<vmem>>
        %dma_wait3A_338 = tpu.memref_squeeze %dma_wait3A_337 : memref<1x64xi32, #tpu.memory_space<vmem>> -> memref<64xi32, #tpu.memory_space<vmem>>
        %dma_wait3A_339 = arith.constant 0 : i32
        %dma_wait3A_340 = arith.constant 0 : i32
        %dma_wait3A_341 = tpu.memref_slice %arg14[%dma_wait3A_339, %dma_wait3A_340] : memref<10112x128xf32, #tpu.memory_space<vmem_shared>> -> memref<10112x128xf32, #tpu.memory_space<vmem_shared>>
        tpu.wait_indirect_dma semaphore(%run_scoped3A_329 : memref<!tpu.dma_semaphore, #tpu.memory_space<semaphore_mem>>) src(%arg13 : memref<64x128xf32, #tpu.memory_space<vmem>>) dst(%dma_wait3A_341 : memref<10112x128xf32, #tpu.memory_space<vmem_shared>>)
        tpu.yield
      }) : () -> ()
      %lt3A_324 = arith.constant 9 : i32
      %lt3A_325 = arith.cmpi slt, %scan3A_69, %lt3A_324 : i32
      %convert_element_type3A_326 = arith.extui %lt3A_325 : i1 to i32
      %cond3A_327 = arith.constant 0 : i32
      %cond3A_328 = arith.cmpi ne, %convert_element_type3A_326, %cond3A_327 : i32
      scf.if %cond3A_328 {
        %mul3A_329 = arith.constant 2 : i32
        %mul3A_330 = arith.muli %scan3A_69, %mul3A_329 : i32
        %add3A_331 = arith.constant 3 : i32
        %add3A_332 = arith.addi %mul3A_330, %add3A_331 : i32
        %mul3A_333 = arith.constant 8 : i32
        %mul3A_334 = arith.muli %add3A_332, %mul3A_333 : i32
        %add3A_335 = arith.addi %mul3A_2, %mul3A_334 : i32
        %dma_start3A_336 = arith.constant 0 : i32
        %dma_start3A_337 = tpu.memref_slice %arg4[%add3A_335, %dma_start3A_336] : memref<5120x64xi32, #tpu.memory_space<hbm>> -> memref<8x64xi32, #tpu.memory_space<hbm>>
        %dma_start3A_338 = arith.constant 0 : i32
        %dma_start3A_339 = tpu.memref_slice %arg4[%add3A_335, %dma_start3A_338] : memref<5120x64xi32, #tpu.memory_space<hbm>> -> memref<8x64xi32, #tpu.memory_space<hbm>>
        tpu.enqueue_dma source(%dma_start3A_339 : memref<8x64xi32, #tpu.memory_space<hbm>>) target(%arg9 : memref<8x64xi32, #tpu.memory_space<vmem>>) target_semaphore(%arg20 : memref<!tpu.dma_semaphore, #tpu.memory_space<semaphore_mem>>)
      } else {
      }
    }
    %scan3A_60 = arith.constant 10 : i32
    %barrier3A_61 = arith.constant 0 : index
    tpu.barrier barrier_id(%barrier3A_61)
    %mul3A_62 = arith.constant 632 : i32
    %mul3A_63 = arith.muli %arg1, %mul3A_62 : i32
    %mul3A_64 = arith.constant 10112 : i32
    %mul3A_65 = arith.muli %arg0, %mul3A_64 : i32
    %mul3A_66 = arith.constant 632 : i32
    %mul3A_67 = arith.muli %arg1, %mul3A_66 : i32
    %add3A_68 = arith.addi %mul3A_65, %mul3A_67 : i32
    "tpu.region"() ({
      %run_scoped3A = tpu.sem_alloc : memref<!tpu.dma_semaphore, #tpu.memory_space<semaphore_mem>>
      %dma_start3A_69 = arith.constant 0 : i32
      %dma_start3A_70 = tpu.memref_slice %arg6[%add3A_68, %dma_start3A_69] : memref<20224x128xf32, #tpu.memory_space<hbm>> -> memref<632x128xf32, #tpu.memory_space<hbm>>
      %dma_start3A_71 = arith.constant 0 : i32
      %dma_start3A_72 = tpu.memref_slice %arg14[%mul3A_63, %dma_start3A_71] : memref<10112x128xf32, #tpu.memory_space<vmem_shared>> -> memref<632x128xf32, #tpu.memory_space<vmem_shared>>
      tpu.enqueue_dma source(%dma_start3A_72 : memref<632x128xf32, #tpu.memory_space<vmem_shared>>) target(%dma_start3A_70 : memref<632x128xf32, #tpu.memory_space<hbm>>) target_semaphore(%run_scoped3A : memref<!tpu.dma_semaphore, #tpu.memory_space<semaphore_mem>>)
      %dma_wait3A = arith.constant 0 : i32
      %dma_wait3A_73 = tpu.memref_slice %arg6[%add3A_68, %dma_wait3A] : memref<20224x128xf32, #tpu.memory_space<hbm>> -> memref<632x128xf32, #tpu.memory_space<hbm>>
      %dma_wait3A_74 = arith.constant 0 : i32
      %dma_wait3A_75 = tpu.memref_slice %arg14[%mul3A_63, %dma_wait3A_74] : memref<10112x128xf32, #tpu.memory_space<vmem_shared>> -> memref<632x128xf32, #tpu.memory_space<vmem_shared>>
      tpu.wait_dma2 semaphore(%run_scoped3A : memref<!tpu.dma_semaphore, #tpu.memory_space<semaphore_mem>>) src(%dma_wait3A_75 : memref<632x128xf32, #tpu.memory_space<vmem_shared>>) dst(%dma_wait3A_73 : memref<632x128xf32, #tpu.memory_space<hbm>>)
      tpu.yield
    }) : () -> ()
    return
  }
}

#map = affine_map<(d0, d1) -> (0, 0)>
#map1 = affine_map<(d0, d1) -> (0)>
module attributes {stable_mosaic.version = 14 : i64} {
  func.func @sc_agg(%arg0: i32, %arg1: i32, %arg2: memref<10000x128xf32, #tpu.memory_space<hbm>>, %arg3: memref<327680xi32, #tpu.memory_space<hbm>>, %arg4: memref<5120x64xi32, #tpu.memory_space<hbm>>, %arg5: memref<632x128xf32, #tpu.memory_space<hbm>>, %arg6: memref<20224x128xf32, #tpu.memory_space<hbm>>, %arg7: memref<10240xi32, #tpu.memory_space<vmem>>, %arg8: memref<8x64xi32, #tpu.memory_space<vmem>>, %arg9: memref<8x64xi32, #tpu.memory_space<vmem>>, %arg10: memref<64x128xf32, #tpu.memory_space<vmem>>, %arg11: memref<64x128xf32, #tpu.memory_space<vmem>>, %arg12: memref<64x128xf32, #tpu.memory_space<vmem>>, %arg13: memref<64x128xf32, #tpu.memory_space<vmem>>, %arg14: memref<10112x128xf32, #tpu.memory_space<vmem_shared>>, %arg15: memref<!tpu.dma_semaphore, #tpu.memory_space<semaphore_mem>>, %arg16: memref<!tpu.dma_semaphore, #tpu.memory_space<semaphore_mem>>, %arg17: memref<!tpu.dma_semaphore, #tpu.memory_space<semaphore_mem>>, %arg18: memref<!tpu.dma_semaphore, #tpu.memory_space<semaphore_mem>>, %arg19: memref<!tpu.dma_semaphore, #tpu.memory_space<semaphore_mem>>, %arg20: memref<!tpu.dma_semaphore, #tpu.memory_space<semaphore_mem>>) attributes {dimension_semantics = [#tpu.dimension_semantics<core_parallel>, #tpu.dimension_semantics<subcore_parallel>], iteration_bounds = array<i64: 2, 16>, scalar_prefetch = 0 : i64, scratch_operands = 14 : i64, tpu.core_type = #tpu.core_type<sc_vector_subcore>, window_params = [{transform_indices = #map}, {transform_indices = #map1}, {transform_indices = #map}, {transform_indices = #map}, {transform_indices = #map}]} {
    %mul3A = arith.constant 16 : i32
    %mul3A_0 = arith.muli %arg0, %mul3A : i32
    %add3A = arith.addi %mul3A_0, %arg1 : i32
    %mul3A_1 = arith.constant 160 : i32
    %mul3A_2 = arith.muli %add3A, %mul3A_1 : i32
    %eq3A = arith.constant 1 : i32
    %eq3A_3 = arith.cmpi eq, %arg0, %eq3A : i32
    %convert_element_type3A = arith.extui %eq3A_3 : i1 to i32
    %cond3A = arith.constant 0 : i32
    %cond3A_4 = arith.cmpi ne, %convert_element_type3A, %cond3A : i32
    scf.if %cond3A_4 {
      %mul3A_69 = arith.constant 632 : i32
      %mul3A_70 = arith.muli %arg1, %mul3A_69 : i32
      %dma_start3A_71 = arith.constant 0 : i32
      %dma_start3A_72 = tpu.memref_slice %arg14[%mul3A_70, %dma_start3A_71] : memref<10112x128xf32, #tpu.memory_space<vmem_shared>> -> memref<632x128xf32, #tpu.memory_space<vmem_shared>>
      tpu.enqueue_dma source(%arg5 : memref<632x128xf32, #tpu.memory_space<hbm>>) target(%dma_start3A_72 : memref<632x128xf32, #tpu.memory_space<vmem_shared>>) target_semaphore(%arg19 : memref<!tpu.dma_semaphore, #tpu.memory_space<semaphore_mem>>)
    } else {
    }
    %eq3A_5 = arith.constant 0 : i32
    %eq3A_6 = arith.cmpi eq, %arg0, %eq3A_5 : i32
    %lt3A = arith.constant 15 : i32
    %lt3A_7 = arith.cmpi slt, %arg1, %lt3A : i32
    %and3A = arith.andi %eq3A_6, %lt3A_7 : i1
    %convert_element_type3A_8 = arith.extui %and3A : i1 to i32
    %cond3A_9 = arith.constant 0 : i32
    %cond3A_10 = arith.cmpi ne, %convert_element_type3A_8, %cond3A_9 : i32
    scf.if %cond3A_10 {
      %mul3A_69 = arith.constant 632 : i32
      %mul3A_70 = arith.muli %arg1, %mul3A_69 : i32
      %mul3A_71 = arith.constant 632 : i32
      %mul3A_72 = arith.muli %arg1, %mul3A_71 : i32
      %dma_start3A_73 = arith.constant 0 : i32
      %dma_start3A_74 = tpu.memref_slice %arg14[%mul3A_72, %dma_start3A_73] : memref<10112x128xf32, #tpu.memory_space<vmem_shared>> -> memref<632x128xf32, #tpu.memory_space<vmem_shared>>
      %dma_start3A_75 = arith.constant 0 : i32
      %dma_start3A_76 = tpu.memref_slice %arg2[%mul3A_70, %dma_start3A_75] : memref<10000x128xf32, #tpu.memory_space<hbm>> -> memref<632x128xf32, #tpu.memory_space<hbm>>
      tpu.enqueue_dma source(%dma_start3A_76 : memref<632x128xf32, #tpu.memory_space<hbm>>) target(%dma_start3A_74 : memref<632x128xf32, #tpu.memory_space<vmem_shared>>) target_semaphore(%arg19 : memref<!tpu.dma_semaphore, #tpu.memory_space<semaphore_mem>>)
    } else {
    }
    %eq3A_11 = arith.constant 0 : i32
    %eq3A_12 = arith.cmpi eq, %arg0, %eq3A_11 : i32
    %eq3A_13 = arith.constant 15 : i32
    %eq3A_14 = arith.cmpi eq, %arg1, %eq3A_13 : i32
    %and3A_15 = arith.andi %eq3A_12, %eq3A_14 : i1
    %convert_element_type3A_16 = arith.extui %and3A_15 : i1 to i32
    %cond3A_17 = arith.constant 0 : i32
    %cond3A_18 = arith.cmpi ne, %convert_element_type3A_16, %cond3A_17 : i32
    scf.if %cond3A_18 {
      %dma_start3A_69 = arith.constant 9480 : i32
      %dma_start3A_70 = arith.constant 0 : i32
      %dma_start3A_71 = tpu.memref_slice %arg14[%dma_start3A_69, %dma_start3A_70] : memref<10112x128xf32, #tpu.memory_space<vmem_shared>> -> memref<520x128xf32, #tpu.memory_space<vmem_shared>>
      %dma_start3A_72 = arith.constant 9480 : i32
      %dma_start3A_73 = arith.constant 0 : i32
      %dma_start3A_74 = tpu.memref_slice %arg2[%dma_start3A_72, %dma_start3A_73] : memref<10000x128xf32, #tpu.memory_space<hbm>> -> memref<520x128xf32, #tpu.memory_space<hbm>>
      tpu.enqueue_dma source(%dma_start3A_74 : memref<520x128xf32, #tpu.memory_space<hbm>>) target(%dma_start3A_71 : memref<520x128xf32, #tpu.memory_space<vmem_shared>>) target_semaphore(%arg19 : memref<!tpu.dma_semaphore, #tpu.memory_space<semaphore_mem>>)
      "tpu.region"() ({
        %run_scoped3A = tpu.sem_alloc : memref<!tpu.dma_semaphore, #tpu.memory_space<semaphore_mem>>
        %dma_start3A_75 = arith.constant 10000 : i32
        %dma_start3A_76 = arith.constant 0 : i32
        %dma_start3A_77 = tpu.memref_slice %arg14[%dma_start3A_75, %dma_start3A_76] : memref<10112x128xf32, #tpu.memory_space<vmem_shared>> -> memref<112x128xf32, #tpu.memory_space<vmem_shared>>
        %dma_start3A_78 = arith.constant 0 : i32
        %dma_start3A_79 = arith.constant 0 : i32
        %dma_start3A_80 = tpu.memref_slice %arg5[%dma_start3A_78, %dma_start3A_79] : memref<632x128xf32, #tpu.memory_space<hbm>> -> memref<112x128xf32, #tpu.memory_space<hbm>>
        tpu.enqueue_dma source(%dma_start3A_80 : memref<112x128xf32, #tpu.memory_space<hbm>>) target(%dma_start3A_77 : memref<112x128xf32, #tpu.memory_space<vmem_shared>>) target_semaphore(%run_scoped3A : memref<!tpu.dma_semaphore, #tpu.memory_space<semaphore_mem>>)
        %dma_wait3A = arith.constant 10000 : i32
        %dma_wait3A_81 = arith.constant 0 : i32
        %dma_wait3A_82 = tpu.memref_slice %arg14[%dma_wait3A, %dma_wait3A_81] : memref<10112x128xf32, #tpu.memory_space<vmem_shared>> -> memref<112x128xf32, #tpu.memory_space<vmem_shared>>
        %dma_wait3A_83 = arith.constant 0 : i32
        %dma_wait3A_84 = arith.constant 0 : i32
        %dma_wait3A_85 = tpu.memref_slice %arg5[%dma_wait3A_83, %dma_wait3A_84] : memref<632x128xf32, #tpu.memory_space<hbm>> -> memref<112x128xf32, #tpu.memory_space<hbm>>
        tpu.wait_dma2 semaphore(%run_scoped3A : memref<!tpu.dma_semaphore, #tpu.memory_space<semaphore_mem>>) src(%dma_wait3A_85 : memref<112x128xf32, #tpu.memory_space<hbm>>) dst(%dma_wait3A_82 : memref<112x128xf32, #tpu.memory_space<vmem_shared>>)
        tpu.yield
      }) : () -> ()
    } else {
    }
    %mul3A_19 = arith.constant 10240 : i32
    %mul3A_20 = arith.muli %add3A, %mul3A_19 : i32
    "tpu.region"() ({
      %run_scoped3A = tpu.sem_alloc : memref<!tpu.dma_semaphore, #tpu.memory_space<semaphore_mem>>
      %dma_start3A_69 = tpu.memref_slice %arg3[%mul3A_20] : memref<327680xi32, #tpu.memory_space<hbm>> -> memref<10240xi32, #tpu.memory_space<hbm>>
      %dma_start3A_70 = tpu.memref_slice %arg3[%mul3A_20] : memref<327680xi32, #tpu.memory_space<hbm>> -> memref<10240xi32, #tpu.memory_space<hbm>>
      tpu.enqueue_dma source(%dma_start3A_70 : memref<10240xi32, #tpu.memory_space<hbm>>) target(%arg7 : memref<10240xi32, #tpu.memory_space<vmem>>) target_semaphore(%run_scoped3A : memref<!tpu.dma_semaphore, #tpu.memory_space<semaphore_mem>>)
      %dma_wait3A = tpu.memref_slice %arg3[%mul3A_20] : memref<327680xi32, #tpu.memory_space<hbm>> -> memref<10240xi32, #tpu.memory_space<hbm>>
      %dma_wait3A_71 = tpu.memref_slice %arg3[%mul3A_20] : memref<327680xi32, #tpu.memory_space<hbm>> -> memref<10240xi32, #tpu.memory_space<hbm>>
      tpu.wait_dma2 semaphore(%run_scoped3A : memref<!tpu.dma_semaphore, #tpu.memory_space<semaphore_mem>>) src(%dma_wait3A_71 : memref<10240xi32, #tpu.memory_space<hbm>>) dst(%arg7 : memref<10240xi32, #tpu.memory_space<vmem>>)
      tpu.yield
    }) : () -> ()
    "tpu.region"() ({
      %run_scoped3A = tpu.sem_alloc : memref<!tpu.dma_semaphore, #tpu.memory_space<semaphore_mem>>
      %dma_start3A_69 = arith.constant 0 : i32
      %dma_start3A_70 = tpu.memref_slice %arg4[%mul3A_2, %dma_start3A_69] : memref<5120x64xi32, #tpu.memory_space<hbm>> -> memref<8x64xi32, #tpu.memory_space<hbm>>
      %dma_start3A_71 = arith.constant 0 : i32
      %dma_start3A_72 = tpu.memref_slice %arg4[%mul3A_2, %dma_start3A_71] : memref<5120x64xi32, #tpu.memory_space<hbm>> -> memref<8x64xi32, #tpu.memory_space<hbm>>
      tpu.enqueue_dma source(%dma_start3A_72 : memref<8x64xi32, #tpu.memory_space<hbm>>) target(%arg8 : memref<8x64xi32, #tpu.memory_space<vmem>>) target_semaphore(%run_scoped3A : memref<!tpu.dma_semaphore, #tpu.memory_space<semaphore_mem>>)
      %dma_wait3A = arith.constant 0 : i32
      %dma_wait3A_73 = tpu.memref_slice %arg4[%mul3A_2, %dma_wait3A] : memref<5120x64xi32, #tpu.memory_space<hbm>> -> memref<8x64xi32, #tpu.memory_space<hbm>>
      %dma_wait3A_74 = arith.constant 0 : i32
      %dma_wait3A_75 = tpu.memref_slice %arg4[%mul3A_2, %dma_wait3A_74] : memref<5120x64xi32, #tpu.memory_space<hbm>> -> memref<8x64xi32, #tpu.memory_space<hbm>>
      tpu.wait_dma2 semaphore(%run_scoped3A : memref<!tpu.dma_semaphore, #tpu.memory_space<semaphore_mem>>) src(%dma_wait3A_75 : memref<8x64xi32, #tpu.memory_space<hbm>>) dst(%arg8 : memref<8x64xi32, #tpu.memory_space<vmem>>)
      tpu.yield
    }) : () -> ()
    %add3A_21 = arith.constant 8 : i32
    %add3A_22 = arith.addi %mul3A_2, %add3A_21 : i32
    %dma_start3A = arith.constant 0 : i32
    %dma_start3A_23 = tpu.memref_slice %arg4[%add3A_22, %dma_start3A] : memref<5120x64xi32, #tpu.memory_space<hbm>> -> memref<8x64xi32, #tpu.memory_space<hbm>>
    %dma_start3A_24 = arith.constant 0 : i32
    %dma_start3A_25 = tpu.memref_slice %arg4[%add3A_22, %dma_start3A_24] : memref<5120x64xi32, #tpu.memory_space<hbm>> -> memref<8x64xi32, #tpu.memory_space<hbm>>
    tpu.enqueue_dma source(%dma_start3A_25 : memref<8x64xi32, #tpu.memory_space<hbm>>) target(%arg9 : memref<8x64xi32, #tpu.memory_space<vmem>>) target_semaphore(%arg20 : memref<!tpu.dma_semaphore, #tpu.memory_space<semaphore_mem>>)
    %dma_start3A_26 = arith.constant 0 : i32
    %dma_start3A_27 = tpu.memref_slice %arg7[%dma_start3A_26] : memref<10240xi32, #tpu.memory_space<vmem>> -> memref<64xi32, #tpu.memory_space<vmem>>
    %dma_start3A_28 = arith.constant 0 : i32
    %dma_start3A_29 = arith.constant 0 : i32
    %dma_start3A_30 = tpu.memref_slice %arg2[%dma_start3A_28, %dma_start3A_29] : memref<10000x128xf32, #tpu.memory_space<hbm>> -> memref<10000x128xf32, #tpu.memory_space<hbm>>
    tpu.enqueue_indirect_dma source(%dma_start3A_30 : memref<10000x128xf32, #tpu.memory_space<hbm>>) target(%arg10 : memref<64x128xf32, #tpu.memory_space<vmem>>) offsets(%dma_start3A_27 : memref<64xi32, #tpu.memory_space<vmem>>) semaphore(%arg15 : memref<!tpu.dma_semaphore, #tpu.memory_space<semaphore_mem>>)
    %dma_start3A_31 = arith.constant 64 : i32
    %dma_start3A_32 = tpu.memref_slice %arg7[%dma_start3A_31] : memref<10240xi32, #tpu.memory_space<vmem>> -> memref<64xi32, #tpu.memory_space<vmem>>
    %dma_start3A_33 = arith.constant 0 : i32
    %dma_start3A_34 = arith.constant 0 : i32
    %dma_start3A_35 = tpu.memref_slice %arg2[%dma_start3A_33, %dma_start3A_34] : memref<10000x128xf32, #tpu.memory_space<hbm>> -> memref<10000x128xf32, #tpu.memory_space<hbm>>
    tpu.enqueue_indirect_dma source(%dma_start3A_35 : memref<10000x128xf32, #tpu.memory_space<hbm>>) target(%arg11 : memref<64x128xf32, #tpu.memory_space<vmem>>) offsets(%dma_start3A_32 : memref<64xi32, #tpu.memory_space<vmem>>) semaphore(%arg16 : memref<!tpu.dma_semaphore, #tpu.memory_space<semaphore_mem>>)
    %dma_start3A_36 = arith.constant 128 : i32
    %dma_start3A_37 = tpu.memref_slice %arg7[%dma_start3A_36] : memref<10240xi32, #tpu.memory_space<vmem>> -> memref<64xi32, #tpu.memory_space<vmem>>
    %dma_start3A_38 = arith.constant 0 : i32
    %dma_start3A_39 = arith.constant 0 : i32
    %dma_start3A_40 = tpu.memref_slice %arg2[%dma_start3A_38, %dma_start3A_39] : memref<10000x128xf32, #tpu.memory_space<hbm>> -> memref<10000x128xf32, #tpu.memory_space<hbm>>
    tpu.enqueue_indirect_dma source(%dma_start3A_40 : memref<10000x128xf32, #tpu.memory_space<hbm>>) target(%arg12 : memref<64x128xf32, #tpu.memory_space<vmem>>) offsets(%dma_start3A_37 : memref<64xi32, #tpu.memory_space<vmem>>) semaphore(%arg17 : memref<!tpu.dma_semaphore, #tpu.memory_space<semaphore_mem>>)
    %eq3A_41 = arith.constant 1 : i32
    %eq3A_42 = arith.cmpi eq, %arg0, %eq3A_41 : i32
    %lt3A_43 = arith.constant 15 : i32
    %lt3A_44 = arith.cmpi slt, %arg1, %lt3A_43 : i32
    %or3A = arith.ori %eq3A_42, %lt3A_44 : i1
    %convert_element_type3A_45 = arith.extui %or3A : i1 to i32
    %cond3A_46 = arith.constant 0 : i32
    %cond3A_47 = arith.cmpi ne, %convert_element_type3A_45, %cond3A_46 : i32
    scf.if %cond3A_47 {
      %mul3A_69 = arith.constant 632 : i32
      %mul3A_70 = arith.muli %arg1, %mul3A_69 : i32
      %dma_wait3A = arith.constant 0 : i32
      %dma_wait3A_71 = tpu.memref_slice %arg14[%mul3A_70, %dma_wait3A] : memref<10112x128xf32, #tpu.memory_space<vmem_shared>> -> memref<632x128xf32, #tpu.memory_space<vmem_shared>>
      tpu.wait_dma2 semaphore(%arg19 : memref<!tpu.dma_semaphore, #tpu.memory_space<semaphore_mem>>) src(%arg5 : memref<632x128xf32, #tpu.memory_space<hbm>>) dst(%dma_wait3A_71 : memref<632x128xf32, #tpu.memory_space<vmem_shared>>)
    } else {
    }
    %eq3A_48 = arith.constant 0 : i32
    %eq3A_49 = arith.cmpi eq, %arg0, %eq3A_48 : i32
    %eq3A_50 = arith.constant 15 : i32
    %eq3A_51 = arith.cmpi eq, %arg1, %eq3A_50 : i32
    %and3A_52 = arith.andi %eq3A_49, %eq3A_51 : i1
    %convert_element_type3A_53 = arith.extui %and3A_52 : i1 to i32
    %cond3A_54 = arith.constant 0 : i32
    %cond3A_55 = arith.cmpi ne, %convert_element_type3A_53, %cond3A_54 : i32
    scf.if %cond3A_55 {
      %dma_wait3A = arith.constant 9480 : i32
      %dma_wait3A_69 = arith.constant 0 : i32
      %dma_wait3A_70 = tpu.memref_slice %arg14[%dma_wait3A, %dma_wait3A_69] : memref<10112x128xf32, #tpu.memory_space<vmem_shared>> -> memref<520x128xf32, #tpu.memory_space<vmem_shared>>
      %dma_wait3A_71 = arith.constant 9480 : i32
      %dma_wait3A_72 = arith.constant 0 : i32
      %dma_wait3A_73 = tpu.memref_slice %arg2[%dma_wait3A_71, %dma_wait3A_72] : memref<10000x128xf32, #tpu.memory_space<hbm>> -> memref<520x128xf32, #tpu.memory_space<hbm>>
      tpu.wait_dma2 semaphore(%arg19 : memref<!tpu.dma_semaphore, #tpu.memory_space<semaphore_mem>>) src(%dma_wait3A_73 : memref<520x128xf32, #tpu.memory_space<hbm>>) dst(%dma_wait3A_70 : memref<520x128xf32, #tpu.memory_space<vmem_shared>>)
    } else {
    }
    %barrier3A = arith.constant 0 : index
    tpu.barrier barrier_id(%barrier3A)
    %scan3A = arith.constant 0 : i32
    %scan3A_56 = arith.constant 0 : i32
    %scan3A_57 = arith.constant 10 : i32
    %scan3A_58 = arith.addi %scan3A_56, %scan3A_57 : i32
    %scan3A_59 = arith.constant 1 : i32
    scf.for %scan3A_69 = %scan3A_56 to %scan3A_58 step %scan3A_59  : i32 {
      %mul3A_70 = arith.constant 2 : i32
      %mul3A_71 = arith.muli %scan3A_69, %mul3A_70 : i32
      %mul3A_72 = arith.constant 8 : i32
      %mul3A_73 = arith.muli %mul3A_71, %mul3A_72 : i32
      %gt3A = arith.constant 0 : i32
      %gt3A_74 = arith.cmpi sgt, %scan3A_69, %gt3A : i32
      %convert_element_type3A_75 = arith.extui %gt3A_74 : i1 to i32
      %cond3A_76 = arith.constant 0 : i32
      %cond3A_77 = arith.cmpi ne, %convert_element_type3A_75, %cond3A_76 : i32
      scf.if %cond3A_77 {
        %dma_wait3A_329 = arith.constant 0 : i32
        %dma_wait3A_330 = tpu.memref_slice %arg4[%mul3A_2, %dma_wait3A_329] : memref<5120x64xi32, #tpu.memory_space<hbm>> -> memref<8x64xi32, #tpu.memory_space<hbm>>
        %dma_wait3A_331 = arith.constant 0 : i32
        %dma_wait3A_332 = tpu.memref_slice %arg4[%mul3A_2, %dma_wait3A_331] : memref<5120x64xi32, #tpu.memory_space<hbm>> -> memref<8x64xi32, #tpu.memory_space<hbm>>
        tpu.wait_dma2 semaphore(%arg19 : memref<!tpu.dma_semaphore, #tpu.memory_space<semaphore_mem>>) src(%dma_wait3A_332 : memref<8x64xi32, #tpu.memory_space<hbm>>) dst(%arg8 : memref<8x64xi32, #tpu.memory_space<vmem>>)
      } else {
      }
      %dma_wait3A = arith.constant 0 : i32
      %dma_wait3A_78 = tpu.memref_slice %arg7[%dma_wait3A] : memref<10240xi32, #tpu.memory_space<vmem>> -> memref<64xi32, #tpu.memory_space<vmem>>
      %dma_wait3A_79 = arith.constant 0 : i32
      %dma_wait3A_80 = arith.constant 0 : i32
      %dma_wait3A_81 = tpu.memref_slice %arg2[%dma_wait3A_79, %dma_wait3A_80] : memref<10000x128xf32, #tpu.memory_space<hbm>> -> memref<10000x128xf32, #tpu.memory_space<hbm>>
      tpu.wait_indirect_dma semaphore(%arg15 : memref<!tpu.dma_semaphore, #tpu.memory_space<semaphore_mem>>) src(%dma_wait3A_81 : memref<10000x128xf32, #tpu.memory_space<hbm>>) dst(%arg10 : memref<64x128xf32, #tpu.memory_space<vmem>>)
      %add3A_82 = arith.constant 3 : i32
      %add3A_83 = arith.addi %mul3A_73, %add3A_82 : i32
      %mul3A_84 = arith.constant 64 : i32
      %mul3A_85 = arith.muli %add3A_83, %mul3A_84 : i32
      %dma_start3A_86 = tpu.memref_slice %arg7[%mul3A_85] : memref<10240xi32, #tpu.memory_space<vmem>> -> memref<64xi32, #tpu.memory_space<vmem>>
      %dma_start3A_87 = arith.constant 0 : i32
      %dma_start3A_88 = arith.constant 0 : i32
      %dma_start3A_89 = tpu.memref_slice %arg2[%dma_start3A_87, %dma_start3A_88] : memref<10000x128xf32, #tpu.memory_space<hbm>> -> memref<10000x128xf32, #tpu.memory_space<hbm>>
      tpu.enqueue_indirect_dma source(%dma_start3A_89 : memref<10000x128xf32, #tpu.memory_space<hbm>>) target(%arg13 : memref<64x128xf32, #tpu.memory_space<vmem>>) offsets(%dma_start3A_86 : memref<64xi32, #tpu.memory_space<vmem>>) semaphore(%arg18 : memref<!tpu.dma_semaphore, #tpu.memory_space<semaphore_mem>>)
      %run_scoped3A = arith.constant 0 : i32
      "tpu.region"() ({
        %run_scoped3A_329 = tpu.sem_alloc : memref<!tpu.dma_semaphore, #tpu.memory_space<semaphore_mem>>
        %dma_start3A_330 = arith.constant 0 : i32
        %dma_start3A_331 = tpu.memref_slice %arg8[%run_scoped3A, %dma_start3A_330] : memref<8x64xi32, #tpu.memory_space<vmem>> -> memref<1x64xi32, #tpu.memory_space<vmem>>
        %dma_start3A_332 = tpu.memref_squeeze %dma_start3A_331 : memref<1x64xi32, #tpu.memory_space<vmem>> -> memref<64xi32, #tpu.memory_space<vmem>>
        %dma_start3A_333 = arith.constant 0 : i32
        %dma_start3A_334 = arith.constant 0 : i32
        %dma_start3A_335 = tpu.memref_slice %arg14[%dma_start3A_333, %dma_start3A_334] : memref<10112x128xf32, #tpu.memory_space<vmem_shared>> -> memref<10112x128xf32, #tpu.memory_space<vmem_shared>>
        tpu.enqueue_indirect_dma source(%arg10 : memref<64x128xf32, #tpu.memory_space<vmem>>) target(%dma_start3A_335 : memref<10112x128xf32, #tpu.memory_space<vmem_shared>>) offsets(%dma_start3A_332 : memref<64xi32, #tpu.memory_space<vmem>>) semaphore(%run_scoped3A_329 : memref<!tpu.dma_semaphore, #tpu.memory_space<semaphore_mem>>) {add = true}
        %dma_wait3A_336 = arith.constant 0 : i32
        %dma_wait3A_337 = tpu.memref_slice %arg8[%run_scoped3A, %dma_wait3A_336] : memref<8x64xi32, #tpu.memory_space<vmem>> -> memref<1x64xi32, #tpu.memory_space<vmem>>
        %dma_wait3A_338 = tpu.memref_squeeze %dma_wait3A_337 : memref<1x64xi32, #tpu.memory_space<vmem>> -> memref<64xi32, #tpu.memory_space<vmem>>
        %dma_wait3A_339 = arith.constant 0 : i32
        %dma_wait3A_340 = arith.constant 0 : i32
        %dma_wait3A_341 = tpu.memref_slice %arg14[%dma_wait3A_339, %dma_wait3A_340] : memref<10112x128xf32, #tpu.memory_space<vmem_shared>> -> memref<10112x128xf32, #tpu.memory_space<vmem_shared>>
        tpu.wait_indirect_dma semaphore(%run_scoped3A_329 : memref<!tpu.dma_semaphore, #tpu.memory_space<semaphore_mem>>) src(%arg10 : memref<64x128xf32, #tpu.memory_space<vmem>>) dst(%dma_wait3A_341 : memref<10112x128xf32, #tpu.memory_space<vmem_shared>>)
        tpu.yield
      }) : () -> ()
      %dma_wait3A_90 = arith.constant 0 : i32
      %dma_wait3A_91 = tpu.memref_slice %arg7[%dma_wait3A_90] : memref<10240xi32, #tpu.memory_space<vmem>> -> memref<64xi32, #tpu.memory_space<vmem>>
      %dma_wait3A_92 = arith.constant 0 : i32
      %dma_wait3A_93 = arith.constant 0 : i32
      %dma_wait3A_94 = tpu.memref_slice %arg2[%dma_wait3A_92, %dma_wait3A_93] : memref<10000x128xf32, #tpu.memory_space<hbm>> -> memref<10000x128xf32, #tpu.memory_space<hbm>>
      tpu.wait_indirect_dma semaphore(%arg16 : memref<!tpu.dma_semaphore, #tpu.memory_space<semaphore_mem>>) src(%dma_wait3A_94 : memref<10000x128xf32, #tpu.memory_space<hbm>>) dst(%arg11 : memref<64x128xf32, #tpu.memory_space<vmem>>)
      %add3A_95 = arith.constant 4 : i32
      %add3A_96 = arith.addi %mul3A_73, %add3A_95 : i32
      %mul3A_97 = arith.constant 64 : i32
      %mul3A_98 = arith.muli %add3A_96, %mul3A_97 : i32
      %dma_start3A_99 = tpu.memref_slice %arg7[%mul3A_98] : memref<10240xi32, #tpu.memory_space<vmem>> -> memref<64xi32, #tpu.memory_space<vmem>>
      %dma_start3A_100 = arith.constant 0 : i32
      %dma_start3A_101 = arith.constant 0 : i32
      %dma_start3A_102 = tpu.memref_slice %arg2[%dma_start3A_100, %dma_start3A_101] : memref<10000x128xf32, #tpu.memory_space<hbm>> -> memref<10000x128xf32, #tpu.memory_space<hbm>>
      tpu.enqueue_indirect_dma source(%dma_start3A_102 : memref<10000x128xf32, #tpu.memory_space<hbm>>) target(%arg10 : memref<64x128xf32, #tpu.memory_space<vmem>>) offsets(%dma_start3A_99 : memref<64xi32, #tpu.memory_space<vmem>>) semaphore(%arg15 : memref<!tpu.dma_semaphore, #tpu.memory_space<semaphore_mem>>)
      %run_scoped3A_103 = arith.constant 1 : i32
      "tpu.region"() ({
        %run_scoped3A_329 = tpu.sem_alloc : memref<!tpu.dma_semaphore, #tpu.memory_space<semaphore_mem>>
        %dma_start3A_330 = arith.constant 0 : i32
        %dma_start3A_331 = tpu.memref_slice %arg8[%run_scoped3A_103, %dma_start3A_330] : memref<8x64xi32, #tpu.memory_space<vmem>> -> memref<1x64xi32, #tpu.memory_space<vmem>>
        %dma_start3A_332 = tpu.memref_squeeze %dma_start3A_331 : memref<1x64xi32, #tpu.memory_space<vmem>> -> memref<64xi32, #tpu.memory_space<vmem>>
        %dma_start3A_333 = arith.constant 0 : i32
        %dma_start3A_334 = arith.constant 0 : i32
        %dma_start3A_335 = tpu.memref_slice %arg14[%dma_start3A_333, %dma_start3A_334] : memref<10112x128xf32, #tpu.memory_space<vmem_shared>> -> memref<10112x128xf32, #tpu.memory_space<vmem_shared>>
        tpu.enqueue_indirect_dma source(%arg11 : memref<64x128xf32, #tpu.memory_space<vmem>>) target(%dma_start3A_335 : memref<10112x128xf32, #tpu.memory_space<vmem_shared>>) offsets(%dma_start3A_332 : memref<64xi32, #tpu.memory_space<vmem>>) semaphore(%run_scoped3A_329 : memref<!tpu.dma_semaphore, #tpu.memory_space<semaphore_mem>>) {add = true}
        %dma_wait3A_336 = arith.constant 0 : i32
        %dma_wait3A_337 = tpu.memref_slice %arg8[%run_scoped3A_103, %dma_wait3A_336] : memref<8x64xi32, #tpu.memory_space<vmem>> -> memref<1x64xi32, #tpu.memory_space<vmem>>
        %dma_wait3A_338 = tpu.memref_squeeze %dma_wait3A_337 : memref<1x64xi32, #tpu.memory_space<vmem>> -> memref<64xi32, #tpu.memory_space<vmem>>
        %dma_wait3A_339 = arith.constant 0 : i32
        %dma_wait3A_340 = arith.constant 0 : i32
        %dma_wait3A_341 = tpu.memref_slice %arg14[%dma_wait3A_339, %dma_wait3A_340] : memref<10112x128xf32, #tpu.memory_space<vmem_shared>> -> memref<10112x128xf32, #tpu.memory_space<vmem_shared>>
        tpu.wait_indirect_dma semaphore(%run_scoped3A_329 : memref<!tpu.dma_semaphore, #tpu.memory_space<semaphore_mem>>) src(%arg11 : memref<64x128xf32, #tpu.memory_space<vmem>>) dst(%dma_wait3A_341 : memref<10112x128xf32, #tpu.memory_space<vmem_shared>>)
        tpu.yield
      }) : () -> ()
      %dma_wait3A_104 = arith.constant 0 : i32
      %dma_wait3A_105 = tpu.memref_slice %arg7[%dma_wait3A_104] : memref<10240xi32, #tpu.memory_space<vmem>> -> memref<64xi32, #tpu.memory_space<vmem>>
      %dma_wait3A_106 = arith.constant 0 : i32
      %dma_wait3A_107 = arith.constant 0 : i32
      %dma_wait3A_108 = tpu.memref_slice %arg2[%dma_wait3A_106, %dma_wait3A_107] : memref<10000x128xf32, #tpu.memory_space<hbm>> -> memref<10000x128xf32, #tpu.memory_space<hbm>>
      tpu.wait_indirect_dma semaphore(%arg17 : memref<!tpu.dma_semaphore, #tpu.memory_space<semaphore_mem>>) src(%dma_wait3A_108 : memref<10000x128xf32, #tpu.memory_space<hbm>>) dst(%arg12 : memref<64x128xf32, #tpu.memory_space<vmem>>)
      %add3A_109 = arith.constant 5 : i32
      %add3A_110 = arith.addi %mul3A_73, %add3A_109 : i32
      %mul3A_111 = arith.constant 64 : i32
      %mul3A_112 = arith.muli %add3A_110, %mul3A_111 : i32
      %dma_start3A_113 = tpu.memref_slice %arg7[%mul3A_112] : memref<10240xi32, #tpu.memory_space<vmem>> -> memref<64xi32, #tpu.memory_space<vmem>>
      %dma_start3A_114 = arith.constant 0 : i32
      %dma_start3A_115 = arith.constant 0 : i32
      %dma_start3A_116 = tpu.memref_slice %arg2[%dma_start3A_114, %dma_start3A_115] : memref<10000x128xf32, #tpu.memory_space<hbm>> -> memref<10000x128xf32, #tpu.memory_space<hbm>>
      tpu.enqueue_indirect_dma source(%dma_start3A_116 : memref<10000x128xf32, #tpu.memory_space<hbm>>) target(%arg11 : memref<64x128xf32, #tpu.memory_space<vmem>>) offsets(%dma_start3A_113 : memref<64xi32, #tpu.memory_space<vmem>>) semaphore(%arg16 : memref<!tpu.dma_semaphore, #tpu.memory_space<semaphore_mem>>)
      %run_scoped3A_117 = arith.constant 2 : i32
      "tpu.region"() ({
        %run_scoped3A_329 = tpu.sem_alloc : memref<!tpu.dma_semaphore, #tpu.memory_space<semaphore_mem>>
        %dma_start3A_330 = arith.constant 0 : i32
        %dma_start3A_331 = tpu.memref_slice %arg8[%run_scoped3A_117, %dma_start3A_330] : memref<8x64xi32, #tpu.memory_space<vmem>> -> memref<1x64xi32, #tpu.memory_space<vmem>>
        %dma_start3A_332 = tpu.memref_squeeze %dma_start3A_331 : memref<1x64xi32, #tpu.memory_space<vmem>> -> memref<64xi32, #tpu.memory_space<vmem>>
        %dma_start3A_333 = arith.constant 0 : i32
        %dma_start3A_334 = arith.constant 0 : i32
        %dma_start3A_335 = tpu.memref_slice %arg14[%dma_start3A_333, %dma_start3A_334] : memref<10112x128xf32, #tpu.memory_space<vmem_shared>> -> memref<10112x128xf32, #tpu.memory_space<vmem_shared>>
        tpu.enqueue_indirect_dma source(%arg12 : memref<64x128xf32, #tpu.memory_space<vmem>>) target(%dma_start3A_335 : memref<10112x128xf32, #tpu.memory_space<vmem_shared>>) offsets(%dma_start3A_332 : memref<64xi32, #tpu.memory_space<vmem>>) semaphore(%run_scoped3A_329 : memref<!tpu.dma_semaphore, #tpu.memory_space<semaphore_mem>>) {add = true}
        %dma_wait3A_336 = arith.constant 0 : i32
        %dma_wait3A_337 = tpu.memref_slice %arg8[%run_scoped3A_117, %dma_wait3A_336] : memref<8x64xi32, #tpu.memory_space<vmem>> -> memref<1x64xi32, #tpu.memory_space<vmem>>
        %dma_wait3A_338 = tpu.memref_squeeze %dma_wait3A_337 : memref<1x64xi32, #tpu.memory_space<vmem>> -> memref<64xi32, #tpu.memory_space<vmem>>
        %dma_wait3A_339 = arith.constant 0 : i32
        %dma_wait3A_340 = arith.constant 0 : i32
        %dma_wait3A_341 = tpu.memref_slice %arg14[%dma_wait3A_339, %dma_wait3A_340] : memref<10112x128xf32, #tpu.memory_space<vmem_shared>> -> memref<10112x128xf32, #tpu.memory_space<vmem_shared>>
        tpu.wait_indirect_dma semaphore(%run_scoped3A_329 : memref<!tpu.dma_semaphore, #tpu.memory_space<semaphore_mem>>) src(%arg12 : memref<64x128xf32, #tpu.memory_space<vmem>>) dst(%dma_wait3A_341 : memref<10112x128xf32, #tpu.memory_space<vmem_shared>>)
        tpu.yield
      }) : () -> ()
      %dma_wait3A_118 = arith.constant 0 : i32
      %dma_wait3A_119 = tpu.memref_slice %arg7[%dma_wait3A_118] : memref<10240xi32, #tpu.memory_space<vmem>> -> memref<64xi32, #tpu.memory_space<vmem>>
      %dma_wait3A_120 = arith.constant 0 : i32
      %dma_wait3A_121 = arith.constant 0 : i32
      %dma_wait3A_122 = tpu.memref_slice %arg2[%dma_wait3A_120, %dma_wait3A_121] : memref<10000x128xf32, #tpu.memory_space<hbm>> -> memref<10000x128xf32, #tpu.memory_space<hbm>>
      tpu.wait_indirect_dma semaphore(%arg18 : memref<!tpu.dma_semaphore, #tpu.memory_space<semaphore_mem>>) src(%dma_wait3A_122 : memref<10000x128xf32, #tpu.memory_space<hbm>>) dst(%arg13 : memref<64x128xf32, #tpu.memory_space<vmem>>)
      %add3A_123 = arith.constant 6 : i32
      %add3A_124 = arith.addi %mul3A_73, %add3A_123 : i32
      %mul3A_125 = arith.constant 64 : i32
      %mul3A_126 = arith.muli %add3A_124, %mul3A_125 : i32
      %dma_start3A_127 = tpu.memref_slice %arg7[%mul3A_126] : memref<10240xi32, #tpu.memory_space<vmem>> -> memref<64xi32, #tpu.memory_space<vmem>>
      %dma_start3A_128 = arith.constant 0 : i32
      %dma_start3A_129 = arith.constant 0 : i32
      %dma_start3A_130 = tpu.memref_slice %arg2[%dma_start3A_128, %dma_start3A_129] : memref<10000x128xf32, #tpu.memory_space<hbm>> -> memref<10000x128xf32, #tpu.memory_space<hbm>>
      tpu.enqueue_indirect_dma source(%dma_start3A_130 : memref<10000x128xf32, #tpu.memory_space<hbm>>) target(%arg12 : memref<64x128xf32, #tpu.memory_space<vmem>>) offsets(%dma_start3A_127 : memref<64xi32, #tpu.memory_space<vmem>>) semaphore(%arg17 : memref<!tpu.dma_semaphore, #tpu.memory_space<semaphore_mem>>)
      %run_scoped3A_131 = arith.constant 3 : i32
      "tpu.region"() ({
        %run_scoped3A_329 = tpu.sem_alloc : memref<!tpu.dma_semaphore, #tpu.memory_space<semaphore_mem>>
        %dma_start3A_330 = arith.constant 0 : i32
        %dma_start3A_331 = tpu.memref_slice %arg8[%run_scoped3A_131, %dma_start3A_330] : memref<8x64xi32, #tpu.memory_space<vmem>> -> memref<1x64xi32, #tpu.memory_space<vmem>>
        %dma_start3A_332 = tpu.memref_squeeze %dma_start3A_331 : memref<1x64xi32, #tpu.memory_space<vmem>> -> memref<64xi32, #tpu.memory_space<vmem>>
        %dma_start3A_333 = arith.constant 0 : i32
        %dma_start3A_334 = arith.constant 0 : i32
        %dma_start3A_335 = tpu.memref_slice %arg14[%dma_start3A_333, %dma_start3A_334] : memref<10112x128xf32, #tpu.memory_space<vmem_shared>> -> memref<10112x128xf32, #tpu.memory_space<vmem_shared>>
        tpu.enqueue_indirect_dma source(%arg13 : memref<64x128xf32, #tpu.memory_space<vmem>>) target(%dma_start3A_335 : memref<10112x128xf32, #tpu.memory_space<vmem_shared>>) offsets(%dma_start3A_332 : memref<64xi32, #tpu.memory_space<vmem>>) semaphore(%run_scoped3A_329 : memref<!tpu.dma_semaphore, #tpu.memory_space<semaphore_mem>>) {add = true}
        %dma_wait3A_336 = arith.constant 0 : i32
        %dma_wait3A_337 = tpu.memref_slice %arg8[%run_scoped3A_131, %dma_wait3A_336] : memref<8x64xi32, #tpu.memory_space<vmem>> -> memref<1x64xi32, #tpu.memory_space<vmem>>
        %dma_wait3A_338 = tpu.memref_squeeze %dma_wait3A_337 : memref<1x64xi32, #tpu.memory_space<vmem>> -> memref<64xi32, #tpu.memory_space<vmem>>
        %dma_wait3A_339 = arith.constant 0 : i32
        %dma_wait3A_340 = arith.constant 0 : i32
        %dma_wait3A_341 = tpu.memref_slice %arg14[%dma_wait3A_339, %dma_wait3A_340] : memref<10112x128xf32, #tpu.memory_space<vmem_shared>> -> memref<10112x128xf32, #tpu.memory_space<vmem_shared>>
        tpu.wait_indirect_dma semaphore(%run_scoped3A_329 : memref<!tpu.dma_semaphore, #tpu.memory_space<semaphore_mem>>) src(%arg13 : memref<64x128xf32, #tpu.memory_space<vmem>>) dst(%dma_wait3A_341 : memref<10112x128xf32, #tpu.memory_space<vmem_shared>>)
        tpu.yield
      }) : () -> ()
      %dma_wait3A_132 = arith.constant 0 : i32
      %dma_wait3A_133 = tpu.memref_slice %arg7[%dma_wait3A_132] : memref<10240xi32, #tpu.memory_space<vmem>> -> memref<64xi32, #tpu.memory_space<vmem>>
      %dma_wait3A_134 = arith.constant 0 : i32
      %dma_wait3A_135 = arith.constant 0 : i32
      %dma_wait3A_136 = tpu.memref_slice %arg2[%dma_wait3A_134, %dma_wait3A_135] : memref<10000x128xf32, #tpu.memory_space<hbm>> -> memref<10000x128xf32, #tpu.memory_space<hbm>>
      tpu.wait_indirect_dma semaphore(%arg15 : memref<!tpu.dma_semaphore, #tpu.memory_space<semaphore_mem>>) src(%dma_wait3A_136 : memref<10000x128xf32, #tpu.memory_space<hbm>>) dst(%arg10 : memref<64x128xf32, #tpu.memory_space<vmem>>)
      %add3A_137 = arith.constant 7 : i32
      %add3A_138 = arith.addi %mul3A_73, %add3A_137 : i32
      %mul3A_139 = arith.constant 64 : i32
      %mul3A_140 = arith.muli %add3A_138, %mul3A_139 : i32
      %dma_start3A_141 = tpu.memref_slice %arg7[%mul3A_140] : memref<10240xi32, #tpu.memory_space<vmem>> -> memref<64xi32, #tpu.memory_space<vmem>>
      %dma_start3A_142 = arith.constant 0 : i32
      %dma_start3A_143 = arith.constant 0 : i32
      %dma_start3A_144 = tpu.memref_slice %arg2[%dma_start3A_142, %dma_start3A_143] : memref<10000x128xf32, #tpu.memory_space<hbm>> -> memref<10000x128xf32, #tpu.memory_space<hbm>>
      tpu.enqueue_indirect_dma source(%dma_start3A_144 : memref<10000x128xf32, #tpu.memory_space<hbm>>) target(%arg13 : memref<64x128xf32, #tpu.memory_space<vmem>>) offsets(%dma_start3A_141 : memref<64xi32, #tpu.memory_space<vmem>>) semaphore(%arg18 : memref<!tpu.dma_semaphore, #tpu.memory_space<semaphore_mem>>)
      %run_scoped3A_145 = arith.constant 4 : i32
      "tpu.region"() ({
        %run_scoped3A_329 = tpu.sem_alloc : memref<!tpu.dma_semaphore, #tpu.memory_space<semaphore_mem>>
        %dma_start3A_330 = arith.constant 0 : i32
        %dma_start3A_331 = tpu.memref_slice %arg8[%run_scoped3A_145, %dma_start3A_330] : memref<8x64xi32, #tpu.memory_space<vmem>> -> memref<1x64xi32, #tpu.memory_space<vmem>>
        %dma_start3A_332 = tpu.memref_squeeze %dma_start3A_331 : memref<1x64xi32, #tpu.memory_space<vmem>> -> memref<64xi32, #tpu.memory_space<vmem>>
        %dma_start3A_333 = arith.constant 0 : i32
        %dma_start3A_334 = arith.constant 0 : i32
        %dma_start3A_335 = tpu.memref_slice %arg14[%dma_start3A_333, %dma_start3A_334] : memref<10112x128xf32, #tpu.memory_space<vmem_shared>> -> memref<10112x128xf32, #tpu.memory_space<vmem_shared>>
        tpu.enqueue_indirect_dma source(%arg10 : memref<64x128xf32, #tpu.memory_space<vmem>>) target(%dma_start3A_335 : memref<10112x128xf32, #tpu.memory_space<vmem_shared>>) offsets(%dma_start3A_332 : memref<64xi32, #tpu.memory_space<vmem>>) semaphore(%run_scoped3A_329 : memref<!tpu.dma_semaphore, #tpu.memory_space<semaphore_mem>>) {add = true}
        %dma_wait3A_336 = arith.constant 0 : i32
        %dma_wait3A_337 = tpu.memref_slice %arg8[%run_scoped3A_145, %dma_wait3A_336] : memref<8x64xi32, #tpu.memory_space<vmem>> -> memref<1x64xi32, #tpu.memory_space<vmem>>
        %dma_wait3A_338 = tpu.memref_squeeze %dma_wait3A_337 : memref<1x64xi32, #tpu.memory_space<vmem>> -> memref<64xi32, #tpu.memory_space<vmem>>
        %dma_wait3A_339 = arith.constant 0 : i32
        %dma_wait3A_340 = arith.constant 0 : i32
        %dma_wait3A_341 = tpu.memref_slice %arg14[%dma_wait3A_339, %dma_wait3A_340] : memref<10112x128xf32, #tpu.memory_space<vmem_shared>> -> memref<10112x128xf32, #tpu.memory_space<vmem_shared>>
        tpu.wait_indirect_dma semaphore(%run_scoped3A_329 : memref<!tpu.dma_semaphore, #tpu.memory_space<semaphore_mem>>) src(%arg10 : memref<64x128xf32, #tpu.memory_space<vmem>>) dst(%dma_wait3A_341 : memref<10112x128xf32, #tpu.memory_space<vmem_shared>>)
        tpu.yield
      }) : () -> ()
      %dma_wait3A_146 = arith.constant 0 : i32
      %dma_wait3A_147 = tpu.memref_slice %arg7[%dma_wait3A_146] : memref<10240xi32, #tpu.memory_space<vmem>> -> memref<64xi32, #tpu.memory_space<vmem>>
      %dma_wait3A_148 = arith.constant 0 : i32
      %dma_wait3A_149 = arith.constant 0 : i32
      %dma_wait3A_150 = tpu.memref_slice %arg2[%dma_wait3A_148, %dma_wait3A_149] : memref<10000x128xf32, #tpu.memory_space<hbm>> -> memref<10000x128xf32, #tpu.memory_space<hbm>>
      tpu.wait_indirect_dma semaphore(%arg16 : memref<!tpu.dma_semaphore, #tpu.memory_space<semaphore_mem>>) src(%dma_wait3A_150 : memref<10000x128xf32, #tpu.memory_space<hbm>>) dst(%arg11 : memref<64x128xf32, #tpu.memory_space<vmem>>)
      %add3A_151 = arith.constant 8 : i32
      %add3A_152 = arith.addi %mul3A_73, %add3A_151 : i32
      %mul3A_153 = arith.constant 64 : i32
      %mul3A_154 = arith.muli %add3A_152, %mul3A_153 : i32
      %dma_start3A_155 = tpu.memref_slice %arg7[%mul3A_154] : memref<10240xi32, #tpu.memory_space<vmem>> -> memref<64xi32, #tpu.memory_space<vmem>>
      %dma_start3A_156 = arith.constant 0 : i32
      %dma_start3A_157 = arith.constant 0 : i32
      %dma_start3A_158 = tpu.memref_slice %arg2[%dma_start3A_156, %dma_start3A_157] : memref<10000x128xf32, #tpu.memory_space<hbm>> -> memref<10000x128xf32, #tpu.memory_space<hbm>>
      tpu.enqueue_indirect_dma source(%dma_start3A_158 : memref<10000x128xf32, #tpu.memory_space<hbm>>) target(%arg10 : memref<64x128xf32, #tpu.memory_space<vmem>>) offsets(%dma_start3A_155 : memref<64xi32, #tpu.memory_space<vmem>>) semaphore(%arg15 : memref<!tpu.dma_semaphore, #tpu.memory_space<semaphore_mem>>)
      %run_scoped3A_159 = arith.constant 5 : i32
      "tpu.region"() ({
        %run_scoped3A_329 = tpu.sem_alloc : memref<!tpu.dma_semaphore, #tpu.memory_space<semaphore_mem>>
        %dma_start3A_330 = arith.constant 0 : i32
        %dma_start3A_331 = tpu.memref_slice %arg8[%run_scoped3A_159, %dma_start3A_330] : memref<8x64xi32, #tpu.memory_space<vmem>> -> memref<1x64xi32, #tpu.memory_space<vmem>>
        %dma_start3A_332 = tpu.memref_squeeze %dma_start3A_331 : memref<1x64xi32, #tpu.memory_space<vmem>> -> memref<64xi32, #tpu.memory_space<vmem>>
        %dma_start3A_333 = arith.constant 0 : i32
        %dma_start3A_334 = arith.constant 0 : i32
        %dma_start3A_335 = tpu.memref_slice %arg14[%dma_start3A_333, %dma_start3A_334] : memref<10112x128xf32, #tpu.memory_space<vmem_shared>> -> memref<10112x128xf32, #tpu.memory_space<vmem_shared>>
        tpu.enqueue_indirect_dma source(%arg11 : memref<64x128xf32, #tpu.memory_space<vmem>>) target(%dma_start3A_335 : memref<10112x128xf32, #tpu.memory_space<vmem_shared>>) offsets(%dma_start3A_332 : memref<64xi32, #tpu.memory_space<vmem>>) semaphore(%run_scoped3A_329 : memref<!tpu.dma_semaphore, #tpu.memory_space<semaphore_mem>>) {add = true}
        %dma_wait3A_336 = arith.constant 0 : i32
        %dma_wait3A_337 = tpu.memref_slice %arg8[%run_scoped3A_159, %dma_wait3A_336] : memref<8x64xi32, #tpu.memory_space<vmem>> -> memref<1x64xi32, #tpu.memory_space<vmem>>
        %dma_wait3A_338 = tpu.memref_squeeze %dma_wait3A_337 : memref<1x64xi32, #tpu.memory_space<vmem>> -> memref<64xi32, #tpu.memory_space<vmem>>
        %dma_wait3A_339 = arith.constant 0 : i32
        %dma_wait3A_340 = arith.constant 0 : i32
        %dma_wait3A_341 = tpu.memref_slice %arg14[%dma_wait3A_339, %dma_wait3A_340] : memref<10112x128xf32, #tpu.memory_space<vmem_shared>> -> memref<10112x128xf32, #tpu.memory_space<vmem_shared>>
        tpu.wait_indirect_dma semaphore(%run_scoped3A_329 : memref<!tpu.dma_semaphore, #tpu.memory_space<semaphore_mem>>) src(%arg11 : memref<64x128xf32, #tpu.memory_space<vmem>>) dst(%dma_wait3A_341 : memref<10112x128xf32, #tpu.memory_space<vmem_shared>>)
        tpu.yield
      }) : () -> ()
      %dma_wait3A_160 = arith.constant 0 : i32
      %dma_wait3A_161 = tpu.memref_slice %arg7[%dma_wait3A_160] : memref<10240xi32, #tpu.memory_space<vmem>> -> memref<64xi32, #tpu.memory_space<vmem>>
      %dma_wait3A_162 = arith.constant 0 : i32
      %dma_wait3A_163 = arith.constant 0 : i32
      %dma_wait3A_164 = tpu.memref_slice %arg2[%dma_wait3A_162, %dma_wait3A_163] : memref<10000x128xf32, #tpu.memory_space<hbm>> -> memref<10000x128xf32, #tpu.memory_space<hbm>>
      tpu.wait_indirect_dma semaphore(%arg17 : memref<!tpu.dma_semaphore, #tpu.memory_space<semaphore_mem>>) src(%dma_wait3A_164 : memref<10000x128xf32, #tpu.memory_space<hbm>>) dst(%arg12 : memref<64x128xf32, #tpu.memory_space<vmem>>)
      %add3A_165 = arith.constant 9 : i32
      %add3A_166 = arith.addi %mul3A_73, %add3A_165 : i32
      %mul3A_167 = arith.constant 64 : i32
      %mul3A_168 = arith.muli %add3A_166, %mul3A_167 : i32
      %dma_start3A_169 = tpu.memref_slice %arg7[%mul3A_168] : memref<10240xi32, #tpu.memory_space<vmem>> -> memref<64xi32, #tpu.memory_space<vmem>>
      %dma_start3A_170 = arith.constant 0 : i32
      %dma_start3A_171 = arith.constant 0 : i32
      %dma_start3A_172 = tpu.memref_slice %arg2[%dma_start3A_170, %dma_start3A_171] : memref<10000x128xf32, #tpu.memory_space<hbm>> -> memref<10000x128xf32, #tpu.memory_space<hbm>>
      tpu.enqueue_indirect_dma source(%dma_start3A_172 : memref<10000x128xf32, #tpu.memory_space<hbm>>) target(%arg11 : memref<64x128xf32, #tpu.memory_space<vmem>>) offsets(%dma_start3A_169 : memref<64xi32, #tpu.memory_space<vmem>>) semaphore(%arg16 : memref<!tpu.dma_semaphore, #tpu.memory_space<semaphore_mem>>)
      %run_scoped3A_173 = arith.constant 6 : i32
      "tpu.region"() ({
        %run_scoped3A_329 = tpu.sem_alloc : memref<!tpu.dma_semaphore, #tpu.memory_space<semaphore_mem>>
        %dma_start3A_330 = arith.constant 0 : i32
        %dma_start3A_331 = tpu.memref_slice %arg8[%run_scoped3A_173, %dma_start3A_330] : memref<8x64xi32, #tpu.memory_space<vmem>> -> memref<1x64xi32, #tpu.memory_space<vmem>>
        %dma_start3A_332 = tpu.memref_squeeze %dma_start3A_331 : memref<1x64xi32, #tpu.memory_space<vmem>> -> memref<64xi32, #tpu.memory_space<vmem>>
        %dma_start3A_333 = arith.constant 0 : i32
        %dma_start3A_334 = arith.constant 0 : i32
        %dma_start3A_335 = tpu.memref_slice %arg14[%dma_start3A_333, %dma_start3A_334] : memref<10112x128xf32, #tpu.memory_space<vmem_shared>> -> memref<10112x128xf32, #tpu.memory_space<vmem_shared>>
        tpu.enqueue_indirect_dma source(%arg12 : memref<64x128xf32, #tpu.memory_space<vmem>>) target(%dma_start3A_335 : memref<10112x128xf32, #tpu.memory_space<vmem_shared>>) offsets(%dma_start3A_332 : memref<64xi32, #tpu.memory_space<vmem>>) semaphore(%run_scoped3A_329 : memref<!tpu.dma_semaphore, #tpu.memory_space<semaphore_mem>>) {add = true}
        %dma_wait3A_336 = arith.constant 0 : i32
        %dma_wait3A_337 = tpu.memref_slice %arg8[%run_scoped3A_173, %dma_wait3A_336] : memref<8x64xi32, #tpu.memory_space<vmem>> -> memref<1x64xi32, #tpu.memory_space<vmem>>
        %dma_wait3A_338 = tpu.memref_squeeze %dma_wait3A_337 : memref<1x64xi32, #tpu.memory_space<vmem>> -> memref<64xi32, #tpu.memory_space<vmem>>
        %dma_wait3A_339 = arith.constant 0 : i32
        %dma_wait3A_340 = arith.constant 0 : i32
        %dma_wait3A_341 = tpu.memref_slice %arg14[%dma_wait3A_339, %dma_wait3A_340] : memref<10112x128xf32, #tpu.memory_space<vmem_shared>> -> memref<10112x128xf32, #tpu.memory_space<vmem_shared>>
        tpu.wait_indirect_dma semaphore(%run_scoped3A_329 : memref<!tpu.dma_semaphore, #tpu.memory_space<semaphore_mem>>) src(%arg12 : memref<64x128xf32, #tpu.memory_space<vmem>>) dst(%dma_wait3A_341 : memref<10112x128xf32, #tpu.memory_space<vmem_shared>>)
        tpu.yield
      }) : () -> ()
      %dma_wait3A_174 = arith.constant 0 : i32
      %dma_wait3A_175 = tpu.memref_slice %arg7[%dma_wait3A_174] : memref<10240xi32, #tpu.memory_space<vmem>> -> memref<64xi32, #tpu.memory_space<vmem>>
      %dma_wait3A_176 = arith.constant 0 : i32
      %dma_wait3A_177 = arith.constant 0 : i32
      %dma_wait3A_178 = tpu.memref_slice %arg2[%dma_wait3A_176, %dma_wait3A_177] : memref<10000x128xf32, #tpu.memory_space<hbm>> -> memref<10000x128xf32, #tpu.memory_space<hbm>>
      tpu.wait_indirect_dma semaphore(%arg18 : memref<!tpu.dma_semaphore, #tpu.memory_space<semaphore_mem>>) src(%dma_wait3A_178 : memref<10000x128xf32, #tpu.memory_space<hbm>>) dst(%arg13 : memref<64x128xf32, #tpu.memory_space<vmem>>)
      %add3A_179 = arith.constant 10 : i32
      %add3A_180 = arith.addi %mul3A_73, %add3A_179 : i32
      %mul3A_181 = arith.constant 64 : i32
      %mul3A_182 = arith.muli %add3A_180, %mul3A_181 : i32
      %dma_start3A_183 = tpu.memref_slice %arg7[%mul3A_182] : memref<10240xi32, #tpu.memory_space<vmem>> -> memref<64xi32, #tpu.memory_space<vmem>>
      %dma_start3A_184 = arith.constant 0 : i32
      %dma_start3A_185 = arith.constant 0 : i32
      %dma_start3A_186 = tpu.memref_slice %arg2[%dma_start3A_184, %dma_start3A_185] : memref<10000x128xf32, #tpu.memory_space<hbm>> -> memref<10000x128xf32, #tpu.memory_space<hbm>>
      tpu.enqueue_indirect_dma source(%dma_start3A_186 : memref<10000x128xf32, #tpu.memory_space<hbm>>) target(%arg12 : memref<64x128xf32, #tpu.memory_space<vmem>>) offsets(%dma_start3A_183 : memref<64xi32, #tpu.memory_space<vmem>>) semaphore(%arg17 : memref<!tpu.dma_semaphore, #tpu.memory_space<semaphore_mem>>)
      %run_scoped3A_187 = arith.constant 7 : i32
      "tpu.region"() ({
        %run_scoped3A_329 = tpu.sem_alloc : memref<!tpu.dma_semaphore, #tpu.memory_space<semaphore_mem>>
        %dma_start3A_330 = arith.constant 0 : i32
        %dma_start3A_331 = tpu.memref_slice %arg8[%run_scoped3A_187, %dma_start3A_330] : memref<8x64xi32, #tpu.memory_space<vmem>> -> memref<1x64xi32, #tpu.memory_space<vmem>>
        %dma_start3A_332 = tpu.memref_squeeze %dma_start3A_331 : memref<1x64xi32, #tpu.memory_space<vmem>> -> memref<64xi32, #tpu.memory_space<vmem>>
        %dma_start3A_333 = arith.constant 0 : i32
        %dma_start3A_334 = arith.constant 0 : i32
        %dma_start3A_335 = tpu.memref_slice %arg14[%dma_start3A_333, %dma_start3A_334] : memref<10112x128xf32, #tpu.memory_space<vmem_shared>> -> memref<10112x128xf32, #tpu.memory_space<vmem_shared>>
        tpu.enqueue_indirect_dma source(%arg13 : memref<64x128xf32, #tpu.memory_space<vmem>>) target(%dma_start3A_335 : memref<10112x128xf32, #tpu.memory_space<vmem_shared>>) offsets(%dma_start3A_332 : memref<64xi32, #tpu.memory_space<vmem>>) semaphore(%run_scoped3A_329 : memref<!tpu.dma_semaphore, #tpu.memory_space<semaphore_mem>>) {add = true}
        %dma_wait3A_336 = arith.constant 0 : i32
        %dma_wait3A_337 = tpu.memref_slice %arg8[%run_scoped3A_187, %dma_wait3A_336] : memref<8x64xi32, #tpu.memory_space<vmem>> -> memref<1x64xi32, #tpu.memory_space<vmem>>
        %dma_wait3A_338 = tpu.memref_squeeze %dma_wait3A_337 : memref<1x64xi32, #tpu.memory_space<vmem>> -> memref<64xi32, #tpu.memory_space<vmem>>
        %dma_wait3A_339 = arith.constant 0 : i32
        %dma_wait3A_340 = arith.constant 0 : i32
        %dma_wait3A_341 = tpu.memref_slice %arg14[%dma_wait3A_339, %dma_wait3A_340] : memref<10112x128xf32, #tpu.memory_space<vmem_shared>> -> memref<10112x128xf32, #tpu.memory_space<vmem_shared>>
        tpu.wait_indirect_dma semaphore(%run_scoped3A_329 : memref<!tpu.dma_semaphore, #tpu.memory_space<semaphore_mem>>) src(%arg13 : memref<64x128xf32, #tpu.memory_space<vmem>>) dst(%dma_wait3A_341 : memref<10112x128xf32, #tpu.memory_space<vmem_shared>>)
        tpu.yield
      }) : () -> ()
      %dma_wait3A_188 = arith.constant 0 : i32
      %dma_wait3A_189 = tpu.memref_slice %arg4[%mul3A_2, %dma_wait3A_188] : memref<5120x64xi32, #tpu.memory_space<hbm>> -> memref<8x64xi32, #tpu.memory_space<hbm>>
      %dma_wait3A_190 = arith.constant 0 : i32
      %dma_wait3A_191 = tpu.memref_slice %arg4[%mul3A_2, %dma_wait3A_190] : memref<5120x64xi32, #tpu.memory_space<hbm>> -> memref<8x64xi32, #tpu.memory_space<hbm>>
      tpu.wait_dma2 semaphore(%arg20 : memref<!tpu.dma_semaphore, #tpu.memory_space<semaphore_mem>>) src(%dma_wait3A_191 : memref<8x64xi32, #tpu.memory_space<hbm>>) dst(%arg9 : memref<8x64xi32, #tpu.memory_space<vmem>>)
      %lt3A_192 = arith.constant 9 : i32
      %lt3A_193 = arith.cmpi slt, %scan3A_69, %lt3A_192 : i32
      %convert_element_type3A_194 = arith.extui %lt3A_193 : i1 to i32
      %cond3A_195 = arith.constant 0 : i32
      %cond3A_196 = arith.cmpi ne, %convert_element_type3A_194, %cond3A_195 : i32
      scf.if %cond3A_196 {
        %mul3A_329 = arith.constant 2 : i32
        %mul3A_330 = arith.muli %scan3A_69, %mul3A_329 : i32
        %add3A_331 = arith.constant 2 : i32
        %add3A_332 = arith.addi %mul3A_330, %add3A_331 : i32
        %mul3A_333 = arith.constant 8 : i32
        %mul3A_334 = arith.muli %add3A_332, %mul3A_333 : i32
        %add3A_335 = arith.addi %mul3A_2, %mul3A_334 : i32
        %dma_start3A_336 = arith.constant 0 : i32
        %dma_start3A_337 = tpu.memref_slice %arg4[%add3A_335, %dma_start3A_336] : memref<5120x64xi32, #tpu.memory_space<hbm>> -> memref<8x64xi32, #tpu.memory_space<hbm>>
        %dma_start3A_338 = arith.constant 0 : i32
        %dma_start3A_339 = tpu.memref_slice %arg4[%add3A_335, %dma_start3A_338] : memref<5120x64xi32, #tpu.memory_space<hbm>> -> memref<8x64xi32, #tpu.memory_space<hbm>>
        tpu.enqueue_dma source(%dma_start3A_339 : memref<8x64xi32, #tpu.memory_space<hbm>>) target(%arg8 : memref<8x64xi32, #tpu.memory_space<vmem>>) target_semaphore(%arg19 : memref<!tpu.dma_semaphore, #tpu.memory_space<semaphore_mem>>)
      } else {
      }
      %dma_wait3A_197 = arith.constant 0 : i32
      %dma_wait3A_198 = tpu.memref_slice %arg7[%dma_wait3A_197] : memref<10240xi32, #tpu.memory_space<vmem>> -> memref<64xi32, #tpu.memory_space<vmem>>
      %dma_wait3A_199 = arith.constant 0 : i32
      %dma_wait3A_200 = arith.constant 0 : i32
      %dma_wait3A_201 = tpu.memref_slice %arg2[%dma_wait3A_199, %dma_wait3A_200] : memref<10000x128xf32, #tpu.memory_space<hbm>> -> memref<10000x128xf32, #tpu.memory_space<hbm>>
      tpu.wait_indirect_dma semaphore(%arg15 : memref<!tpu.dma_semaphore, #tpu.memory_space<semaphore_mem>>) src(%dma_wait3A_201 : memref<10000x128xf32, #tpu.memory_space<hbm>>) dst(%arg10 : memref<64x128xf32, #tpu.memory_space<vmem>>)
      %add3A_202 = arith.constant 11 : i32
      %add3A_203 = arith.addi %mul3A_73, %add3A_202 : i32
      %mul3A_204 = arith.constant 64 : i32
      %mul3A_205 = arith.muli %add3A_203, %mul3A_204 : i32
      %dma_start3A_206 = tpu.memref_slice %arg7[%mul3A_205] : memref<10240xi32, #tpu.memory_space<vmem>> -> memref<64xi32, #tpu.memory_space<vmem>>
      %dma_start3A_207 = arith.constant 0 : i32
      %dma_start3A_208 = arith.constant 0 : i32
      %dma_start3A_209 = tpu.memref_slice %arg2[%dma_start3A_207, %dma_start3A_208] : memref<10000x128xf32, #tpu.memory_space<hbm>> -> memref<10000x128xf32, #tpu.memory_space<hbm>>
      tpu.enqueue_indirect_dma source(%dma_start3A_209 : memref<10000x128xf32, #tpu.memory_space<hbm>>) target(%arg13 : memref<64x128xf32, #tpu.memory_space<vmem>>) offsets(%dma_start3A_206 : memref<64xi32, #tpu.memory_space<vmem>>) semaphore(%arg18 : memref<!tpu.dma_semaphore, #tpu.memory_space<semaphore_mem>>)
      %run_scoped3A_210 = arith.constant 0 : i32
      "tpu.region"() ({
        %run_scoped3A_329 = tpu.sem_alloc : memref<!tpu.dma_semaphore, #tpu.memory_space<semaphore_mem>>
        %dma_start3A_330 = arith.constant 0 : i32
        %dma_start3A_331 = tpu.memref_slice %arg9[%run_scoped3A_210, %dma_start3A_330] : memref<8x64xi32, #tpu.memory_space<vmem>> -> memref<1x64xi32, #tpu.memory_space<vmem>>
        %dma_start3A_332 = tpu.memref_squeeze %dma_start3A_331 : memref<1x64xi32, #tpu.memory_space<vmem>> -> memref<64xi32, #tpu.memory_space<vmem>>
        %dma_start3A_333 = arith.constant 0 : i32
        %dma_start3A_334 = arith.constant 0 : i32
        %dma_start3A_335 = tpu.memref_slice %arg14[%dma_start3A_333, %dma_start3A_334] : memref<10112x128xf32, #tpu.memory_space<vmem_shared>> -> memref<10112x128xf32, #tpu.memory_space<vmem_shared>>
        tpu.enqueue_indirect_dma source(%arg10 : memref<64x128xf32, #tpu.memory_space<vmem>>) target(%dma_start3A_335 : memref<10112x128xf32, #tpu.memory_space<vmem_shared>>) offsets(%dma_start3A_332 : memref<64xi32, #tpu.memory_space<vmem>>) semaphore(%run_scoped3A_329 : memref<!tpu.dma_semaphore, #tpu.memory_space<semaphore_mem>>) {add = true}
        %dma_wait3A_336 = arith.constant 0 : i32
        %dma_wait3A_337 = tpu.memref_slice %arg9[%run_scoped3A_210, %dma_wait3A_336] : memref<8x64xi32, #tpu.memory_space<vmem>> -> memref<1x64xi32, #tpu.memory_space<vmem>>
        %dma_wait3A_338 = tpu.memref_squeeze %dma_wait3A_337 : memref<1x64xi32, #tpu.memory_space<vmem>> -> memref<64xi32, #tpu.memory_space<vmem>>
        %dma_wait3A_339 = arith.constant 0 : i32
        %dma_wait3A_340 = arith.constant 0 : i32
        %dma_wait3A_341 = tpu.memref_slice %arg14[%dma_wait3A_339, %dma_wait3A_340] : memref<10112x128xf32, #tpu.memory_space<vmem_shared>> -> memref<10112x128xf32, #tpu.memory_space<vmem_shared>>
        tpu.wait_indirect_dma semaphore(%run_scoped3A_329 : memref<!tpu.dma_semaphore, #tpu.memory_space<semaphore_mem>>) src(%arg10 : memref<64x128xf32, #tpu.memory_space<vmem>>) dst(%dma_wait3A_341 : memref<10112x128xf32, #tpu.memory_space<vmem_shared>>)
        tpu.yield
      }) : () -> ()
      %dma_wait3A_211 = arith.constant 0 : i32
      %dma_wait3A_212 = tpu.memref_slice %arg7[%dma_wait3A_211] : memref<10240xi32, #tpu.memory_space<vmem>> -> memref<64xi32, #tpu.memory_space<vmem>>
      %dma_wait3A_213 = arith.constant 0 : i32
      %dma_wait3A_214 = arith.constant 0 : i32
      %dma_wait3A_215 = tpu.memref_slice %arg2[%dma_wait3A_213, %dma_wait3A_214] : memref<10000x128xf32, #tpu.memory_space<hbm>> -> memref<10000x128xf32, #tpu.memory_space<hbm>>
      tpu.wait_indirect_dma semaphore(%arg16 : memref<!tpu.dma_semaphore, #tpu.memory_space<semaphore_mem>>) src(%dma_wait3A_215 : memref<10000x128xf32, #tpu.memory_space<hbm>>) dst(%arg11 : memref<64x128xf32, #tpu.memory_space<vmem>>)
      %add3A_216 = arith.constant 12 : i32
      %add3A_217 = arith.addi %mul3A_73, %add3A_216 : i32
      %mul3A_218 = arith.constant 64 : i32
      %mul3A_219 = arith.muli %add3A_217, %mul3A_218 : i32
      %dma_start3A_220 = tpu.memref_slice %arg7[%mul3A_219] : memref<10240xi32, #tpu.memory_space<vmem>> -> memref<64xi32, #tpu.memory_space<vmem>>
      %dma_start3A_221 = arith.constant 0 : i32
      %dma_start3A_222 = arith.constant 0 : i32
      %dma_start3A_223 = tpu.memref_slice %arg2[%dma_start3A_221, %dma_start3A_222] : memref<10000x128xf32, #tpu.memory_space<hbm>> -> memref<10000x128xf32, #tpu.memory_space<hbm>>
      tpu.enqueue_indirect_dma source(%dma_start3A_223 : memref<10000x128xf32, #tpu.memory_space<hbm>>) target(%arg10 : memref<64x128xf32, #tpu.memory_space<vmem>>) offsets(%dma_start3A_220 : memref<64xi32, #tpu.memory_space<vmem>>) semaphore(%arg15 : memref<!tpu.dma_semaphore, #tpu.memory_space<semaphore_mem>>)
      %run_scoped3A_224 = arith.constant 1 : i32
      "tpu.region"() ({
        %run_scoped3A_329 = tpu.sem_alloc : memref<!tpu.dma_semaphore, #tpu.memory_space<semaphore_mem>>
        %dma_start3A_330 = arith.constant 0 : i32
        %dma_start3A_331 = tpu.memref_slice %arg9[%run_scoped3A_224, %dma_start3A_330] : memref<8x64xi32, #tpu.memory_space<vmem>> -> memref<1x64xi32, #tpu.memory_space<vmem>>
        %dma_start3A_332 = tpu.memref_squeeze %dma_start3A_331 : memref<1x64xi32, #tpu.memory_space<vmem>> -> memref<64xi32, #tpu.memory_space<vmem>>
        %dma_start3A_333 = arith.constant 0 : i32
        %dma_start3A_334 = arith.constant 0 : i32
        %dma_start3A_335 = tpu.memref_slice %arg14[%dma_start3A_333, %dma_start3A_334] : memref<10112x128xf32, #tpu.memory_space<vmem_shared>> -> memref<10112x128xf32, #tpu.memory_space<vmem_shared>>
        tpu.enqueue_indirect_dma source(%arg11 : memref<64x128xf32, #tpu.memory_space<vmem>>) target(%dma_start3A_335 : memref<10112x128xf32, #tpu.memory_space<vmem_shared>>) offsets(%dma_start3A_332 : memref<64xi32, #tpu.memory_space<vmem>>) semaphore(%run_scoped3A_329 : memref<!tpu.dma_semaphore, #tpu.memory_space<semaphore_mem>>) {add = true}
        %dma_wait3A_336 = arith.constant 0 : i32
        %dma_wait3A_337 = tpu.memref_slice %arg9[%run_scoped3A_224, %dma_wait3A_336] : memref<8x64xi32, #tpu.memory_space<vmem>> -> memref<1x64xi32, #tpu.memory_space<vmem>>
        %dma_wait3A_338 = tpu.memref_squeeze %dma_wait3A_337 : memref<1x64xi32, #tpu.memory_space<vmem>> -> memref<64xi32, #tpu.memory_space<vmem>>
        %dma_wait3A_339 = arith.constant 0 : i32
        %dma_wait3A_340 = arith.constant 0 : i32
        %dma_wait3A_341 = tpu.memref_slice %arg14[%dma_wait3A_339, %dma_wait3A_340] : memref<10112x128xf32, #tpu.memory_space<vmem_shared>> -> memref<10112x128xf32, #tpu.memory_space<vmem_shared>>
        tpu.wait_indirect_dma semaphore(%run_scoped3A_329 : memref<!tpu.dma_semaphore, #tpu.memory_space<semaphore_mem>>) src(%arg11 : memref<64x128xf32, #tpu.memory_space<vmem>>) dst(%dma_wait3A_341 : memref<10112x128xf32, #tpu.memory_space<vmem_shared>>)
        tpu.yield
      }) : () -> ()
      %dma_wait3A_225 = arith.constant 0 : i32
      %dma_wait3A_226 = tpu.memref_slice %arg7[%dma_wait3A_225] : memref<10240xi32, #tpu.memory_space<vmem>> -> memref<64xi32, #tpu.memory_space<vmem>>
      %dma_wait3A_227 = arith.constant 0 : i32
      %dma_wait3A_228 = arith.constant 0 : i32
      %dma_wait3A_229 = tpu.memref_slice %arg2[%dma_wait3A_227, %dma_wait3A_228] : memref<10000x128xf32, #tpu.memory_space<hbm>> -> memref<10000x128xf32, #tpu.memory_space<hbm>>
      tpu.wait_indirect_dma semaphore(%arg17 : memref<!tpu.dma_semaphore, #tpu.memory_space<semaphore_mem>>) src(%dma_wait3A_229 : memref<10000x128xf32, #tpu.memory_space<hbm>>) dst(%arg12 : memref<64x128xf32, #tpu.memory_space<vmem>>)
      %add3A_230 = arith.constant 13 : i32
      %add3A_231 = arith.addi %mul3A_73, %add3A_230 : i32
      %mul3A_232 = arith.constant 64 : i32
      %mul3A_233 = arith.muli %add3A_231, %mul3A_232 : i32
      %dma_start3A_234 = tpu.memref_slice %arg7[%mul3A_233] : memref<10240xi32, #tpu.memory_space<vmem>> -> memref<64xi32, #tpu.memory_space<vmem>>
      %dma_start3A_235 = arith.constant 0 : i32
      %dma_start3A_236 = arith.constant 0 : i32
      %dma_start3A_237 = tpu.memref_slice %arg2[%dma_start3A_235, %dma_start3A_236] : memref<10000x128xf32, #tpu.memory_space<hbm>> -> memref<10000x128xf32, #tpu.memory_space<hbm>>
      tpu.enqueue_indirect_dma source(%dma_start3A_237 : memref<10000x128xf32, #tpu.memory_space<hbm>>) target(%arg11 : memref<64x128xf32, #tpu.memory_space<vmem>>) offsets(%dma_start3A_234 : memref<64xi32, #tpu.memory_space<vmem>>) semaphore(%arg16 : memref<!tpu.dma_semaphore, #tpu.memory_space<semaphore_mem>>)
      %run_scoped3A_238 = arith.constant 2 : i32
      "tpu.region"() ({
        %run_scoped3A_329 = tpu.sem_alloc : memref<!tpu.dma_semaphore, #tpu.memory_space<semaphore_mem>>
        %dma_start3A_330 = arith.constant 0 : i32
        %dma_start3A_331 = tpu.memref_slice %arg9[%run_scoped3A_238, %dma_start3A_330] : memref<8x64xi32, #tpu.memory_space<vmem>> -> memref<1x64xi32, #tpu.memory_space<vmem>>
        %dma_start3A_332 = tpu.memref_squeeze %dma_start3A_331 : memref<1x64xi32, #tpu.memory_space<vmem>> -> memref<64xi32, #tpu.memory_space<vmem>>
        %dma_start3A_333 = arith.constant 0 : i32
        %dma_start3A_334 = arith.constant 0 : i32
        %dma_start3A_335 = tpu.memref_slice %arg14[%dma_start3A_333, %dma_start3A_334] : memref<10112x128xf32, #tpu.memory_space<vmem_shared>> -> memref<10112x128xf32, #tpu.memory_space<vmem_shared>>
        tpu.enqueue_indirect_dma source(%arg12 : memref<64x128xf32, #tpu.memory_space<vmem>>) target(%dma_start3A_335 : memref<10112x128xf32, #tpu.memory_space<vmem_shared>>) offsets(%dma_start3A_332 : memref<64xi32, #tpu.memory_space<vmem>>) semaphore(%run_scoped3A_329 : memref<!tpu.dma_semaphore, #tpu.memory_space<semaphore_mem>>) {add = true}
        %dma_wait3A_336 = arith.constant 0 : i32
        %dma_wait3A_337 = tpu.memref_slice %arg9[%run_scoped3A_238, %dma_wait3A_336] : memref<8x64xi32, #tpu.memory_space<vmem>> -> memref<1x64xi32, #tpu.memory_space<vmem>>
        %dma_wait3A_338 = tpu.memref_squeeze %dma_wait3A_337 : memref<1x64xi32, #tpu.memory_space<vmem>> -> memref<64xi32, #tpu.memory_space<vmem>>
        %dma_wait3A_339 = arith.constant 0 : i32
        %dma_wait3A_340 = arith.constant 0 : i32
        %dma_wait3A_341 = tpu.memref_slice %arg14[%dma_wait3A_339, %dma_wait3A_340] : memref<10112x128xf32, #tpu.memory_space<vmem_shared>> -> memref<10112x128xf32, #tpu.memory_space<vmem_shared>>
        tpu.wait_indirect_dma semaphore(%run_scoped3A_329 : memref<!tpu.dma_semaphore, #tpu.memory_space<semaphore_mem>>) src(%arg12 : memref<64x128xf32, #tpu.memory_space<vmem>>) dst(%dma_wait3A_341 : memref<10112x128xf32, #tpu.memory_space<vmem_shared>>)
        tpu.yield
      }) : () -> ()
      %dma_wait3A_239 = arith.constant 0 : i32
      %dma_wait3A_240 = tpu.memref_slice %arg7[%dma_wait3A_239] : memref<10240xi32, #tpu.memory_space<vmem>> -> memref<64xi32, #tpu.memory_space<vmem>>
      %dma_wait3A_241 = arith.constant 0 : i32
      %dma_wait3A_242 = arith.constant 0 : i32
      %dma_wait3A_243 = tpu.memref_slice %arg2[%dma_wait3A_241, %dma_wait3A_242] : memref<10000x128xf32, #tpu.memory_space<hbm>> -> memref<10000x128xf32, #tpu.memory_space<hbm>>
      tpu.wait_indirect_dma semaphore(%arg18 : memref<!tpu.dma_semaphore, #tpu.memory_space<semaphore_mem>>) src(%dma_wait3A_243 : memref<10000x128xf32, #tpu.memory_space<hbm>>) dst(%arg13 : memref<64x128xf32, #tpu.memory_space<vmem>>)
      %add3A_244 = arith.constant 14 : i32
      %add3A_245 = arith.addi %mul3A_73, %add3A_244 : i32
      %mul3A_246 = arith.constant 64 : i32
      %mul3A_247 = arith.muli %add3A_245, %mul3A_246 : i32
      %dma_start3A_248 = tpu.memref_slice %arg7[%mul3A_247] : memref<10240xi32, #tpu.memory_space<vmem>> -> memref<64xi32, #tpu.memory_space<vmem>>
      %dma_start3A_249 = arith.constant 0 : i32
      %dma_start3A_250 = arith.constant 0 : i32
      %dma_start3A_251 = tpu.memref_slice %arg2[%dma_start3A_249, %dma_start3A_250] : memref<10000x128xf32, #tpu.memory_space<hbm>> -> memref<10000x128xf32, #tpu.memory_space<hbm>>
      tpu.enqueue_indirect_dma source(%dma_start3A_251 : memref<10000x128xf32, #tpu.memory_space<hbm>>) target(%arg12 : memref<64x128xf32, #tpu.memory_space<vmem>>) offsets(%dma_start3A_248 : memref<64xi32, #tpu.memory_space<vmem>>) semaphore(%arg17 : memref<!tpu.dma_semaphore, #tpu.memory_space<semaphore_mem>>)
      %run_scoped3A_252 = arith.constant 3 : i32
      "tpu.region"() ({
        %run_scoped3A_329 = tpu.sem_alloc : memref<!tpu.dma_semaphore, #tpu.memory_space<semaphore_mem>>
        %dma_start3A_330 = arith.constant 0 : i32
        %dma_start3A_331 = tpu.memref_slice %arg9[%run_scoped3A_252, %dma_start3A_330] : memref<8x64xi32, #tpu.memory_space<vmem>> -> memref<1x64xi32, #tpu.memory_space<vmem>>
        %dma_start3A_332 = tpu.memref_squeeze %dma_start3A_331 : memref<1x64xi32, #tpu.memory_space<vmem>> -> memref<64xi32, #tpu.memory_space<vmem>>
        %dma_start3A_333 = arith.constant 0 : i32
        %dma_start3A_334 = arith.constant 0 : i32
        %dma_start3A_335 = tpu.memref_slice %arg14[%dma_start3A_333, %dma_start3A_334] : memref<10112x128xf32, #tpu.memory_space<vmem_shared>> -> memref<10112x128xf32, #tpu.memory_space<vmem_shared>>
        tpu.enqueue_indirect_dma source(%arg13 : memref<64x128xf32, #tpu.memory_space<vmem>>) target(%dma_start3A_335 : memref<10112x128xf32, #tpu.memory_space<vmem_shared>>) offsets(%dma_start3A_332 : memref<64xi32, #tpu.memory_space<vmem>>) semaphore(%run_scoped3A_329 : memref<!tpu.dma_semaphore, #tpu.memory_space<semaphore_mem>>) {add = true}
        %dma_wait3A_336 = arith.constant 0 : i32
        %dma_wait3A_337 = tpu.memref_slice %arg9[%run_scoped3A_252, %dma_wait3A_336] : memref<8x64xi32, #tpu.memory_space<vmem>> -> memref<1x64xi32, #tpu.memory_space<vmem>>
        %dma_wait3A_338 = tpu.memref_squeeze %dma_wait3A_337 : memref<1x64xi32, #tpu.memory_space<vmem>> -> memref<64xi32, #tpu.memory_space<vmem>>
        %dma_wait3A_339 = arith.constant 0 : i32
        %dma_wait3A_340 = arith.constant 0 : i32
        %dma_wait3A_341 = tpu.memref_slice %arg14[%dma_wait3A_339, %dma_wait3A_340] : memref<10112x128xf32, #tpu.memory_space<vmem_shared>> -> memref<10112x128xf32, #tpu.memory_space<vmem_shared>>
        tpu.wait_indirect_dma semaphore(%run_scoped3A_329 : memref<!tpu.dma_semaphore, #tpu.memory_space<semaphore_mem>>) src(%arg13 : memref<64x128xf32, #tpu.memory_space<vmem>>) dst(%dma_wait3A_341 : memref<10112x128xf32, #tpu.memory_space<vmem_shared>>)
        tpu.yield
      }) : () -> ()
      %dma_wait3A_253 = arith.constant 0 : i32
      %dma_wait3A_254 = tpu.memref_slice %arg7[%dma_wait3A_253] : memref<10240xi32, #tpu.memory_space<vmem>> -> memref<64xi32, #tpu.memory_space<vmem>>
      %dma_wait3A_255 = arith.constant 0 : i32
      %dma_wait3A_256 = arith.constant 0 : i32
      %dma_wait3A_257 = tpu.memref_slice %arg2[%dma_wait3A_255, %dma_wait3A_256] : memref<10000x128xf32, #tpu.memory_space<hbm>> -> memref<10000x128xf32, #tpu.memory_space<hbm>>
      tpu.wait_indirect_dma semaphore(%arg15 : memref<!tpu.dma_semaphore, #tpu.memory_space<semaphore_mem>>) src(%dma_wait3A_257 : memref<10000x128xf32, #tpu.memory_space<hbm>>) dst(%arg10 : memref<64x128xf32, #tpu.memory_space<vmem>>)
      %add3A_258 = arith.constant 15 : i32
      %add3A_259 = arith.addi %mul3A_73, %add3A_258 : i32
      %mul3A_260 = arith.constant 64 : i32
      %mul3A_261 = arith.muli %add3A_259, %mul3A_260 : i32
      %dma_start3A_262 = tpu.memref_slice %arg7[%mul3A_261] : memref<10240xi32, #tpu.memory_space<vmem>> -> memref<64xi32, #tpu.memory_space<vmem>>
      %dma_start3A_263 = arith.constant 0 : i32
      %dma_start3A_264 = arith.constant 0 : i32
      %dma_start3A_265 = tpu.memref_slice %arg2[%dma_start3A_263, %dma_start3A_264] : memref<10000x128xf32, #tpu.memory_space<hbm>> -> memref<10000x128xf32, #tpu.memory_space<hbm>>
      tpu.enqueue_indirect_dma source(%dma_start3A_265 : memref<10000x128xf32, #tpu.memory_space<hbm>>) target(%arg13 : memref<64x128xf32, #tpu.memory_space<vmem>>) offsets(%dma_start3A_262 : memref<64xi32, #tpu.memory_space<vmem>>) semaphore(%arg18 : memref<!tpu.dma_semaphore, #tpu.memory_space<semaphore_mem>>)
      %run_scoped3A_266 = arith.constant 4 : i32
      "tpu.region"() ({
        %run_scoped3A_329 = tpu.sem_alloc : memref<!tpu.dma_semaphore, #tpu.memory_space<semaphore_mem>>
        %dma_start3A_330 = arith.constant 0 : i32
        %dma_start3A_331 = tpu.memref_slice %arg9[%run_scoped3A_266, %dma_start3A_330] : memref<8x64xi32, #tpu.memory_space<vmem>> -> memref<1x64xi32, #tpu.memory_space<vmem>>
        %dma_start3A_332 = tpu.memref_squeeze %dma_start3A_331 : memref<1x64xi32, #tpu.memory_space<vmem>> -> memref<64xi32, #tpu.memory_space<vmem>>
        %dma_start3A_333 = arith.constant 0 : i32
        %dma_start3A_334 = arith.constant 0 : i32
        %dma_start3A_335 = tpu.memref_slice %arg14[%dma_start3A_333, %dma_start3A_334] : memref<10112x128xf32, #tpu.memory_space<vmem_shared>> -> memref<10112x128xf32, #tpu.memory_space<vmem_shared>>
        tpu.enqueue_indirect_dma source(%arg10 : memref<64x128xf32, #tpu.memory_space<vmem>>) target(%dma_start3A_335 : memref<10112x128xf32, #tpu.memory_space<vmem_shared>>) offsets(%dma_start3A_332 : memref<64xi32, #tpu.memory_space<vmem>>) semaphore(%run_scoped3A_329 : memref<!tpu.dma_semaphore, #tpu.memory_space<semaphore_mem>>) {add = true}
        %dma_wait3A_336 = arith.constant 0 : i32
        %dma_wait3A_337 = tpu.memref_slice %arg9[%run_scoped3A_266, %dma_wait3A_336] : memref<8x64xi32, #tpu.memory_space<vmem>> -> memref<1x64xi32, #tpu.memory_space<vmem>>
        %dma_wait3A_338 = tpu.memref_squeeze %dma_wait3A_337 : memref<1x64xi32, #tpu.memory_space<vmem>> -> memref<64xi32, #tpu.memory_space<vmem>>
        %dma_wait3A_339 = arith.constant 0 : i32
        %dma_wait3A_340 = arith.constant 0 : i32
        %dma_wait3A_341 = tpu.memref_slice %arg14[%dma_wait3A_339, %dma_wait3A_340] : memref<10112x128xf32, #tpu.memory_space<vmem_shared>> -> memref<10112x128xf32, #tpu.memory_space<vmem_shared>>
        tpu.wait_indirect_dma semaphore(%run_scoped3A_329 : memref<!tpu.dma_semaphore, #tpu.memory_space<semaphore_mem>>) src(%arg10 : memref<64x128xf32, #tpu.memory_space<vmem>>) dst(%dma_wait3A_341 : memref<10112x128xf32, #tpu.memory_space<vmem_shared>>)
        tpu.yield
      }) : () -> ()
      %dma_wait3A_267 = arith.constant 0 : i32
      %dma_wait3A_268 = tpu.memref_slice %arg7[%dma_wait3A_267] : memref<10240xi32, #tpu.memory_space<vmem>> -> memref<64xi32, #tpu.memory_space<vmem>>
      %dma_wait3A_269 = arith.constant 0 : i32
      %dma_wait3A_270 = arith.constant 0 : i32
      %dma_wait3A_271 = tpu.memref_slice %arg2[%dma_wait3A_269, %dma_wait3A_270] : memref<10000x128xf32, #tpu.memory_space<hbm>> -> memref<10000x128xf32, #tpu.memory_space<hbm>>
      tpu.wait_indirect_dma semaphore(%arg16 : memref<!tpu.dma_semaphore, #tpu.memory_space<semaphore_mem>>) src(%dma_wait3A_271 : memref<10000x128xf32, #tpu.memory_space<hbm>>) dst(%arg11 : memref<64x128xf32, #tpu.memory_space<vmem>>)
      %add3A_272 = arith.constant 16 : i32
      %add3A_273 = arith.addi %mul3A_73, %add3A_272 : i32
      %mul3A_274 = arith.constant 64 : i32
      %mul3A_275 = arith.muli %add3A_273, %mul3A_274 : i32
      %add3A_276 = arith.constant 13 : i32
      %add3A_277 = arith.addi %mul3A_73, %add3A_276 : i32
      %add3A_278 = arith.constant 3 : i32
      %add3A_279 = arith.addi %add3A_277, %add3A_278 : i32
      %lt3A_280 = arith.constant 160 : i32
      %lt3A_281 = arith.cmpi slt, %add3A_279, %lt3A_280 : i32
      %convert_element_type3A_282 = arith.extui %lt3A_281 : i1 to i32
      %cond3A_283 = arith.constant 0 : i32
      %cond3A_284 = arith.cmpi ne, %convert_element_type3A_282, %cond3A_283 : i32
      scf.if %cond3A_284 {
        %dma_start3A_329 = tpu.memref_slice %arg7[%mul3A_275] : memref<10240xi32, #tpu.memory_space<vmem>> -> memref<64xi32, #tpu.memory_space<vmem>>
        %dma_start3A_330 = arith.constant 0 : i32
        %dma_start3A_331 = arith.constant 0 : i32
        %dma_start3A_332 = tpu.memref_slice %arg2[%dma_start3A_330, %dma_start3A_331] : memref<10000x128xf32, #tpu.memory_space<hbm>> -> memref<10000x128xf32, #tpu.memory_space<hbm>>
        tpu.enqueue_indirect_dma source(%dma_start3A_332 : memref<10000x128xf32, #tpu.memory_space<hbm>>) target(%arg10 : memref<64x128xf32, #tpu.memory_space<vmem>>) offsets(%dma_start3A_329 : memref<64xi32, #tpu.memory_space<vmem>>) semaphore(%arg15 : memref<!tpu.dma_semaphore, #tpu.memory_space<semaphore_mem>>)
      } else {
      }
      %run_scoped3A_285 = arith.constant 5 : i32
      "tpu.region"() ({
        %run_scoped3A_329 = tpu.sem_alloc : memref<!tpu.dma_semaphore, #tpu.memory_space<semaphore_mem>>
        %dma_start3A_330 = arith.constant 0 : i32
        %dma_start3A_331 = tpu.memref_slice %arg9[%run_scoped3A_285, %dma_start3A_330] : memref<8x64xi32, #tpu.memory_space<vmem>> -> memref<1x64xi32, #tpu.memory_space<vmem>>
        %dma_start3A_332 = tpu.memref_squeeze %dma_start3A_331 : memref<1x64xi32, #tpu.memory_space<vmem>> -> memref<64xi32, #tpu.memory_space<vmem>>
        %dma_start3A_333 = arith.constant 0 : i32
        %dma_start3A_334 = arith.constant 0 : i32
        %dma_start3A_335 = tpu.memref_slice %arg14[%dma_start3A_333, %dma_start3A_334] : memref<10112x128xf32, #tpu.memory_space<vmem_shared>> -> memref<10112x128xf32, #tpu.memory_space<vmem_shared>>
        tpu.enqueue_indirect_dma source(%arg11 : memref<64x128xf32, #tpu.memory_space<vmem>>) target(%dma_start3A_335 : memref<10112x128xf32, #tpu.memory_space<vmem_shared>>) offsets(%dma_start3A_332 : memref<64xi32, #tpu.memory_space<vmem>>) semaphore(%run_scoped3A_329 : memref<!tpu.dma_semaphore, #tpu.memory_space<semaphore_mem>>) {add = true}
        %dma_wait3A_336 = arith.constant 0 : i32
        %dma_wait3A_337 = tpu.memref_slice %arg9[%run_scoped3A_285, %dma_wait3A_336] : memref<8x64xi32, #tpu.memory_space<vmem>> -> memref<1x64xi32, #tpu.memory_space<vmem>>
        %dma_wait3A_338 = tpu.memref_squeeze %dma_wait3A_337 : memref<1x64xi32, #tpu.memory_space<vmem>> -> memref<64xi32, #tpu.memory_space<vmem>>
        %dma_wait3A_339 = arith.constant 0 : i32
        %dma_wait3A_340 = arith.constant 0 : i32
        %dma_wait3A_341 = tpu.memref_slice %arg14[%dma_wait3A_339, %dma_wait3A_340] : memref<10112x128xf32, #tpu.memory_space<vmem_shared>> -> memref<10112x128xf32, #tpu.memory_space<vmem_shared>>
        tpu.wait_indirect_dma semaphore(%run_scoped3A_329 : memref<!tpu.dma_semaphore, #tpu.memory_space<semaphore_mem>>) src(%arg11 : memref<64x128xf32, #tpu.memory_space<vmem>>) dst(%dma_wait3A_341 : memref<10112x128xf32, #tpu.memory_space<vmem_shared>>)
        tpu.yield
      }) : () -> ()
      %dma_wait3A_286 = arith.constant 0 : i32
      %dma_wait3A_287 = tpu.memref_slice %arg7[%dma_wait3A_286] : memref<10240xi32, #tpu.memory_space<vmem>> -> memref<64xi32, #tpu.memory_space<vmem>>
      %dma_wait3A_288 = arith.constant 0 : i32
      %dma_wait3A_289 = arith.constant 0 : i32
      %dma_wait3A_290 = tpu.memref_slice %arg2[%dma_wait3A_288, %dma_wait3A_289] : memref<10000x128xf32, #tpu.memory_space<hbm>> -> memref<10000x128xf32, #tpu.memory_space<hbm>>
      tpu.wait_indirect_dma semaphore(%arg17 : memref<!tpu.dma_semaphore, #tpu.memory_space<semaphore_mem>>) src(%dma_wait3A_290 : memref<10000x128xf32, #tpu.memory_space<hbm>>) dst(%arg12 : memref<64x128xf32, #tpu.memory_space<vmem>>)
      %add3A_291 = arith.constant 17 : i32
      %add3A_292 = arith.addi %mul3A_73, %add3A_291 : i32
      %mul3A_293 = arith.constant 64 : i32
      %mul3A_294 = arith.muli %add3A_292, %mul3A_293 : i32
      %add3A_295 = arith.constant 14 : i32
      %add3A_296 = arith.addi %mul3A_73, %add3A_295 : i32
      %add3A_297 = arith.constant 3 : i32
      %add3A_298 = arith.addi %add3A_296, %add3A_297 : i32
      %lt3A_299 = arith.constant 160 : i32
      %lt3A_300 = arith.cmpi slt, %add3A_298, %lt3A_299 : i32
      %convert_element_type3A_301 = arith.extui %lt3A_300 : i1 to i32
      %cond3A_302 = arith.constant 0 : i32
      %cond3A_303 = arith.cmpi ne, %convert_element_type3A_301, %cond3A_302 : i32
      scf.if %cond3A_303 {
        %dma_start3A_329 = tpu.memref_slice %arg7[%mul3A_294] : memref<10240xi32, #tpu.memory_space<vmem>> -> memref<64xi32, #tpu.memory_space<vmem>>
        %dma_start3A_330 = arith.constant 0 : i32
        %dma_start3A_331 = arith.constant 0 : i32
        %dma_start3A_332 = tpu.memref_slice %arg2[%dma_start3A_330, %dma_start3A_331] : memref<10000x128xf32, #tpu.memory_space<hbm>> -> memref<10000x128xf32, #tpu.memory_space<hbm>>
        tpu.enqueue_indirect_dma source(%dma_start3A_332 : memref<10000x128xf32, #tpu.memory_space<hbm>>) target(%arg11 : memref<64x128xf32, #tpu.memory_space<vmem>>) offsets(%dma_start3A_329 : memref<64xi32, #tpu.memory_space<vmem>>) semaphore(%arg16 : memref<!tpu.dma_semaphore, #tpu.memory_space<semaphore_mem>>)
      } else {
      }
      %run_scoped3A_304 = arith.constant 6 : i32
      "tpu.region"() ({
        %run_scoped3A_329 = tpu.sem_alloc : memref<!tpu.dma_semaphore, #tpu.memory_space<semaphore_mem>>
        %dma_start3A_330 = arith.constant 0 : i32
        %dma_start3A_331 = tpu.memref_slice %arg9[%run_scoped3A_304, %dma_start3A_330] : memref<8x64xi32, #tpu.memory_space<vmem>> -> memref<1x64xi32, #tpu.memory_space<vmem>>
        %dma_start3A_332 = tpu.memref_squeeze %dma_start3A_331 : memref<1x64xi32, #tpu.memory_space<vmem>> -> memref<64xi32, #tpu.memory_space<vmem>>
        %dma_start3A_333 = arith.constant 0 : i32
        %dma_start3A_334 = arith.constant 0 : i32
        %dma_start3A_335 = tpu.memref_slice %arg14[%dma_start3A_333, %dma_start3A_334] : memref<10112x128xf32, #tpu.memory_space<vmem_shared>> -> memref<10112x128xf32, #tpu.memory_space<vmem_shared>>
        tpu.enqueue_indirect_dma source(%arg12 : memref<64x128xf32, #tpu.memory_space<vmem>>) target(%dma_start3A_335 : memref<10112x128xf32, #tpu.memory_space<vmem_shared>>) offsets(%dma_start3A_332 : memref<64xi32, #tpu.memory_space<vmem>>) semaphore(%run_scoped3A_329 : memref<!tpu.dma_semaphore, #tpu.memory_space<semaphore_mem>>) {add = true}
        %dma_wait3A_336 = arith.constant 0 : i32
        %dma_wait3A_337 = tpu.memref_slice %arg9[%run_scoped3A_304, %dma_wait3A_336] : memref<8x64xi32, #tpu.memory_space<vmem>> -> memref<1x64xi32, #tpu.memory_space<vmem>>
        %dma_wait3A_338 = tpu.memref_squeeze %dma_wait3A_337 : memref<1x64xi32, #tpu.memory_space<vmem>> -> memref<64xi32, #tpu.memory_space<vmem>>
        %dma_wait3A_339 = arith.constant 0 : i32
        %dma_wait3A_340 = arith.constant 0 : i32
        %dma_wait3A_341 = tpu.memref_slice %arg14[%dma_wait3A_339, %dma_wait3A_340] : memref<10112x128xf32, #tpu.memory_space<vmem_shared>> -> memref<10112x128xf32, #tpu.memory_space<vmem_shared>>
        tpu.wait_indirect_dma semaphore(%run_scoped3A_329 : memref<!tpu.dma_semaphore, #tpu.memory_space<semaphore_mem>>) src(%arg12 : memref<64x128xf32, #tpu.memory_space<vmem>>) dst(%dma_wait3A_341 : memref<10112x128xf32, #tpu.memory_space<vmem_shared>>)
        tpu.yield
      }) : () -> ()
      %dma_wait3A_305 = arith.constant 0 : i32
      %dma_wait3A_306 = tpu.memref_slice %arg7[%dma_wait3A_305] : memref<10240xi32, #tpu.memory_space<vmem>> -> memref<64xi32, #tpu.memory_space<vmem>>
      %dma_wait3A_307 = arith.constant 0 : i32
      %dma_wait3A_308 = arith.constant 0 : i32
      %dma_wait3A_309 = tpu.memref_slice %arg2[%dma_wait3A_307, %dma_wait3A_308] : memref<10000x128xf32, #tpu.memory_space<hbm>> -> memref<10000x128xf32, #tpu.memory_space<hbm>>
      tpu.wait_indirect_dma semaphore(%arg18 : memref<!tpu.dma_semaphore, #tpu.memory_space<semaphore_mem>>) src(%dma_wait3A_309 : memref<10000x128xf32, #tpu.memory_space<hbm>>) dst(%arg13 : memref<64x128xf32, #tpu.memory_space<vmem>>)
      %add3A_310 = arith.constant 18 : i32
      %add3A_311 = arith.addi %mul3A_73, %add3A_310 : i32
      %mul3A_312 = arith.constant 64 : i32
      %mul3A_313 = arith.muli %add3A_311, %mul3A_312 : i32
      %add3A_314 = arith.constant 15 : i32
      %add3A_315 = arith.addi %mul3A_73, %add3A_314 : i32
      %add3A_316 = arith.constant 3 : i32
      %add3A_317 = arith.addi %add3A_315, %add3A_316 : i32
      %lt3A_318 = arith.constant 160 : i32
      %lt3A_319 = arith.cmpi slt, %add3A_317, %lt3A_318 : i32
      %convert_element_type3A_320 = arith.extui %lt3A_319 : i1 to i32
      %cond3A_321 = arith.constant 0 : i32
      %cond3A_322 = arith.cmpi ne, %convert_element_type3A_320, %cond3A_321 : i32
      scf.if %cond3A_322 {
        %dma_start3A_329 = tpu.memref_slice %arg7[%mul3A_313] : memref<10240xi32, #tpu.memory_space<vmem>> -> memref<64xi32, #tpu.memory_space<vmem>>
        %dma_start3A_330 = arith.constant 0 : i32
        %dma_start3A_331 = arith.constant 0 : i32
        %dma_start3A_332 = tpu.memref_slice %arg2[%dma_start3A_330, %dma_start3A_331] : memref<10000x128xf32, #tpu.memory_space<hbm>> -> memref<10000x128xf32, #tpu.memory_space<hbm>>
        tpu.enqueue_indirect_dma source(%dma_start3A_332 : memref<10000x128xf32, #tpu.memory_space<hbm>>) target(%arg12 : memref<64x128xf32, #tpu.memory_space<vmem>>) offsets(%dma_start3A_329 : memref<64xi32, #tpu.memory_space<vmem>>) semaphore(%arg17 : memref<!tpu.dma_semaphore, #tpu.memory_space<semaphore_mem>>)
      } else {
      }
      %run_scoped3A_323 = arith.constant 7 : i32
      "tpu.region"() ({
        %run_scoped3A_329 = tpu.sem_alloc : memref<!tpu.dma_semaphore, #tpu.memory_space<semaphore_mem>>
        %dma_start3A_330 = arith.constant 0 : i32
        %dma_start3A_331 = tpu.memref_slice %arg9[%run_scoped3A_323, %dma_start3A_330] : memref<8x64xi32, #tpu.memory_space<vmem>> -> memref<1x64xi32, #tpu.memory_space<vmem>>
        %dma_start3A_332 = tpu.memref_squeeze %dma_start3A_331 : memref<1x64xi32, #tpu.memory_space<vmem>> -> memref<64xi32, #tpu.memory_space<vmem>>
        %dma_start3A_333 = arith.constant 0 : i32
        %dma_start3A_334 = arith.constant 0 : i32
        %dma_start3A_335 = tpu.memref_slice %arg14[%dma_start3A_333, %dma_start3A_334] : memref<10112x128xf32, #tpu.memory_space<vmem_shared>> -> memref<10112x128xf32, #tpu.memory_space<vmem_shared>>
        tpu.enqueue_indirect_dma source(%arg13 : memref<64x128xf32, #tpu.memory_space<vmem>>) target(%dma_start3A_335 : memref<10112x128xf32, #tpu.memory_space<vmem_shared>>) offsets(%dma_start3A_332 : memref<64xi32, #tpu.memory_space<vmem>>) semaphore(%run_scoped3A_329 : memref<!tpu.dma_semaphore, #tpu.memory_space<semaphore_mem>>) {add = true}
        %dma_wait3A_336 = arith.constant 0 : i32
        %dma_wait3A_337 = tpu.memref_slice %arg9[%run_scoped3A_323, %dma_wait3A_336] : memref<8x64xi32, #tpu.memory_space<vmem>> -> memref<1x64xi32, #tpu.memory_space<vmem>>
        %dma_wait3A_338 = tpu.memref_squeeze %dma_wait3A_337 : memref<1x64xi32, #tpu.memory_space<vmem>> -> memref<64xi32, #tpu.memory_space<vmem>>
        %dma_wait3A_339 = arith.constant 0 : i32
        %dma_wait3A_340 = arith.constant 0 : i32
        %dma_wait3A_341 = tpu.memref_slice %arg14[%dma_wait3A_339, %dma_wait3A_340] : memref<10112x128xf32, #tpu.memory_space<vmem_shared>> -> memref<10112x128xf32, #tpu.memory_space<vmem_shared>>
        tpu.wait_indirect_dma semaphore(%run_scoped3A_329 : memref<!tpu.dma_semaphore, #tpu.memory_space<semaphore_mem>>) src(%arg13 : memref<64x128xf32, #tpu.memory_space<vmem>>) dst(%dma_wait3A_341 : memref<10112x128xf32, #tpu.memory_space<vmem_shared>>)
        tpu.yield
      }) : () -> ()
      %lt3A_324 = arith.constant 9 : i32
      %lt3A_325 = arith.cmpi slt, %scan3A_69, %lt3A_324 : i32
      %convert_element_type3A_326 = arith.extui %lt3A_325 : i1 to i32
      %cond3A_327 = arith.constant 0 : i32
      %cond3A_328 = arith.cmpi ne, %convert_element_type3A_326, %cond3A_327 : i32
      scf.if %cond3A_328 {
        %mul3A_329 = arith.constant 2 : i32
        %mul3A_330 = arith.muli %scan3A_69, %mul3A_329 : i32
        %add3A_331 = arith.constant 3 : i32
        %add3A_332 = arith.addi %mul3A_330, %add3A_331 : i32
        %mul3A_333 = arith.constant 8 : i32
        %mul3A_334 = arith.muli %add3A_332, %mul3A_333 : i32
        %add3A_335 = arith.addi %mul3A_2, %mul3A_334 : i32
        %dma_start3A_336 = arith.constant 0 : i32
        %dma_start3A_337 = tpu.memref_slice %arg4[%add3A_335, %dma_start3A_336] : memref<5120x64xi32, #tpu.memory_space<hbm>> -> memref<8x64xi32, #tpu.memory_space<hbm>>
        %dma_start3A_338 = arith.constant 0 : i32
        %dma_start3A_339 = tpu.memref_slice %arg4[%add3A_335, %dma_start3A_338] : memref<5120x64xi32, #tpu.memory_space<hbm>> -> memref<8x64xi32, #tpu.memory_space<hbm>>
        tpu.enqueue_dma source(%dma_start3A_339 : memref<8x64xi32, #tpu.memory_space<hbm>>) target(%arg9 : memref<8x64xi32, #tpu.memory_space<vmem>>) target_semaphore(%arg20 : memref<!tpu.dma_semaphore, #tpu.memory_space<semaphore_mem>>)
      } else {
      }
    }
    %scan3A_60 = arith.constant 10 : i32
    %barrier3A_61 = arith.constant 0 : index
    tpu.barrier barrier_id(%barrier3A_61)
    %mul3A_62 = arith.constant 632 : i32
    %mul3A_63 = arith.muli %arg1, %mul3A_62 : i32
    %mul3A_64 = arith.constant 10112 : i32
    %mul3A_65 = arith.muli %arg0, %mul3A_64 : i32
    %mul3A_66 = arith.constant 632 : i32
    %mul3A_67 = arith.muli %arg1, %mul3A_66 : i32
    %add3A_68 = arith.addi %mul3A_65, %mul3A_67 : i32
    "tpu.region"() ({
      %run_scoped3A = tpu.sem_alloc : memref<!tpu.dma_semaphore, #tpu.memory_space<semaphore_mem>>
      %dma_start3A_69 = arith.constant 0 : i32
      %dma_start3A_70 = tpu.memref_slice %arg6[%add3A_68, %dma_start3A_69] : memref<20224x128xf32, #tpu.memory_space<hbm>> -> memref<632x128xf32, #tpu.memory_space<hbm>>
      %dma_start3A_71 = arith.constant 0 : i32
      %dma_start3A_72 = tpu.memref_slice %arg14[%mul3A_63, %dma_start3A_71] : memref<10112x128xf32, #tpu.memory_space<vmem_shared>> -> memref<632x128xf32, #tpu.memory_space<vmem_shared>>
      tpu.enqueue_dma source(%dma_start3A_72 : memref<632x128xf32, #tpu.memory_space<vmem_shared>>) target(%dma_start3A_70 : memref<632x128xf32, #tpu.memory_space<hbm>>) target_semaphore(%run_scoped3A : memref<!tpu.dma_semaphore, #tpu.memory_space<semaphore_mem>>)
      %dma_wait3A = arith.constant 0 : i32
      %dma_wait3A_73 = tpu.memref_slice %arg6[%add3A_68, %dma_wait3A] : memref<20224x128xf32, #tpu.memory_space<hbm>> -> memref<632x128xf32, #tpu.memory_space<hbm>>
      %dma_wait3A_74 = arith.constant 0 : i32
      %dma_wait3A_75 = tpu.memref_slice %arg14[%mul3A_63, %dma_wait3A_74] : memref<10112x128xf32, #tpu.memory_space<vmem_shared>> -> memref<632x128xf32, #tpu.memory_space<vmem_shared>>
      tpu.wait_dma2 semaphore(%run_scoped3A : memref<!tpu.dma_semaphore, #tpu.memory_space<semaphore_mem>>) src(%dma_wait3A_75 : memref<632x128xf32, #tpu.memory_space<vmem_shared>>) dst(%dma_wait3A_73 : memref<632x128xf32, #tpu.memory_space<hbm>>)
      tpu.yield
    }) : () -> ()
    return
  }
}

module attributes {stable_mosaic.version = 14 : i64} {
  func.func @_mlp_kernel(%arg0: i32, %arg1: memref<2000x128xf32, #tpu.memory_space<vmem>>, %arg2: memref<2000x128xf32, #tpu.memory_space<vmem>>, %arg3: memref<128x128xf32, #tpu.memory_space<vmem>>, %arg4: memref<1x128xf32, #tpu.memory_space<vmem>>, %arg5: memref<128x128xf32, #tpu.memory_space<vmem>>, %arg6: memref<1x128xf32, #tpu.memory_space<vmem>>, %arg7: memref<2000x128xf32, #tpu.memory_space<vmem>>) attributes {dimension_semantics = [#tpu.dimension_semantics<arbitrary>], iteration_bounds = array<i64: 5>, scalar_prefetch = 0 : i64, scratch_operands = 0 : i64, tpu.core_type = #tpu.core_type<tc>, window_params = [{transform_indices = @transform_0, window_bounds = array<i64: 2000, 128>}, {transform_indices = @transform_1, window_bounds = array<i64: 2000, 128>}, {pipeline_mode = #tpu.pipeline_mode<synchronous>, transform_indices = @transform_2, window_bounds = array<i64: 128, 128>}, {pipeline_mode = #tpu.pipeline_mode<synchronous>, transform_indices = @transform_3, window_bounds = array<i64: 1, 128>}, {pipeline_mode = #tpu.pipeline_mode<synchronous>, transform_indices = @transform_4, window_bounds = array<i64: 128, 128>}, {pipeline_mode = #tpu.pipeline_mode<synchronous>, transform_indices = @transform_5, window_bounds = array<i64: 1, 128>}, {transform_indices = @transform_6, window_bounds = array<i64: 2000, 128>}]} {
    %get3A = arith.constant 0 : index
    %get3A_0 = arith.constant 0 : index
    %get3A_1 = vector.load %arg1[%get3A, %get3A_0] : memref<2000x128xf32, #tpu.memory_space<vmem>>, vector<2000x128xf32>
    %get3A_2 = arith.constant 0 : index
    %get3A_3 = arith.constant 0 : index
    %get3A_4 = vector.load %arg2[%get3A_2, %get3A_3] : memref<2000x128xf32, #tpu.memory_space<vmem>>, vector<2000x128xf32>
    %add3A = arith.addf %get3A_1, %get3A_4 : vector<2000x128xf32>
    %get3A_5 = arith.constant 0 : index
    %get3A_6 = arith.constant 0 : index
    %get3A_7 = vector.load %arg3[%get3A_5, %get3A_6] : memref<128x128xf32, #tpu.memory_space<vmem>>, vector<128x128xf32>
    %dot_general3A = arith.constant dense<0.000000e+00> : vector<2000x128xf32>
    %dot_general3A_8 = tpu.matmul %add3A, %get3A_7, %dot_general3A {dimension_numbers = #tpu.dot_dimension_numbers<[1], [0], [0], [1], [0, 0, 1, 1], [], []>, transpose_lhs_hint = false} : vector<2000x128xf32>, vector<128x128xf32>, vector<2000x128xf32> -> vector<2000x128xf32>
    %get3A_9 = arith.constant 0 : index
    %get3A_10 = arith.constant 0 : index
    %get3A_11 = vector.load %arg4[%get3A_9, %get3A_10] : memref<1x128xf32, #tpu.memory_space<vmem>>, vector<1x128xf32>
    %add3A_12 = vector.broadcast %get3A_11 : vector<1x128xf32> to vector<2000x128xf32>
    %add3A_13 = arith.addf %dot_general3A_8, %add3A_12 : vector<2000x128xf32>
    %max3A = arith.constant 0.000000e+00 : f32
    %max3A_14 = vector.broadcast %max3A : f32 to vector<2000x128xf32>
    %max3A_15 = arith.maximumf %add3A_13, %max3A_14 : vector<2000x128xf32>
    %get3A_16 = arith.constant 0 : index
    %get3A_17 = arith.constant 0 : index
    %get3A_18 = vector.load %arg5[%get3A_16, %get3A_17] : memref<128x128xf32, #tpu.memory_space<vmem>>, vector<128x128xf32>
    %dot_general3A_19 = arith.constant dense<0.000000e+00> : vector<2000x128xf32>
    %dot_general3A_20 = tpu.matmul %max3A_15, %get3A_18, %dot_general3A_19 {dimension_numbers = #tpu.dot_dimension_numbers<[1], [0], [0], [1], [0, 0, 1, 1], [], []>, transpose_lhs_hint = false} : vector<2000x128xf32>, vector<128x128xf32>, vector<2000x128xf32> -> vector<2000x128xf32>
    %get3A_21 = arith.constant 0 : index
    %get3A_22 = arith.constant 0 : index
    %get3A_23 = vector.load %arg6[%get3A_21, %get3A_22] : memref<1x128xf32, #tpu.memory_space<vmem>>, vector<1x128xf32>
    %add3A_24 = vector.broadcast %get3A_23 : vector<1x128xf32> to vector<2000x128xf32>
    %add3A_25 = arith.addf %dot_general3A_20, %add3A_24 : vector<2000x128xf32>
    %max3A_26 = arith.constant 0.000000e+00 : f32
    %max3A_27 = vector.broadcast %max3A_26 : f32 to vector<2000x128xf32>
    %max3A_28 = arith.maximumf %add3A_25, %max3A_27 : vector<2000x128xf32>
    %swap3A = arith.constant 0 : index
    %swap3A_29 = arith.constant 0 : index
    %swap3A_30 = vector.load %arg7[%swap3A, %swap3A_29] : memref<2000x128xf32, #tpu.memory_space<vmem>>, vector<2000x128xf32>
    tpu.vector_store %arg7[%swap3A, %swap3A_29], %max3A_28 {strides = array<i32>} : memref<2000x128xf32, #tpu.memory_space<vmem>>, vector<2000x128xf32>,
    return
  }
  func.func @transform_0(%arg0: i32) -> (i32, i32) {
    %c0_i32 = arith.constant 0 : i32
    %c0_i32_0 = arith.constant 0 : i32
    return %arg0, %c0_i32 : i32, i32
  }
  func.func @transform_1(%arg0: i32) -> (i32, i32) {
    %c0_i32 = arith.constant 0 : i32
    %c0_i32_0 = arith.constant 0 : i32
    return %arg0, %c0_i32 : i32, i32
  }
  func.func @transform_2(%arg0: i32) -> (i32, i32) {
    %c0_i32 = arith.constant 0 : i32
    %c0_i32_0 = arith.constant 0 : i32
    %c0_i32_1 = arith.constant 0 : i32
    return %c0_i32, %c0_i32_0 : i32, i32
  }
  func.func @transform_3(%arg0: i32) -> (i32, i32) {
    %c0_i32 = arith.constant 0 : i32
    %c0_i32_0 = arith.constant 0 : i32
    %c0_i32_1 = arith.constant 0 : i32
    return %c0_i32, %c0_i32_0 : i32, i32
  }
  func.func @transform_4(%arg0: i32) -> (i32, i32) {
    %c0_i32 = arith.constant 0 : i32
    %c0_i32_0 = arith.constant 0 : i32
    %c0_i32_1 = arith.constant 0 : i32
    return %c0_i32, %c0_i32_0 : i32, i32
  }
  func.func @transform_5(%arg0: i32) -> (i32, i32) {
    %c0_i32 = arith.constant 0 : i32
    %c0_i32_0 = arith.constant 0 : i32
    %c0_i32_1 = arith.constant 0 : i32
    return %c0_i32, %c0_i32_0 : i32, i32
  }
  func.func @transform_6(%arg0: i32) -> (i32, i32) {
    %c0_i32 = arith.constant 0 : i32
    %c0_i32_0 = arith.constant 0 : i32
    return %arg0, %c0_i32 : i32, i32
  }
}

module attributes {stable_mosaic.version = 14 : i64} {
  func.func @_mlp_kernel(%arg0: i32, %arg1: memref<2000x128xf32, #tpu.memory_space<vmem>>, %arg2: memref<2000x128xf32, #tpu.memory_space<vmem>>, %arg3: memref<128x128xf32, #tpu.memory_space<vmem>>, %arg4: memref<1x128xf32, #tpu.memory_space<vmem>>, %arg5: memref<128x128xf32, #tpu.memory_space<vmem>>, %arg6: memref<1x128xf32, #tpu.memory_space<vmem>>, %arg7: memref<2000x128xf32, #tpu.memory_space<vmem>>) attributes {dimension_semantics = [#tpu.dimension_semantics<arbitrary>], iteration_bounds = array<i64: 5>, scalar_prefetch = 0 : i64, scratch_operands = 0 : i64, tpu.core_type = #tpu.core_type<tc>, window_params = [{transform_indices = @transform_0, window_bounds = array<i64: 2000, 128>}, {transform_indices = @transform_1, window_bounds = array<i64: 2000, 128>}, {pipeline_mode = #tpu.pipeline_mode<synchronous>, transform_indices = @transform_2, window_bounds = array<i64: 128, 128>}, {pipeline_mode = #tpu.pipeline_mode<synchronous>, transform_indices = @transform_3, window_bounds = array<i64: 1, 128>}, {pipeline_mode = #tpu.pipeline_mode<synchronous>, transform_indices = @transform_4, window_bounds = array<i64: 128, 128>}, {pipeline_mode = #tpu.pipeline_mode<synchronous>, transform_indices = @transform_5, window_bounds = array<i64: 1, 128>}, {transform_indices = @transform_6, window_bounds = array<i64: 2000, 128>}]} {
    %get3A = arith.constant 0 : index
    %get3A_0 = arith.constant 0 : index
    %get3A_1 = vector.load %arg1[%get3A, %get3A_0] : memref<2000x128xf32, #tpu.memory_space<vmem>>, vector<2000x128xf32>
    %get3A_2 = arith.constant 0 : index
    %get3A_3 = arith.constant 0 : index
    %get3A_4 = vector.load %arg2[%get3A_2, %get3A_3] : memref<2000x128xf32, #tpu.memory_space<vmem>>, vector<2000x128xf32>
    %add3A = arith.addf %get3A_1, %get3A_4 : vector<2000x128xf32>
    %get3A_5 = arith.constant 0 : index
    %get3A_6 = arith.constant 0 : index
    %get3A_7 = vector.load %arg3[%get3A_5, %get3A_6] : memref<128x128xf32, #tpu.memory_space<vmem>>, vector<128x128xf32>
    %dot_general3A = arith.constant dense<0.000000e+00> : vector<2000x128xf32>
    %dot_general3A_8 = tpu.matmul %add3A, %get3A_7, %dot_general3A {dimension_numbers = #tpu.dot_dimension_numbers<[1], [0], [0], [1], [0, 0, 1, 1], [], []>, transpose_lhs_hint = false} : vector<2000x128xf32>, vector<128x128xf32>, vector<2000x128xf32> -> vector<2000x128xf32>
    %get3A_9 = arith.constant 0 : index
    %get3A_10 = arith.constant 0 : index
    %get3A_11 = vector.load %arg4[%get3A_9, %get3A_10] : memref<1x128xf32, #tpu.memory_space<vmem>>, vector<1x128xf32>
    %add3A_12 = vector.broadcast %get3A_11 : vector<1x128xf32> to vector<2000x128xf32>
    %add3A_13 = arith.addf %dot_general3A_8, %add3A_12 : vector<2000x128xf32>
    %max3A = arith.constant 0.000000e+00 : f32
    %max3A_14 = vector.broadcast %max3A : f32 to vector<2000x128xf32>
    %max3A_15 = arith.maximumf %add3A_13, %max3A_14 : vector<2000x128xf32>
    %get3A_16 = arith.constant 0 : index
    %get3A_17 = arith.constant 0 : index
    %get3A_18 = vector.load %arg5[%get3A_16, %get3A_17] : memref<128x128xf32, #tpu.memory_space<vmem>>, vector<128x128xf32>
    %dot_general3A_19 = arith.constant dense<0.000000e+00> : vector<2000x128xf32>
    %dot_general3A_20 = tpu.matmul %max3A_15, %get3A_18, %dot_general3A_19 {dimension_numbers = #tpu.dot_dimension_numbers<[1], [0], [0], [1], [0, 0, 1, 1], [], []>, transpose_lhs_hint = false} : vector<2000x128xf32>, vector<128x128xf32>, vector<2000x128xf32> -> vector<2000x128xf32>
    %get3A_21 = arith.constant 0 : index
    %get3A_22 = arith.constant 0 : index
    %get3A_23 = vector.load %arg6[%get3A_21, %get3A_22] : memref<1x128xf32, #tpu.memory_space<vmem>>, vector<1x128xf32>
    %add3A_24 = vector.broadcast %get3A_23 : vector<1x128xf32> to vector<2000x128xf32>
    %add3A_25 = arith.addf %dot_general3A_20, %add3A_24 : vector<2000x128xf32>
    %swap3A = arith.constant 0 : index
    %swap3A_26 = arith.constant 0 : index
    %swap3A_27 = vector.load %arg7[%swap3A, %swap3A_26] : memref<2000x128xf32, #tpu.memory_space<vmem>>, vector<2000x128xf32>
    tpu.vector_store %arg7[%swap3A, %swap3A_26], %add3A_25 {strides = array<i32>} : memref<2000x128xf32, #tpu.memory_space<vmem>>, vector<2000x128xf32>,
    return
  }
  func.func @transform_0(%arg0: i32) -> (i32, i32) {
    %c0_i32 = arith.constant 0 : i32
    %c0_i32_0 = arith.constant 0 : i32
    return %arg0, %c0_i32 : i32, i32
  }
  func.func @transform_1(%arg0: i32) -> (i32, i32) {
    %c0_i32 = arith.constant 0 : i32
    %c0_i32_0 = arith.constant 0 : i32
    return %arg0, %c0_i32 : i32, i32
  }
  func.func @transform_2(%arg0: i32) -> (i32, i32) {
    %c0_i32 = arith.constant 0 : i32
    %c0_i32_0 = arith.constant 0 : i32
    %c0_i32_1 = arith.constant 0 : i32
    return %c0_i32, %c0_i32_0 : i32, i32
  }
  func.func @transform_3(%arg0: i32) -> (i32, i32) {
    %c0_i32 = arith.constant 0 : i32
    %c0_i32_0 = arith.constant 0 : i32
    %c0_i32_1 = arith.constant 0 : i32
    return %c0_i32, %c0_i32_0 : i32, i32
  }
  func.func @transform_4(%arg0: i32) -> (i32, i32) {
    %c0_i32 = arith.constant 0 : i32
    %c0_i32_0 = arith.constant 0 : i32
    %c0_i32_1 = arith.constant 0 : i32
    return %c0_i32, %c0_i32_0 : i32, i32
  }
  func.func @transform_5(%arg0: i32) -> (i32, i32) {
    %c0_i32 = arith.constant 0 : i32
    %c0_i32_0 = arith.constant 0 : i32
    %c0_i32_1 = arith.constant 0 : i32
    return %c0_i32, %c0_i32_0 : i32, i32
  }
  func.func @transform_6(%arg0: i32) -> (i32, i32) {
    %c0_i32 = arith.constant 0 : i32
    %c0_i32_0 = arith.constant 0 : i32
    return %arg0, %c0_i32 : i32, i32
  }
}

</mosaic_0001>

<sc_bundles>
// kernel: kernel.6.cloned.1.call-start
scs
__scs_entry_jumppad:
0x0: {  	(pc) =	sbr.rel $0x88, $3  }
0x1: {  	(tag) =	ssettag $0x0;
	lr =	simm.s32 $0x1  }
0x2: {  	[smem:$0x3F97] =	sst lr;
	_ =	strace $0xD0000000  }
0x3: {  	_ = 	snop  }
0x4: {  	_ = 	snop  }
0x5: {  	_ = 	snop  }
0x6: {  	_ = 	snop  }
0x7: {  	_ = 	snop  }
__scs_overlays_trampoline_lowered:
0x8: {  	[smem:$0x3FA6] =	sst s0  }
0x9: {  	[smem:$0x3FA7] =	sst s1  }
0xa: {  	[smem:$0x3FA8] =	sst s2  }
0xb: {  	[smem:$0x3FA9] =	sst s3  }
0xc: {  	[smem:$0x3FAA] =	sst s4  }
0xd: {  	[smem:$0x3FAB] =	sst s5  }
0xe: {  	[smem:$0x3FAC] =	sst s6  }
0xf: {  	[smem:$0x3FAD] =	sst s7  }
0x10: {  	[smem:$0x3FAE] =	sst s8  }
0x11: {  	[smem:$0x3FAF] =	sst s9;
	s0 =	simm.s32 @!p0 $0x0  }
0x12: {  	s1 =	sld [smem:$0x3F95];
	s0 =	simm.s32 @p0 $0x1  }
0x13: {  	[smem:$0x3FB0] =	sst s0;
	s0 =	simm.s32 @!p1 $0x0  }
0x14: {  	s2 =	sld [smem:$0x3F94];
	s0 =	simm.s32 @p1 $0x1  }
0x15: {  	[smem:$0x3FB1] =	sst s0;
	s0 =	simm.s32 @!p2 $0x0  }
0x16: {  	s3 =	sld [smem:$0x3FDB];
	s0 =	simm.s32 @p2 $0x1  }
0x17: {  	s4 =	simm.s32 $0x1BF5;
	[smem:$0x3FB3] =	sst s0  }
0x18: {  	s0 =	sld [smem:$0x3F96];
	_ =	swait.ge [sflag:s4], $0x0  }
0x19: {  	s7 =	sld [smem:$0x3F97]  }
0x1a: {  	s8 =	sadd.s32 $0xFFFFE003, lr  }
0x1b: {  	s9 =	sadd.s32 $0xFFFFFEF7, lr;
	s5 =	simm.s32 $0xFFFFFFFF;
	p2 =	slt.u32 s8, $0xFFFFF086  }
0x1c: {  	p1 =	slt.u32 s9, $0xF7A;
	s5 =	simm.s32 @!p2 $0x0  }
0x1d: {  	s5 =	simm.s32 @p1 $0x1;
	p0 =	seq.s32 s7, s2  }
0x1e: {  	s7 =	smul.u32 @!p0 $0xF7A, s2;
	p2 =	seq.s32 @!p0 s5, $0x0  }
0x1f: {  	s9 =	smul.u32 $0xF7A, s1;
	s8 =	simm.s32 @!p0 $0x1BF5;
	p2 =	por !p2, p0  }
0x20: {  	[sflag:s8] =	ssyncset.s32 @!p0 $0xFFFFF086;
	s6 =	sadd.s32 @!p0 s3, s7;
	s7 =	simm.s32 @!p0 $0x108  }
0x21: {  	s3 =	sadd.s32 s3, s9;
	s6 =	sadd.s32 @!p0 $0x88, s6;
	s7 =	simm.s32 @p2 $0x1082  }
0x22: {  	[simem:s7], [sflag:s8] =	dma.local @!p0 [hbm:s6], $0xF7A  }
0x23: {  	s9 =	sor.u32 $0xD0000000, s2;
	s6 =	simm.s32 $0x108;
	_ =	swait.ge @!p0 [sflag:s8], $0x0  }
0x24: {  	s3 =	sadd.s32 $0x88, s3;
	s6 =	simm.s32 @!p1 $0x1082;
	[sflag:s4] =	ssyncset.s32 $0xFFFFF086  }
0x25: {  	[simem:s6], [sflag:s4] =	dma.local [hbm:s3], $0xF7A  }
0x26: {  	[smem:$0x3F97] =	sst s1;
	(tag) =	ssettag s2;
	_ =	strace s9  }
0x27: {  	s1 =	sld [smem:$0x3FA7]  }
0x28: {  	s2 =	sld [smem:$0x3FA8]  }
0x29: {  	s4 =	sld [smem:$0x3FAA]  }
0x2a: {  	p0 =	seq.s32 s5, $0x0;
	s5 =	sld [smem:$0x3FAB]  }
0x2b: {  	s6 =	sld [smem:$0x3FAC]  }
0x2c: {  	s7 =	sld [smem:$0x3FAD]  }
0x2d: {  	s3 =	simm.s32 $0x108;
	s8 =	sld [smem:$0x3FAE]  }
0x2e: {  	s3 =	simm.s32 @!p0 $0x1082;
	s9 =	sld [smem:$0x3FAF]  }
0x2f: {  	lr =	sadd.s32 s0, s3;
	s0 =	sld [smem:$0x3FA6]  }
0x30: {  	s3 =	sld [smem:$0x3FA9]  }
0x31: {  	[smem:$0x3FB2] =	sst s10  }
0x32: {  	s10 =	sld [smem:$0x3FB0];
	_ =	sdelay $0x3  }
0x33: {  	p0 =	seq.s32 s10, $0x1;
	s10 =	sld [smem:$0x3FB2];
	_ =	sdelay $0x3  }
0x34: {  	[smem:$0x3FB2] =	sst s10  }
0x35: {  	s10 =	sld [smem:$0x3FB1];
	_ =	sdelay $0x3  }
0x36: {  	p1 =	seq.s32 s10, $0x1;
	s10 =	sld [smem:$0x3FB2];
	_ =	sdelay $0x3  }
0x37: {  	[smem:$0x3FB2] =	sst s10  }
0x38: {  	s10 =	sld [smem:$0x3FB3]  }
0x39: {  	_ = 	snop;
	(pc) =	sbr.ind lr, $3  }
0x3a: {  	_ = 	snop  }
0x3b: {  	_ = 	snop  }
0x3c: {  	p2 =	seq.s32 s10, $0x1;
	s10 =	sld [smem:$0x3FB2]  }
0x3d: {  	_ =	shalt  }
0x3e: {  	_ =	shalt  }
0x3f: {  	_ =	shalt  }
0x40: {  	_ =	shalt  }
0x41: {  	_ =	shalt  }
0x42: {  	_ =	shalt  }
0x43: {  	_ =	shalt  }
0x44: {  	_ =	shalt  }
0x45: {  	_ =	shalt  }
0x46: {  	_ =	shalt  }
0x47: {  	_ =	shalt  }
0x48: {  	_ =	shalt  }
0x49: {  	_ =	shalt  }
0x4a: {  	_ =	shalt  }
0x4b: {  	_ =	shalt  }
0x4c: {  	_ =	shalt  }
0x4d: {  	_ =	shalt  }
0x4e: {  	_ =	shalt  }
0x4f: {  	_ =	shalt  }
0x50: {  	_ =	shalt  }
0x51: {  	_ =	shalt  }
0x52: {  	_ =	shalt  }
0x53: {  	_ =	shalt  }
0x54: {  	_ =	shalt  }
0x55: {  	_ =	shalt  }
0x56: {  	_ =	shalt  }
0x57: {  	_ =	shalt  }
0x58: {  	_ =	shalt  }
0x59: {  	_ =	shalt  }
0x5a: {  	_ =	shalt  }
0x5b: {  	_ =	shalt  }
0x5c: {  	_ =	shalt  }
0x5d: {  	_ =	shalt  }
0x5e: {  	_ =	shalt  }
0x5f: {  	_ =	shalt  }
0x60: {  	_ =	shalt  }
0x61: {  	_ =	shalt  }
0x62: {  	_ =	shalt  }
0x63: {  	_ =	shalt  }
0x64: {  	_ =	shalt  }
0x65: {  	_ =	shalt  }
0x66: {  	_ =	shalt  }
0x67: {  	_ =	shalt  }
0x68: {  	_ =	shalt  }
0x69: {  	_ =	shalt  }
0x6a: {  	_ =	shalt  }
0x6b: {  	_ =	shalt  }
0x6c: {  	_ =	shalt  }
0x6d: {  	_ =	shalt  }
0x6e: {  	_ =	shalt  }
0x6f: {  	_ =	shalt  }
0x70: {  	_ =	shalt  }
0x71: {  	_ =	shalt  }
0x72: {  	_ =	shalt  }
0x73: {  	_ =	shalt  }
0x74: {  	_ =	shalt  }
0x75: {  	_ =	shalt  }
0x76: {  	_ =	shalt  }
0x77: {  	_ =	shalt  }
0x78: {  	_ =	shalt  }
0x79: {  	_ =	shalt  }
0x7a: {  	_ =	shalt  }
0x7b: {  	_ =	shalt  }
0x7c: {  	_ =	shalt  }
0x7d: {  	_ =	shalt  }
0x7e: {  	_ =	shalt  }
0x7f: {  	_ =	shalt  }
0x80: {  	_ =	shalt  }
0x81: {  	_ =	shalt  }
0x82: {  	_ =	shalt  }
0x83: {  	_ =	shalt  }
0x84: {  	_ =	shalt  }
0x85: {  	_ =	shalt  }
0x86: {  	_ =	shalt  }
0x87: {  	_ =	shalt  }
.Lfunc_end0:
.L_simem_size_0:
called_computation_lowered:
.L_overlay_start_0:
0x88: {  	s2 =	sld [smem:$0x3FD9]  }
0x89: {  	s3 =	sld [smem:$0x3FFE];
	_ =	sdelay $0x1  }
0x8a: {  	s1 =	srdreg.scid  }
0x8b: {  	s0 =	sand.u32 $0x1, s1  }
0x8c: {  	s17 =	sshll.u32 s0, $0xA;
	s2 =	sadd.s32 s3, s2  }
0x8d: {  	s2 =	sadd.s32 s2, s17  }
0x8e: {  	[smem:$0x3FBE] =	sst s2  }
0x8f: {  	_ = 	snop  }
0x90: {  	s2 =	sld [smem:$0x3FC9];
	(tm) =	ssettm $0x1  }
0x91: {  	s18 =	sld [smem:$0x3FFB];
	_ =	sdelay $0x3  }
0x92: {  	_ =	strace s18  }
0x93: {  	s3 =	sld [smem:$0x3FFC];
	_ =	sdelay $0x3  }
0x94: {  	_ =	strace s3  }
0x95: {  	s3 =	sld [smem:$0x3FFD];
	_ =	sdelay $0x3  }
0x96: {  	_ =	strace s3  }
0x97: {  	_ =	strace $0x8FFFFFFF  }
0x98: {  	s19 =	sld [smem:$0x3FDB];
	_ =	sdelay $0x1  }
0x99: {  	s4 =	simm.s32 $_scs_section_size  }
0x9a: {  	s5 =	simm.s32 $_size__tile_overlayer_lowered;
	s6 =	simm.s32 $_tile_overlayer_lowered  }
0x9b: {  	s22 =	simm.s32 $0x1BFF;
	s21 =	sshll.u32 s6, $0x1;
	s3 =	sadd.s32 s4, s19  }
0x9c: {  	s7 =	simm.s32 $0x0;
	s20 =	sshll.u32 s5, $0x1;
	s5 =	sadd.s32 s21, s3  }
0x9d: {  	[timem:s7], [sflag:s22] =	dma.local [hbm:s5], s20  }
0x9e: {  	_ =	swait.ge [sflag:s22], s20  }
0x9f: {  	s4 =	ssub.s32 $0x0, s20;
	[sflag:s22] =	ssyncset.done $0x0  }
0xa0: {  	[sflag:s22] =	ssyncadd.s32 s4;
	_ =	sdelay $0x1  }
0xa1: {  	s23 =	simm.s32 $0x1B8B  }
0xa2: {  	_ =	swait.ge [sflag:s23], $0x1  }
0xa3: {  	[sflag:s23] =	ssyncset.done $0x0  }
0xa4: {  	s25 =	simm.s32 $0x1B8E;
	s24 =	sld [smem:$0x3FFE];
	[sflag:s23] =	ssyncadd.s32 $0xFFFFFFFF  }
0xa5: {  	s26 =	simm.s32 $execute0_lowered;
	[smem:$0x3FD2] =	sst s25  }
0xa6: {  	s5 =	sshll.u32 s26, $0x1;
	_ =	strace $0x80000046;
	[dreg:$0x1] =	wrdreg $0xFFFFFFFF  }
0xa7: {  	s28 =	simm.s32 $_size_execute0_lowered;
	s3 =	sadd.s32 s3, s5;
	[dreg:$0x0] =	wrdreg $0x0  }
0xa8: {  	s5 =	sshll.u32 s28, $0x1;
	[dreg:$0x2] =	wrdreg s3  }
0xa9: {  	[dreg:$0x3] =	wrdreg s5  }
0xaa: {  	[dreg:$0x4] =	wrdreg $0xC0  }
0xab: {  	_ =	task [dreg:s7], $0x5FFFF  }
0xac: {  	[dreg:$0x1] =	wrdreg $0xFFFFFFFF  }
0xad: {  	[dreg:$0x0] =	wrdreg $0x60  }
0xae: {  	[dreg:$0x2] =	wrdreg s2  }
0xaf: {  	[dreg:$0x3] =	wrdreg s24  }
0xb0: {  	[dreg:$0x4] =	wrdreg $0xB0000  }
0xb1: {  	[dreg:$0x5] =	wrdreg $0x9  }
0xb2: {  	_ =	task.clear_ibuf [dreg:s7], $0x6FFFF;
	_ =	strace $0x90000046  }
0xb3: {  	s29 =	simm.s32 $0x9;
	_ =	strace $0x80000048  }
0xb4: {  	_ =	swait.ge [sflag:s29], $0x1  }
0xb5: {  	[sflag:s29] =	ssyncadd.s32 $0xFFFFFFFF  }
0xb6: {  	_ =	strace $0x90000048  }
0xb7: {  	_ =	sfence  }
0xb8: {  	s30 =	sld [smem:$0x0];
	_ =	sdelay $0x2  }
0xb9: {  	s31 =	sshll.u32 s1, $0xD;
	s1 =	sshrl.u32 s1, $0x2  }
0xba: {  	s3 =	sand.u32 $0x4000, s31;
	s1 =	sadd.s32 s1, s30  }
0xbb: {  	s0 =	sor.u32 s3, s0;
	s1 =	sshll.u32 s1, $0x11  }
0xbc: {  	s0 =	sor.u32 s1, s0  }
0xbd: {  	s0 =	sadd.s32 $0x8F2B, s0  }
0xbe: {  	[sflag:s0] =	ssyncadd.remote.s32 $0x1  }
0xbf: {  	_ =	sfence.sel $0xFFFF  }
0xc0: {  	[dreg:$0x0] =	wrdreg $0xFFFFFFFF;
	(pc) =	sbr.abs _section_cstart, $3  }
0xc1: {  	[dreg:$0x1] =	wrdreg $0xFFFFFFFF  }
0xc2: {  	_ =	task.clear_ibuf [dreg:s7], $0x2FFFF;
	_ =	strace $0x9FFFFFFF  }
0xc3: {  	(tm) =	ssettm $0x7FFFFFFF  }
tec
execute0_lowered:
.L_overlay_start_1:
0x0: {  	(tag) =	ssettag $0x1  }
0x1: {  	s1 =	rddreg [dreg:$0x0]  }
0x2: {  	s0 =	srdreg.scid;
	s2 =	rddreg [dreg:$0x1]  }
0x3: {  	s11 =	stileid.u32;
	s3 =	rddreg [dreg:$0x2]  }
0x4: {  	s6 =	simm.s32 $0x0;
	s29 =	simm.s32 $0x7000;
	s30 =	simm.s32 $0x1  }
0x5: {  	s31 =	simm.s32 $0x9000;
	s13 =	simm.s32 $0x2B00;
	s15 =	simm.s32 $0x2C80  }
0x6: {  	s16 =	simm.s32 $0x2D00;
	s14 =	simm.s32 $0x2D80;
	s17 =	simm.s32 $0x2E00  }
0x7: {  	s18 =	simm.s32 $0x2F00;
	s0 =	sand.u32 $0x1, s0;
	[smem:$0x7FF] =	sst s6  }
0x8: {  	s19 =	smul.u32 $0x2780, s11;
	s8 =	sadd.s32 $0xB800, s2;
	s10 =	sadd.s32 $0x1F800, s2  }
0x9: {  	s22 =	smul.u32 $0x4F000, s11;
	p2 =	sne.s32 s11, $0xF;
	p4 =	seq.s32 s11, $0xF  }
0xa: {  	s23 =	sadd.s32 $0x25080, s1;
	s25 =	smul.u32 $0xA00, s11;
	s4 =	sshll.u32 s0, $0x4  }
0xb: {  	_ =	strace $0x80000047;
	s7 =	smul.u32 $0x27800, s0;
	s9 =	ssub.s32 $0x2, s0  }
0xc: {  	[dreg:$0x4] =	wrdreg s10;
	p0 =	seq.s32 s0, $0x1;
	p3 =	seq.s32 s0, $0x0  }
0xd: {  	[dreg:$0x6] =	wrdreg s23;
	s10 =	sadd.s32 $0x138800, s3;
	s0 =	smul.u32 $0xA000, s0  }
0xe: {  	s23 =	simm.s32 $0x2C00;
	s4 =	sor.u32 s11, s4;
	s20 =	sshrl.u32 s9, $0x1  }
0xf: {  	p1 =	por !p3, !p2;
	p3 =	por !p3, !p4;
	s6 =	sadd.s32 s1, s19  }
0x10: {  	p2 =	por p2, p0;
	s5 =	smul.u32 $0x500, s4;
	s7 =	sadd.s32 s19, s7  }
0x11: {  	s21 =	ssub.s32 s9, s20;
	s9 =	sshrl.u32 s22, $0x2;
	p1 =	por !p1, !p1  }
0x12: {  	p3 =	por !p3, !p3;
	s4 =	smul.u32 $0xA00, s4;
	[dreg:$0x7] =	wrdreg s6  }
0x13: {  	s0 =	sadd.s32 s0, s8;
	s6 =	simm.s32 $0x2B80;
	s19 =	simm.s32 $0x2F80  }
0x14: {  	s12 =	sadd.s32 s9, s3;
	s9 =	sadd.s32 $0x128400, s3;
	s28 =	smax.u32 s21, $0x1  }
0x15: {  	s0 =	sadd.s32 s25, s0;
	p3 =	por !p3, p1;
	[dreg:$0xc] =	wrdreg s28  }
0x16: {  	s21 =	simm.s32 $0x7;
	s24 =	sadd.s32 s8, s4;
	[dreg:$0x5] =	wrdreg s12  }
0x17: {  	s5 =	sadd.s32 s5, s2;
	s0 =	sadd.s32 $0x180, s0;
	[dreg:$0x8] =	wrdreg s24  }
0x18: {  	s25 =	simm.s32 $0x3000;
	s5 =	sadd.s32 $0x1800, s5;
	[dreg:$0xd] =	wrdreg s0  }
0x19: {  	s2 =	sadd.s32 s7, s2;
	s26 =	sadd.s32 $0x80, s24;
	[dreg:$0x9] =	wrdreg s5  }
0x1a: {  	s2 =	sadd.s32 $0x22000, s2;
	s0 =	sshll.u32 @p0 s11, $0x6;
	[dreg:$0xa] =	wrdreg s26  }
0x1b: {  	s8 =	simm.s32 $0x4;
	[dreg:$0xb] =	wrdreg s2;
	s0 =	sor.u32 @p0 $0x1C05, s0  }
0x1c: {  	s24 =	simm.s32 $0x40;
	[dreg:$0xe] =	wrdreg s0;
	s0 =	sshrl.u32 @p0 s12, $0x3  }
0x1d: {  	s26 =	simm.s32 $0x5000;
	[dreg:$0xf] =	wrdreg s0;
	s0 =	sshrl.u32 @!p3 s9, $0x3  }
.Ltmp0:
0x1e: {  	[dreg:$0x10] =	wrdreg s0;
	s0 =	sshrl.u32 @!p3 s10, $0x3;
	(pc) =	sbr.rel .LBB2_1-.Ltmp0, $4  }
0x1f: {  	s2 =	simm.s32 $0x2;
	[dreg:$0x11] =	wrdreg s0;
	s0 =	sshll.u32 @p1 s11, $0x6  }
0x20: {  	s5 =	simm.s32 $0x0;
	s9 =	simm.s32 $0x6;
	s0 =	sor.u32 @p1 $0x1C05, s0  }
0x21: {  	s11 =	simm.s32 $0x0;
	[dreg:$0x12] =	wrdreg s0;
	s0 =	sshrl.u32 @p1 s12, $0x3  }
0x22: {  	s12 =	simm.s32 $0x2A80;
	[dreg:$0x13] =	wrdreg s0;
	s0 =	simm.s32 $0x3  }
.LBB2_4:
0x23: {  	[spmem:s3] =	stream.indirect.scatter.add.f32 [tilespmem:s31], [sflag:$0x7], $0x80, s19, s24, $0xb8;
	[tilespmem:$0x1EC00] =	vst v63  }
0x24: {  	_ =	swait.ge [sflag:s21], $0x2000  }
0x25: {  	[sflag:s21] =	ssyncset.done $0x0  }
0x26: {  	[sflag:s21] =	ssyncadd.s32 $0xFFFFE000  }
0x27: {  	s4 =	stileid.u32;
	[bflag:$0x0] =	sbarrier.arrive $0xFFFF  }
0x28: {  	s4 =	sshll.u32 s4, $0x6;
	s5 =	rddreg [dreg:$0x5]  }
0x29: {  	s4 =	sor.u32 $0x1C07, s4;
	s7 =	rddreg [dreg:$0xb];
	s5 =	sshrl.u32 s5, $0x3  }
0x2a: {  	[hbm:s7], [sflag:s4] =	dma.local [spmem:s5], $0x2780  }
0x2b: {  	_ =	swait.ge [sflag:s21], $0x2780  }
0x2c: {  	s22 =	rddreg [dreg:$0x14]  }
0x2d: {  	s28 =	rddreg [dreg:$0xc];
	s5 =	sadd.s32 $0x1, s22  }
0x2e: {  	p4 =	sne.s32 s5, s28  }
.Ltmp1:
0x2f: {  	_ = 	snop;
	(pc) =	sbr.rel @!p4 .LBB2_5-.Ltmp1, $3  }
0x30: {  	_ =	sdelay $0x1  }
0x31: {  	[sflag:s21] =	ssyncset.done $0x0  }
0x32: {  	[sflag:s21] =	ssyncadd.s32 $0xFFFFD880  }
.LBB2_1:
0x33: {  	[dreg:$0x14] =	wrdreg s5  }
0x34: {  	s5 =	rddreg [dreg:$0x4]  }
0x35: {  	s4 =	rddreg [dreg:$0xe]  }
0x36: {  	s7 =	rddreg [dreg:$0xf]  }
0x37: {  	[spmem:s7], [sflag:s4] =	dma.local @p0 [hbm:s5], $0x2780  }
0x38: {  	s7 =	rddreg [dreg:$0x6]  }
0x39: {  	s4 =	simm.s32 @!p3 $0x1FC5;
	s10 =	rddreg [dreg:$0x10]  }
0x3a: {  	[spmem:s10], [sflag:s4] =	dma.local @!p3 [hbm:s7], $0x2080  }
0x3b: {  	s4 =	simm.s32 @!p3 $0x1FC7;
	s7 =	rddreg [dreg:$0x11]  }
0x3c: {  	[spmem:s7], [sflag:s4] =	dma.local @!p3 [hbm:s5], $0x700  }
0x3d: {  	s4 =	simm.s32 @!p3 $0x7  }
0x3e: {  	_ =	swait.ge @!p3 [sflag:s4], $0x700  }
0x3f: {  	s5 =	rddreg [dreg:$0x12]  }
0x40: {  	[sflag:s4] =	ssyncset.done @!p3 $0x0;
	s7 =	rddreg [dreg:$0x13]  }
0x41: {  	[sflag:s4] =	ssyncadd.s32 @!p3 $0xFFFFF900;
	s4 =	rddreg [dreg:$0x7]  }
0x42: {  	[spmem:s7], [sflag:s5] =	dma.local @p1 [hbm:s4], $0x2780  }
0x43: {  	s28 =	simm.s32 $0x0;
	s5 =	rddreg [dreg:$0x9]  }
0x44: {  	[tilespmem:s28], [sflag:$0x7] =	stream.linear.gather [hbm4b:s5+s28], $0x2800, $0x38;
	[tilespmem:$0x1EC00] =	vst v63  }
0x45: {  	_ =	swait.ge [sflag:s21], $0x2800  }
0x46: {  	[sflag:s21] =	ssyncset.done $0x0  }
0x47: {  	s20 =	simm.s32 $0x2800;
	s10 =	rddreg [dreg:$0x8];
	[sflag:s21] =	ssyncadd.s32 $0xFFFFD800  }
0x48: {  	[tilespmem:s20], [sflag:$0x7] =	stream.linear.gather [hbm4b:s10+s28], $0x400, $0x38;
	[tilespmem:$0x1EC00] =	vst v63  }
0x49: {  	_ =	swait.ge [sflag:s21], $0x400  }
0x4a: {  	[sflag:s21] =	ssyncset.done $0x0  }
0x4b: {  	s22 =	rddreg [dreg:$0xa];
	[sflag:s21] =	ssyncadd.s32 $0xFFFFFC00  }
0x4c: {  	[tilespmem:s23], [sflag:$0x6] =	stream.linear.gather [hbm4b:s22+s28], $0x400, $0x38;
	[tilespmem:$0x1EC00] =	vst v63  }
0x4d: {  	_ = 	snop  }
0x4e: {  	[tilespmem:s25], [sflag:$0x1] =	stream.indirect.gather [hbm4b:s1+s24], $0x80, s28, s24, $0xb8;
	[tilespmem:$0x1EC00] =	vst v63  }
0x4f: {  	p4 =	por @!p1 $0x0, $0x0  }
0x50: {  	[tilespmem:s26], [sflag:$0x2] =	stream.indirect.gather [hbm4b:s1+s24], $0x80, s24, s24, $0xb8;
	[tilespmem:$0x1EC00] =	vst v63  }
0x51: {  	p5 =	por @!p3 $0x1, $0x1;
	s4 =	simm.s32 @p2 $0x5;
	s28 =	simm.s32 $0x80  }
0x52: {  	[tilespmem:s29], [sflag:$0x3] =	stream.indirect.gather [hbm4b:s1+s24], $0x80, s28, s24, $0xb8;
	[tilespmem:$0x1EC00] =	vst v63  }
0x53: {  	p4 =	por @!p3 p5, p5;
	p5 =	por @p1 $0x0, $0x0;
	_ =	swait.ge @p2 [sflag:s4], $0x2780  }
0x54: {  	p5 =	por @!p1 p4, p4;
	[sflag:s4] =	ssyncset.done @p2 $0x0  }
0x55: {  	[sflag:s4] =	ssyncadd.s32 @p2 $0xFFFFD880;
	s4 =	simm.s32 @p5 $0x5  }
0x56: {  	_ =	swait.ge @p5 [sflag:s4], $0x2080  }
0x57: {  	[sflag:s4] =	ssyncset.done @p5 $0x0  }
0x58: {  	[sflag:s4] =	ssyncadd.s32 @p5 $0xFFFFDF80  }
0x59: {  	[bflag:$0x0] =	sbarrier.arrive $0xFFFF  }
0x5a: {  	s5 =	simm.s32 $0x0;
	s20 =	rddreg [dreg:$0xd]  }
.LBB2_2:
0x5b: {  	p4 =	seq.s32 s5, $0x0  }
0x5c: {  	s4 =	simm.s32 @!p4 $0x5  }
0x5d: {  	_ =	swait.ge @!p4 [sflag:s4], $0x400  }
0x5e: {  	[sflag:s4] =	ssyncset.done @!p4 $0x0  }
0x5f: {  	[sflag:s4] =	ssyncadd.s32 @!p4 $0xFFFFFC00  }
0x60: {  	_ =	swait.ge [sflag:s30], $0x2000  }
0x61: {  	s4 =	sshra.s32 s5, $0x2;
	[sflag:s30] =	ssyncset.done $0x0  }
0x62: {  	s22 =	sadd.s32 $0xC0, s4;
	[sflag:s30] =	ssyncadd.s32 $0xFFFFE000  }
0x63: {  	[tilespmem:s31], [sflag:$0x4] =	stream.indirect.gather [hbm4b:s1+s24], $0x80, s22, s24, $0xb8;
	[tilespmem:$0x1EC00] =	vst v63  }
0x64: {  	s7 =	simm.s32 $0x2800  }
0x65: {  	[spmem:s3] =	stream.indirect.scatter.add.f32 [tilespmem:s25], [sflag:$0x7], $0x80, s7, s24, $0xb8;
	[tilespmem:$0x1EC00] =	vst v63  }
0x66: {  	_ =	swait.ge [sflag:s21], $0x2000  }
0x67: {  	[sflag:s21] =	ssyncset.done $0x0  }
0x68: {  	[sflag:s21] =	ssyncadd.s32 $0xFFFFE000  }
0x69: {  	_ =	swait.ge [sflag:s2], $0x2000  }
0x6a: {  	[sflag:s2] =	ssyncset.done $0x0  }
0x6b: {  	s10 =	sadd.s32 $0x100, s4;
	[sflag:s2] =	ssyncadd.s32 $0xFFFFE000  }
0x6c: {  	[tilespmem:s25], [sflag:$0x1] =	stream.indirect.gather [hbm4b:s1+s24], $0x80, s10, s24, $0xb8;
	[tilespmem:$0x1EC00] =	vst v63  }
0x6d: {  	s28 =	simm.s32 $0x2880  }
0x6e: {  	[spmem:s3] =	stream.indirect.scatter.add.f32 [tilespmem:s26], [sflag:$0x7], $0x80, s28, s24, $0xb8;
	[tilespmem:$0x1EC00] =	vst v63  }
0x6f: {  	_ =	swait.ge [sflag:s21], $0x2000  }
0x70: {  	[sflag:s21] =	ssyncset.done $0x0  }
0x71: {  	[sflag:s21] =	ssyncadd.s32 $0xFFFFE000  }
0x72: {  	_ =	swait.ge [sflag:s0], $0x2000  }
0x73: {  	[sflag:s0] =	ssyncset.done $0x0  }
0x74: {  	s10 =	sadd.s32 $0x140, s4;
	[sflag:s0] =	ssyncadd.s32 $0xFFFFE000  }
0x75: {  	[tilespmem:s26], [sflag:$0x2] =	stream.indirect.gather [hbm4b:s1+s24], $0x80, s10, s24, $0xb8;
	[tilespmem:$0x1EC00] =	vst v63  }
0x76: {  	s28 =	simm.s32 $0x2900  }
0x77: {  	[spmem:s3] =	stream.indirect.scatter.add.f32 [tilespmem:s29], [sflag:$0x7], $0x80, s28, s24, $0xb8;
	[tilespmem:$0x1EC00] =	vst v63  }
0x78: {  	_ =	swait.ge [sflag:s21], $0x2000  }
0x79: {  	[sflag:s21] =	ssyncset.done $0x0  }
0x7a: {  	[sflag:s21] =	ssyncadd.s32 $0xFFFFE000  }
0x7b: {  	_ =	swait.ge [sflag:s8], $0x2000  }
0x7c: {  	[sflag:s8] =	ssyncset.done $0x0  }
0x7d: {  	s10 =	sadd.s32 $0x180, s4;
	[sflag:s8] =	ssyncadd.s32 $0xFFFFE000  }
0x7e: {  	[tilespmem:s29], [sflag:$0x3] =	stream.indirect.gather [hbm4b:s1+s24], $0x80, s10, s24, $0xb8;
	[tilespmem:$0x1EC00] =	vst v63  }
0x7f: {  	s28 =	simm.s32 $0x2980  }
0x80: {  	[spmem:s3] =	stream.indirect.scatter.add.f32 [tilespmem:s31], [sflag:$0x7], $0x80, s28, s24, $0xb8;
	[tilespmem:$0x1EC00] =	vst v63  }
0x81: {  	_ =	swait.ge [sflag:s21], $0x2000  }
0x82: {  	[sflag:s21] =	ssyncset.done $0x0  }
0x83: {  	[sflag:s21] =	ssyncadd.s32 $0xFFFFE000  }
0x84: {  	_ =	swait.ge [sflag:s30], $0x2000  }
0x85: {  	[sflag:s30] =	ssyncset.done $0x0  }
0x86: {  	s10 =	sadd.s32 $0x1C0, s4;
	[sflag:s30] =	ssyncadd.s32 $0xFFFFE000  }
0x87: {  	[tilespmem:s31], [sflag:$0x4] =	stream.indirect.gather [hbm4b:s1+s24], $0x80, s10, s24, $0xb8;
	[tilespmem:$0x1EC00] =	vst v63  }
0x88: {  	s22 =	simm.s32 $0x2A00  }
0x89: {  	[spmem:s3] =	stream.indirect.scatter.add.f32 [tilespmem:s25], [sflag:$0x7], $0x80, s22, s24, $0xb8;
	[tilespmem:$0x1EC00] =	vst v63  }
0x8a: {  	_ =	swait.ge [sflag:s21], $0x2000  }
0x8b: {  	[sflag:s21] =	ssyncset.done $0x0  }
0x8c: {  	[sflag:s21] =	ssyncadd.s32 $0xFFFFE000  }
0x8d: {  	_ =	swait.ge [sflag:s2], $0x2000  }
0x8e: {  	[sflag:s2] =	ssyncset.done $0x0  }
0x8f: {  	s28 =	sadd.s32 $0x200, s4;
	[sflag:s2] =	ssyncadd.s32 $0xFFFFE000  }
0x90: {  	[tilespmem:s25], [sflag:$0x1] =	stream.indirect.gather [hbm4b:s1+s24], $0x80, s28, s24, $0xb8;
	[tilespmem:$0x1EC00] =	vst v63  }
0x91: {  	_ = 	snop  }
0x92: {  	[spmem:s3] =	stream.indirect.scatter.add.f32 [tilespmem:s26], [sflag:$0x7], $0x80, s12, s24, $0xb8;
	[tilespmem:$0x1EC00] =	vst v63  }
0x93: {  	_ =	swait.ge [sflag:s21], $0x2000  }
0x94: {  	[sflag:s21] =	ssyncset.done $0x0  }
0x95: {  	[sflag:s21] =	ssyncadd.s32 $0xFFFFE000  }
0x96: {  	_ =	swait.ge [sflag:s0], $0x2000  }
0x97: {  	[sflag:s0] =	ssyncset.done $0x0  }
0x98: {  	s7 =	sadd.s32 $0x240, s4;
	[sflag:s0] =	ssyncadd.s32 $0xFFFFE000  }
0x99: {  	[tilespmem:s26], [sflag:$0x2] =	stream.indirect.gather [hbm4b:s1+s24], $0x80, s7, s24, $0xb8;
	[tilespmem:$0x1EC00] =	vst v63  }
0x9a: {  	_ = 	snop  }
0x9b: {  	[spmem:s3] =	stream.indirect.scatter.add.f32 [tilespmem:s29], [sflag:$0x7], $0x80, s13, s24, $0xb8;
	[tilespmem:$0x1EC00] =	vst v63  }
0x9c: {  	_ =	swait.ge [sflag:s21], $0x2000  }
0x9d: {  	[sflag:s21] =	ssyncset.done $0x0  }
0x9e: {  	[sflag:s21] =	ssyncadd.s32 $0xFFFFE000  }
0x9f: {  	_ =	swait.ge [sflag:s8], $0x2000  }
0xa0: {  	[sflag:s8] =	ssyncset.done $0x0  }
0xa1: {  	s10 =	sadd.s32 $0x280, s4;
	[sflag:s8] =	ssyncadd.s32 $0xFFFFE000  }
0xa2: {  	[tilespmem:s29], [sflag:$0x3] =	stream.indirect.gather [hbm4b:s1+s24], $0x80, s10, s24, $0xb8;
	[tilespmem:$0x1EC00] =	vst v63  }
0xa3: {  	_ = 	snop  }
0xa4: {  	[spmem:s3] =	stream.indirect.scatter.add.f32 [tilespmem:s31], [sflag:$0x7], $0x80, s6, s24, $0xb8;
	[tilespmem:$0x1EC00] =	vst v63  }
0xa5: {  	_ =	swait.ge [sflag:s21], $0x2000  }
0xa6: {  	[sflag:s21] =	ssyncset.done $0x0  }
0xa7: {  	[sflag:s21] =	ssyncadd.s32 $0xFFFFE000  }
0xa8: {  	p4 =	seq.s32 s5, $0x9000;
	_ =	swait.ge [sflag:s9], $0x400  }
0xa9: {  	s22 =	sadd.s32 @!p4 $0xFFFFFF80, s20;
	[sflag:s9] =	ssyncset.done $0x0  }
0xaa: {  	s28 =	simm.s32 @!p4 $0x0;
	s7 =	simm.s32 @!p4 $0x2800;
	[sflag:s9] =	ssyncadd.s32 $0xFFFFFC00  }
0xab: {  	[tilespmem:s7], [sflag:$0x5] =	stream.linear.gather @!p4 [hbm4b:s22+s28], $0x400, $0x38;
	[tilespmem:$0x1EC00] =	vst v63  }
0xac: {  	_ =	swait.ge [sflag:s30], $0x2000  }
0xad: {  	[sflag:s30] =	ssyncset.done $0x0  }
0xae: {  	s22 =	sadd.s32 $0x2C0, s4;
	[sflag:s30] =	ssyncadd.s32 $0xFFFFE000  }
0xaf: {  	[tilespmem:s31], [sflag:$0x4] =	stream.indirect.gather [hbm4b:s1+s24], $0x80, s22, s24, $0xb8;
	[tilespmem:$0x1EC00] =	vst v63  }
0xb0: {  	_ = 	snop  }
0xb1: {  	[spmem:s3] =	stream.indirect.scatter.add.f32 [tilespmem:s25], [sflag:$0x7], $0x80, s23, s24, $0xb8;
	[tilespmem:$0x1EC00] =	vst v63  }
0xb2: {  	_ =	swait.ge [sflag:s21], $0x2000  }
0xb3: {  	[sflag:s21] =	ssyncset.done $0x0  }
0xb4: {  	[sflag:s21] =	ssyncadd.s32 $0xFFFFE000  }
0xb5: {  	_ =	swait.ge [sflag:s2], $0x2000  }
0xb6: {  	[sflag:s2] =	ssyncset.done $0x0  }
0xb7: {  	s28 =	sadd.s32 $0x300, s4;
	[sflag:s2] =	ssyncadd.s32 $0xFFFFE000  }
0xb8: {  	[tilespmem:s25], [sflag:$0x1] =	stream.indirect.gather [hbm4b:s1+s24], $0x80, s28, s24, $0xb8;
	[tilespmem:$0x1EC00] =	vst v63  }
0xb9: {  	_ = 	snop  }
0xba: {  	[spmem:s3] =	stream.indirect.scatter.add.f32 [tilespmem:s26], [sflag:$0x7], $0x80, s15, s24, $0xb8;
	[tilespmem:$0x1EC00] =	vst v63  }
0xbb: {  	_ =	swait.ge [sflag:s21], $0x2000  }
0xbc: {  	[sflag:s21] =	ssyncset.done $0x0  }
0xbd: {  	[sflag:s21] =	ssyncadd.s32 $0xFFFFE000  }
0xbe: {  	_ =	swait.ge [sflag:s0], $0x2000  }
0xbf: {  	[sflag:s0] =	ssyncset.done $0x0  }
0xc0: {  	s10 =	sadd.s32 $0x340, s4;
	[sflag:s0] =	ssyncadd.s32 $0xFFFFE000  }
0xc1: {  	[tilespmem:s26], [sflag:$0x2] =	stream.indirect.gather [hbm4b:s1+s24], $0x80, s10, s24, $0xb8;
	[tilespmem:$0x1EC00] =	vst v63  }
0xc2: {  	_ = 	snop  }
0xc3: {  	[spmem:s3] =	stream.indirect.scatter.add.f32 [tilespmem:s29], [sflag:$0x7], $0x80, s16, s24, $0xb8;
	[tilespmem:$0x1EC00] =	vst v63  }
0xc4: {  	_ =	swait.ge [sflag:s21], $0x2000  }
0xc5: {  	[sflag:s21] =	ssyncset.done $0x0  }
0xc6: {  	[sflag:s21] =	ssyncadd.s32 $0xFFFFE000  }
0xc7: {  	_ =	swait.ge [sflag:s8], $0x2000  }
0xc8: {  	[sflag:s8] =	ssyncset.done $0x0  }
0xc9: {  	s22 =	sadd.s32 $0x380, s4;
	[sflag:s8] =	ssyncadd.s32 $0xFFFFE000  }
0xca: {  	[tilespmem:s29], [sflag:$0x3] =	stream.indirect.gather [hbm4b:s1+s24], $0x80, s22, s24, $0xb8;
	[tilespmem:$0x1EC00] =	vst v63  }
0xcb: {  	_ = 	snop  }
0xcc: {  	[spmem:s3] =	stream.indirect.scatter.add.f32 [tilespmem:s31], [sflag:$0x7], $0x80, s14, s24, $0xb8;
	[tilespmem:$0x1EC00] =	vst v63  }
0xcd: {  	_ =	swait.ge [sflag:s21], $0x2000  }
0xce: {  	[sflag:s21] =	ssyncset.done $0x0  }
0xcf: {  	[sflag:s21] =	ssyncadd.s32 $0xFFFFE000  }
0xd0: {  	_ =	swait.ge [sflag:s30], $0x2000  }
0xd1: {  	[sflag:s30] =	ssyncset.done $0x0  }
0xd2: {  	s28 =	sadd.s32 $0x3C0, s4;
	[sflag:s30] =	ssyncadd.s32 $0xFFFFE000  }
0xd3: {  	[tilespmem:s31], [sflag:$0x4] =	stream.indirect.gather [hbm4b:s1+s24], $0x80, s28, s24, $0xb8;
	[tilespmem:$0x1EC00] =	vst v63  }
0xd4: {  	_ = 	snop  }
0xd5: {  	[spmem:s3] =	stream.indirect.scatter.add.f32 [tilespmem:s25], [sflag:$0x7], $0x80, s17, s24, $0xb8;
	[tilespmem:$0x1EC00] =	vst v63  }
0xd6: {  	_ =	swait.ge [sflag:s21], $0x2000  }
0xd7: {  	[sflag:s21] =	ssyncset.done $0x0  }
0xd8: {  	[sflag:s21] =	ssyncadd.s32 $0xFFFFE000  }
0xd9: {  	_ =	swait.ge [sflag:s2], $0x2000  }
0xda: {  	s7 =	simm.s32 @p4 $0x40;
	[sflag:s2] =	ssyncset.done $0x0  }
0xdb: {  	s22 =	simm.s32 @p4 $0x2E80;
	s28 =	simm.s32 @p4 $0x5000;
	[sflag:s2] =	ssyncadd.s32 $0xFFFFE000  }
0xdc: {  	[spmem:s3] =	stream.indirect.scatter.add.f32 @p4 [tilespmem:s28], [sflag:$0x7], $0x80, s22, s7, $0xb8;
	[tilespmem:$0x1EC00] =	vst v63  }
0xdd: {  	s7 =	simm.s32 @p4 $0x7  }
0xde: {  	_ =	swait.ge @p4 [sflag:s7], $0x2000  }
0xdf: {  	[sflag:s7] =	ssyncset.done @p4 $0x0  }
0xe0: {  	[sflag:s7] =	ssyncadd.s32 @p4 $0xFFFFE000;
	s7 =	simm.s32 @p4 $0x3  }
0xe1: {  	_ =	swait.ge @p4 [sflag:s7], $0x2000  }
0xe2: {  	[sflag:s7] =	ssyncset.done @p4 $0x0  }
0xe3: {  	[sflag:s7] =	ssyncadd.s32 @p4 $0xFFFFE000;
	s7 =	sshra.s32 @!p4 s5, $0x2  }
0xe4: {  	s10 =	simm.s32 @!p4 $0x3000;
	s28 =	simm.s32 @!p4 $0x40;
	s22 =	sadd.s32 @!p4 $0x400, s7  }
0xe5: {  	[tilespmem:s10], [sflag:$0x1] =	stream.indirect.gather @!p4 [hbm4b:s1+s28], $0x80, s22, s28, $0xb8;
	[tilespmem:$0x1EC00] =	vst v63  }
0xe6: {  	s10 =	simm.s32 @!p4 $0x2E80;
	s22 =	simm.s32 @!p4 $0x5000  }
0xe7: {  	[spmem:s3] =	stream.indirect.scatter.add.f32 @!p4 [tilespmem:s22], [sflag:$0x7], $0x80, s10, s28, $0xb8;
	[tilespmem:$0x1EC00] =	vst v63  }
0xe8: {  	s10 =	simm.s32 @!p4 $0x7  }
0xe9: {  	_ =	swait.ge @!p4 [sflag:s10], $0x2000  }
0xea: {  	[sflag:s10] =	ssyncset.done @!p4 $0x0  }
0xeb: {  	[sflag:s10] =	ssyncadd.s32 @!p4 $0xFFFFE000;
	s10 =	simm.s32 @!p4 $0x3  }
0xec: {  	_ =	swait.ge @!p4 [sflag:s10], $0x2000  }
0xed: {  	[sflag:s10] =	ssyncset.done @!p4 $0x0  }
0xee: {  	s7 =	sadd.s32 @!p4 $0x440, s7;
	[sflag:s10] =	ssyncadd.s32 @!p4 $0xFFFFE000  }
0xef: {  	[tilespmem:s22], [sflag:$0x2] =	stream.indirect.gather @!p4 [hbm4b:s1+s28], $0x80, s7, s28, $0xb8;
	[tilespmem:$0x1EC00] =	vst v63  }
0xf0: {  	_ = 	snop  }
0xf1: {  	[spmem:s3] =	stream.indirect.scatter.add.f32 [tilespmem:s29], [sflag:$0x7], $0x80, s18, s24, $0xb8;
	[tilespmem:$0x1EC00] =	vst v63  }
0xf2: {  	_ =	swait.ge [sflag:s21], $0x2000  }
.Ltmp2:
0xf3: {  	[sflag:s21] =	ssyncset.done $0x0;
	(pc) =	sbr.rel @p4 .LBB2_4-.Ltmp2, $4  }
0xf4: {  	[sflag:s21] =	ssyncadd.s32 $0xFFFFE000  }
0xf5: {  	_ =	swait.ge [sflag:s8], $0x2000  }
0xf6: {  	[sflag:s8] =	ssyncset.done $0x0  }
0xf7: {  	[sflag:s8] =	ssyncadd.s32 $0xFFFFE000  }
0xf8: {  	s4 =	sadd.s32 $0x480, s4  }
0xf9: {  	[tilespmem:s29], [sflag:$0x3] =	stream.indirect.gather [hbm4b:s1+s24], $0x80, s4, s24, $0xb8;
	[tilespmem:$0x1EC00] =	vst v63  }
0xfa: {  	_ = 	snop  }
0xfb: {  	[spmem:s3] =	stream.indirect.scatter.add.f32 [tilespmem:s31], [sflag:$0x7], $0x80, s19, s24, $0xb8;
	[tilespmem:$0x1EC00] =	vst v63  }
.Ltmp3:
0xfc: {  	_ =	swait.ge [sflag:s21], $0x2000;
	(pc) =	sbr.rel .LBB2_2-.Ltmp3, $4  }
0xfd: {  	[sflag:s21] =	ssyncset.done $0x0  }
0xfe: {  	[sflag:s21] =	ssyncadd.s32 $0xFFFFE000  }
0xff: {  	[tilespmem:s23], [sflag:$0x6] =	stream.linear.gather [hbm4b:s20+s11], $0x400, $0x38;
	[tilespmem:$0x1EC00] =	vst v63  }
0x100: {  	s5 =	sadd.s32 $0x1000, s5;
	s20 =	sadd.s32 $0x100, s20  }
.LBB2_5:
0x101: {  	_ =	sfence.sel $0x180000  }
0x102: {  	[bflag:$0x0] =	sbarrier.arrive $0xFFFF  }
0x103: {  	_ =	strace $0x90000047  }
0x104: {  	s0 =	stileid.u32;
	[bflag:$0x2] =	sbarrier.arrive $0xFFFF  }
0x105: {  	p0 =	sne.s32 s0, $0x0;
	s0 =	rddreg [dreg:$0x3]  }
0x106: {  	s0 =	sadd.s32 @!p0 $0x100000, s0  }
0x107: {  	[sflag:s0] =	ssyncadd.tile.s32 @!p0 $0x1;
	_ =	shalt  }
.Lfunc_end2:
_tile_overlayer_lowered:
.L_overlay_start_2:
0x108: {  	(tag) =	ssettag $0x2  }
0x109: {  	s0 =	rddreg [dreg:$0x0];
	s2 =	stileid.u32  }
0x10a: {  	s1 =	rddreg [dreg:$0x1];
	p0 =	sne.s32 s2, $0x0  }
0x10b: {  	s3 =	rddreg [dreg:$0x2];
	[bflag:$0x3] =	sbarrier.arrive $0xFFFF;
	s2 =	simm.s32 @!p0 $0x1C07  }
0x10c: {  	[timem:s3], [sflag:s2] =	dma.local @!p0 [hbm:s0], s1  }
0x10d: {  	s0 =	simm.s32 @!p0 $0x7  }
0x10e: {  	_ =	swait.ge @!p0 [sflag:s0], s1  }
0x10f: {  	s1 =	ssub.s32 @!p0 $0x0, s1;
	[sflag:s0] =	ssyncset.done @!p0 $0x0  }
0x110: {  	[sflag:s0] =	ssyncadd.s32 @!p0 s1  }
0x111: {  	[bflag:$0x3] =	sbarrier.arrive $0xFFFF  }
0x112: {  	_ =	shalt  }

// kernel: kernel.9.cloned.1.call-start
scs
__scs_entry_jumppad:
0x0: {  	(pc) =	sbr.rel $0x88, $3  }
0x1: {  	(tag) =	ssettag $0x0;
	lr =	simm.s32 $0x1  }
0x2: {  	[smem:$0x3F97] =	sst lr;
	_ =	strace $0xD0000000  }
0x3: {  	_ = 	snop  }
0x4: {  	_ = 	snop  }
0x5: {  	_ = 	snop  }
0x6: {  	_ = 	snop  }
0x7: {  	_ = 	snop  }
__scs_overlays_trampoline_lowered:
0x8: {  	[smem:$0x3FA6] =	sst s0  }
0x9: {  	[smem:$0x3FA7] =	sst s1  }
0xa: {  	[smem:$0x3FA8] =	sst s2  }
0xb: {  	[smem:$0x3FA9] =	sst s3  }
0xc: {  	[smem:$0x3FAA] =	sst s4  }
0xd: {  	[smem:$0x3FAB] =	sst s5  }
0xe: {  	[smem:$0x3FAC] =	sst s6  }
0xf: {  	[smem:$0x3FAD] =	sst s7  }
0x10: {  	[smem:$0x3FAE] =	sst s8  }
0x11: {  	[smem:$0x3FAF] =	sst s9;
	s0 =	simm.s32 @!p0 $0x0  }
0x12: {  	s1 =	sld [smem:$0x3F95];
	s0 =	simm.s32 @p0 $0x1  }
0x13: {  	[smem:$0x3FB0] =	sst s0;
	s0 =	simm.s32 @!p1 $0x0  }
0x14: {  	s2 =	sld [smem:$0x3F94];
	s0 =	simm.s32 @p1 $0x1  }
0x15: {  	[smem:$0x3FB1] =	sst s0;
	s0 =	simm.s32 @!p2 $0x0  }
0x16: {  	s3 =	sld [smem:$0x3FDB];
	s0 =	simm.s32 @p2 $0x1  }
0x17: {  	s4 =	simm.s32 $0x1BF5;
	[smem:$0x3FB3] =	sst s0  }
0x18: {  	s0 =	sld [smem:$0x3F96];
	_ =	swait.ge [sflag:s4], $0x0  }
0x19: {  	s7 =	sld [smem:$0x3F97]  }
0x1a: {  	s8 =	sadd.s32 $0xFFFFE003, lr  }
0x1b: {  	s9 =	sadd.s32 $0xFFFFFEF7, lr;
	s5 =	simm.s32 $0xFFFFFFFF;
	p2 =	slt.u32 s8, $0xFFFFF086  }
0x1c: {  	p1 =	slt.u32 s9, $0xF7A;
	s5 =	simm.s32 @!p2 $0x0  }
0x1d: {  	s5 =	simm.s32 @p1 $0x1;
	p0 =	seq.s32 s7, s2  }
0x1e: {  	s7 =	smul.u32 @!p0 $0xF7A, s2;
	p2 =	seq.s32 @!p0 s5, $0x0  }
0x1f: {  	s9 =	smul.u32 $0xF7A, s1;
	s8 =	simm.s32 @!p0 $0x1BF5;
	p2 =	por !p2, p0  }
0x20: {  	[sflag:s8] =	ssyncset.s32 @!p0 $0xFFFFF086;
	s6 =	sadd.s32 @!p0 s3, s7;
	s7 =	simm.s32 @!p0 $0x108  }
0x21: {  	s3 =	sadd.s32 s3, s9;
	s6 =	sadd.s32 @!p0 $0x88, s6;
	s7 =	simm.s32 @p2 $0x1082  }
0x22: {  	[simem:s7], [sflag:s8] =	dma.local @!p0 [hbm:s6], $0xF7A  }
0x23: {  	s9 =	sor.u32 $0xD0000000, s2;
	s6 =	simm.s32 $0x108;
	_ =	swait.ge @!p0 [sflag:s8], $0x0  }
0x24: {  	s3 =	sadd.s32 $0x88, s3;
	s6 =	simm.s32 @!p1 $0x1082;
	[sflag:s4] =	ssyncset.s32 $0xFFFFF086  }
0x25: {  	[simem:s6], [sflag:s4] =	dma.local [hbm:s3], $0xF7A  }
0x26: {  	[smem:$0x3F97] =	sst s1;
	(tag) =	ssettag s2;
	_ =	strace s9  }
0x27: {  	s1 =	sld [smem:$0x3FA7]  }
0x28: {  	s2 =	sld [smem:$0x3FA8]  }
0x29: {  	s4 =	sld [smem:$0x3FAA]  }
0x2a: {  	p0 =	seq.s32 s5, $0x0;
	s5 =	sld [smem:$0x3FAB]  }
0x2b: {  	s6 =	sld [smem:$0x3FAC]  }
0x2c: {  	s7 =	sld [smem:$0x3FAD]  }
0x2d: {  	s3 =	simm.s32 $0x108;
	s8 =	sld [smem:$0x3FAE]  }
0x2e: {  	s3 =	simm.s32 @!p0 $0x1082;
	s9 =	sld [smem:$0x3FAF]  }
0x2f: {  	lr =	sadd.s32 s0, s3;
	s0 =	sld [smem:$0x3FA6]  }
0x30: {  	s3 =	sld [smem:$0x3FA9]  }
0x31: {  	[smem:$0x3FB2] =	sst s10  }
0x32: {  	s10 =	sld [smem:$0x3FB0];
	_ =	sdelay $0x3  }
0x33: {  	p0 =	seq.s32 s10, $0x1;
	s10 =	sld [smem:$0x3FB2];
	_ =	sdelay $0x3  }
0x34: {  	[smem:$0x3FB2] =	sst s10  }
0x35: {  	s10 =	sld [smem:$0x3FB1];
	_ =	sdelay $0x3  }
0x36: {  	p1 =	seq.s32 s10, $0x1;
	s10 =	sld [smem:$0x3FB2];
	_ =	sdelay $0x3  }
0x37: {  	[smem:$0x3FB2] =	sst s10  }
0x38: {  	s10 =	sld [smem:$0x3FB3]  }
0x39: {  	_ = 	snop;
	(pc) =	sbr.ind lr, $3  }
0x3a: {  	_ = 	snop  }
0x3b: {  	_ = 	snop  }
0x3c: {  	p2 =	seq.s32 s10, $0x1;
	s10 =	sld [smem:$0x3FB2]  }
0x3d: {  	_ =	shalt  }
0x3e: {  	_ =	shalt  }
0x3f: {  	_ =	shalt  }
0x40: {  	_ =	shalt  }
0x41: {  	_ =	shalt  }
0x42: {  	_ =	shalt  }
0x43: {  	_ =	shalt  }
0x44: {  	_ =	shalt  }
0x45: {  	_ =	shalt  }
0x46: {  	_ =	shalt  }
0x47: {  	_ =	shalt  }
0x48: {  	_ =	shalt  }
0x49: {  	_ =	shalt  }
0x4a: {  	_ =	shalt  }
0x4b: {  	_ =	shalt  }
0x4c: {  	_ =	shalt  }
0x4d: {  	_ =	shalt  }
0x4e: {  	_ =	shalt  }
0x4f: {  	_ =	shalt  }
0x50: {  	_ =	shalt  }
0x51: {  	_ =	shalt  }
0x52: {  	_ =	shalt  }
0x53: {  	_ =	shalt  }
0x54: {  	_ =	shalt  }
0x55: {  	_ =	shalt  }
0x56: {  	_ =	shalt  }
0x57: {  	_ =	shalt  }
0x58: {  	_ =	shalt  }
0x59: {  	_ =	shalt  }
0x5a: {  	_ =	shalt  }
0x5b: {  	_ =	shalt  }
0x5c: {  	_ =	shalt  }
0x5d: {  	_ =	shalt  }
0x5e: {  	_ =	shalt  }
0x5f: {  	_ =	shalt  }
0x60: {  	_ =	shalt  }
0x61: {  	_ =	shalt  }
0x62: {  	_ =	shalt  }
0x63: {  	_ =	shalt  }
0x64: {  	_ =	shalt  }
0x65: {  	_ =	shalt  }
0x66: {  	_ =	shalt  }
0x67: {  	_ =	shalt  }
0x68: {  	_ =	shalt  }
0x69: {  	_ =	shalt  }
0x6a: {  	_ =	shalt  }
0x6b: {  	_ =	shalt  }
0x6c: {  	_ =	shalt  }
0x6d: {  	_ =	shalt  }
0x6e: {  	_ =	shalt  }
0x6f: {  	_ =	shalt  }
0x70: {  	_ =	shalt  }
0x71: {  	_ =	shalt  }
0x72: {  	_ =	shalt  }
0x73: {  	_ =	shalt  }
0x74: {  	_ =	shalt  }
0x75: {  	_ =	shalt  }
0x76: {  	_ =	shalt  }
0x77: {  	_ =	shalt  }
0x78: {  	_ =	shalt  }
0x79: {  	_ =	shalt  }
0x7a: {  	_ =	shalt  }
0x7b: {  	_ =	shalt  }
0x7c: {  	_ =	shalt  }
0x7d: {  	_ =	shalt  }
0x7e: {  	_ =	shalt  }
0x7f: {  	_ =	shalt  }
0x80: {  	_ =	shalt  }
0x81: {  	_ =	shalt  }
0x82: {  	_ =	shalt  }
0x83: {  	_ =	shalt  }
0x84: {  	_ =	shalt  }
0x85: {  	_ =	shalt  }
0x86: {  	_ =	shalt  }
0x87: {  	_ =	shalt  }
.Lfunc_end0:
.L_simem_size_0:
called_computation.1_lowered:
.L_overlay_start_0:
0x88: {  	s2 =	sld [smem:$0x3FD9]  }
0x89: {  	s3 =	sld [smem:$0x3FFE];
	_ =	sdelay $0x1  }
0x8a: {  	s1 =	srdreg.scid  }
0x8b: {  	s0 =	sand.u32 $0x1, s1  }
0x8c: {  	s17 =	sshll.u32 s0, $0xA;
	s2 =	sadd.s32 s3, s2  }
0x8d: {  	s2 =	sadd.s32 s2, s17  }
0x8e: {  	[smem:$0x3FBE] =	sst s2  }
0x8f: {  	_ = 	snop  }
0x90: {  	s2 =	sld [smem:$0x3FD0];
	(tm) =	ssettm $0x1  }
0x91: {  	s18 =	sld [smem:$0x3FFB];
	_ =	sdelay $0x3  }
0x92: {  	_ =	strace s18  }
0x93: {  	s3 =	sld [smem:$0x3FFC];
	_ =	sdelay $0x3  }
0x94: {  	_ =	strace s3  }
0x95: {  	s3 =	sld [smem:$0x3FFD];
	_ =	sdelay $0x3  }
0x96: {  	_ =	strace s3  }
0x97: {  	_ =	strace $0x8FFFFFFF  }
0x98: {  	s19 =	sld [smem:$0x3FDB];
	_ =	sdelay $0x1  }
0x99: {  	s4 =	simm.s32 $_scs_section_size  }
0x9a: {  	s5 =	simm.s32 $_size__tile_overlayer_lowered;
	s6 =	simm.s32 $_tile_overlayer_lowered  }
0x9b: {  	s22 =	simm.s32 $0x1BFF;
	s21 =	sshll.u32 s6, $0x1;
	s3 =	sadd.s32 s4, s19  }
0x9c: {  	s7 =	simm.s32 $0x0;
	s20 =	sshll.u32 s5, $0x1;
	s5 =	sadd.s32 s21, s3  }
0x9d: {  	[timem:s7], [sflag:s22] =	dma.local [hbm:s5], s20  }
0x9e: {  	_ =	swait.ge [sflag:s22], s20  }
0x9f: {  	s4 =	ssub.s32 $0x0, s20;
	[sflag:s22] =	ssyncset.done $0x0  }
0xa0: {  	[sflag:s22] =	ssyncadd.s32 s4;
	_ =	sdelay $0x1  }
0xa1: {  	s23 =	simm.s32 $0x1B8B  }
0xa2: {  	_ =	swait.ge [sflag:s23], $0x1  }
0xa3: {  	[sflag:s23] =	ssyncset.done $0x0  }
0xa4: {  	s25 =	simm.s32 $0x1B8E;
	s24 =	sld [smem:$0x3FFE];
	[sflag:s23] =	ssyncadd.s32 $0xFFFFFFFF  }
0xa5: {  	s26 =	simm.s32 $execute0_lowered;
	[smem:$0x3FD2] =	sst s25  }
0xa6: {  	s5 =	sshll.u32 s26, $0x1;
	_ =	strace $0x80000049;
	[dreg:$0x1] =	wrdreg $0xFFFFFFFF  }
0xa7: {  	s28 =	simm.s32 $_size_execute0_lowered;
	s3 =	sadd.s32 s3, s5;
	[dreg:$0x0] =	wrdreg $0x0  }
0xa8: {  	s5 =	sshll.u32 s28, $0x1;
	[dreg:$0x2] =	wrdreg s3  }
0xa9: {  	[dreg:$0x3] =	wrdreg s5  }
0xaa: {  	[dreg:$0x4] =	wrdreg $0xC0  }
0xab: {  	_ =	task [dreg:s7], $0x5FFFF  }
0xac: {  	[dreg:$0x1] =	wrdreg $0xFFFFFFFF  }
0xad: {  	[dreg:$0x0] =	wrdreg $0x60  }
0xae: {  	[dreg:$0x2] =	wrdreg s2  }
0xaf: {  	[dreg:$0x3] =	wrdreg s24  }
0xb0: {  	[dreg:$0x4] =	wrdreg $0xB0000  }
0xb1: {  	[dreg:$0x5] =	wrdreg $0x9  }
0xb2: {  	_ =	task.clear_ibuf [dreg:s7], $0x6FFFF;
	_ =	strace $0x90000049  }
0xb3: {  	s29 =	simm.s32 $0x9;
	_ =	strace $0x8000004B  }
0xb4: {  	_ =	swait.ge [sflag:s29], $0x1  }
0xb5: {  	[sflag:s29] =	ssyncadd.s32 $0xFFFFFFFF  }
0xb6: {  	_ =	strace $0x9000004B  }
0xb7: {  	_ =	sfence  }
0xb8: {  	s30 =	sld [smem:$0x0];
	_ =	sdelay $0x2  }
0xb9: {  	s31 =	sshll.u32 s1, $0xD;
	s1 =	sshrl.u32 s1, $0x2  }
0xba: {  	s3 =	sand.u32 $0x4000, s31;
	s1 =	sadd.s32 s1, s30  }
0xbb: {  	s0 =	sor.u32 s3, s0;
	s1 =	sshll.u32 s1, $0x11  }
0xbc: {  	s0 =	sor.u32 s1, s0  }
0xbd: {  	s0 =	sadd.s32 $0x8F2B, s0  }
0xbe: {  	[sflag:s0] =	ssyncadd.remote.s32 $0x1  }
0xbf: {  	_ =	sfence.sel $0xFFFF  }
0xc0: {  	[dreg:$0x0] =	wrdreg $0xFFFFFFFF;
	(pc) =	sbr.abs _section_cstart, $3  }
0xc1: {  	[dreg:$0x1] =	wrdreg $0xFFFFFFFF  }
0xc2: {  	_ =	task.clear_ibuf [dreg:s7], $0x2FFFF;
	_ =	strace $0x9FFFFFFF  }
0xc3: {  	(tm) =	ssettm $0x7FFFFFFF  }
tec
execute0_lowered:
.L_overlay_start_1:
0x0: {  	(tag) =	ssettag $0x1  }
0x1: {  	s1 =	rddreg [dreg:$0x0]  }
0x2: {  	s0 =	srdreg.scid;
	s2 =	rddreg [dreg:$0x1]  }
0x3: {  	s11 =	stileid.u32;
	s3 =	rddreg [dreg:$0x2]  }
0x4: {  	s6 =	simm.s32 $0x0;
	s29 =	simm.s32 $0x7000;
	s30 =	simm.s32 $0x1  }
0x5: {  	s31 =	simm.s32 $0x9000;
	s13 =	simm.s32 $0x2B00;
	s15 =	simm.s32 $0x2C80  }
0x6: {  	s16 =	simm.s32 $0x2D00;
	s14 =	simm.s32 $0x2D80;
	s17 =	simm.s32 $0x2E00  }
0x7: {  	s18 =	simm.s32 $0x2F00;
	s0 =	sand.u32 $0x1, s0;
	[smem:$0x7FF] =	sst s6  }
0x8: {  	s19 =	smul.u32 $0x2780, s11;
	s8 =	sadd.s32 $0xB800, s2;
	s10 =	sadd.s32 $0x1F800, s2  }
0x9: {  	s22 =	smul.u32 $0x4F000, s11;
	p2 =	sne.s32 s11, $0xF;
	p4 =	seq.s32 s11, $0xF  }
0xa: {  	s23 =	sadd.s32 $0x25080, s1;
	s25 =	smul.u32 $0xA00, s11;
	s4 =	sshll.u32 s0, $0x4  }
0xb: {  	_ =	strace $0x8000004A;
	s7 =	smul.u32 $0x27800, s0;
	s9 =	ssub.s32 $0x2, s0  }
0xc: {  	[dreg:$0x4] =	wrdreg s10;
	p0 =	seq.s32 s0, $0x1;
	p3 =	seq.s32 s0, $0x0  }
0xd: {  	[dreg:$0x6] =	wrdreg s23;
	s10 =	sadd.s32 $0x138800, s3;
	s0 =	smul.u32 $0xA000, s0  }
0xe: {  	s23 =	simm.s32 $0x2C00;
	s4 =	sor.u32 s11, s4;
	s20 =	sshrl.u32 s9, $0x1  }
0xf: {  	p1 =	por !p3, !p2;
	p3 =	por !p3, !p4;
	s6 =	sadd.s32 s1, s19  }
0x10: {  	p2 =	por p2, p0;
	s5 =	smul.u32 $0x500, s4;
	s7 =	sadd.s32 s19, s7  }
0x11: {  	s21 =	ssub.s32 s9, s20;
	s9 =	sshrl.u32 s22, $0x2;
	p1 =	por !p1, !p1  }
0x12: {  	p3 =	por !p3, !p3;
	s4 =	smul.u32 $0xA00, s4;
	[dreg:$0x7] =	wrdreg s6  }
0x13: {  	s0 =	sadd.s32 s0, s8;
	s6 =	simm.s32 $0x2B80;
	s19 =	simm.s32 $0x2F80  }
0x14: {  	s12 =	sadd.s32 s9, s3;
	s9 =	sadd.s32 $0x128400, s3;
	s28 =	smax.u32 s21, $0x1  }
0x15: {  	s0 =	sadd.s32 s25, s0;
	p3 =	por !p3, p1;
	[dreg:$0xc] =	wrdreg s28  }
0x16: {  	s21 =	simm.s32 $0x7;
	s24 =	sadd.s32 s8, s4;
	[dreg:$0x5] =	wrdreg s12  }
0x17: {  	s5 =	sadd.s32 s5, s2;
	s0 =	sadd.s32 $0x180, s0;
	[dreg:$0x8] =	wrdreg s24  }
0x18: {  	s25 =	simm.s32 $0x3000;
	s5 =	sadd.s32 $0x1800, s5;
	[dreg:$0xd] =	wrdreg s0  }
0x19: {  	s2 =	sadd.s32 s7, s2;
	s26 =	sadd.s32 $0x80, s24;
	[dreg:$0x9] =	wrdreg s5  }
0x1a: {  	s2 =	sadd.s32 $0x22000, s2;
	s0 =	sshll.u32 @p0 s11, $0x6;
	[dreg:$0xa] =	wrdreg s26  }
0x1b: {  	s8 =	simm.s32 $0x4;
	[dreg:$0xb] =	wrdreg s2;
	s0 =	sor.u32 @p0 $0x1C05, s0  }
0x1c: {  	s24 =	simm.s32 $0x40;
	[dreg:$0xe] =	wrdreg s0;
	s0 =	sshrl.u32 @p0 s12, $0x3  }
0x1d: {  	s26 =	simm.s32 $0x5000;
	[dreg:$0xf] =	wrdreg s0;
	s0 =	sshrl.u32 @!p3 s9, $0x3  }
.Ltmp0:
0x1e: {  	[dreg:$0x10] =	wrdreg s0;
	s0 =	sshrl.u32 @!p3 s10, $0x3;
	(pc) =	sbr.rel .LBB2_1-.Ltmp0, $4  }
0x1f: {  	s2 =	simm.s32 $0x2;
	[dreg:$0x11] =	wrdreg s0;
	s0 =	sshll.u32 @p1 s11, $0x6  }
0x20: {  	s5 =	simm.s32 $0x0;
	s9 =	simm.s32 $0x6;
	s0 =	sor.u32 @p1 $0x1C05, s0  }
0x21: {  	s11 =	simm.s32 $0x0;
	[dreg:$0x12] =	wrdreg s0;
	s0 =	sshrl.u32 @p1 s12, $0x3  }
0x22: {  	s12 =	simm.s32 $0x2A80;
	[dreg:$0x13] =	wrdreg s0;
	s0 =	simm.s32 $0x3  }
.LBB2_4:
0x23: {  	[spmem:s3] =	stream.indirect.scatter.add.f32 [tilespmem:s31], [sflag:$0x7], $0x80, s19, s24, $0xb8;
	[tilespmem:$0x1EC00] =	vst v63  }
0x24: {  	_ =	swait.ge [sflag:s21], $0x2000  }
0x25: {  	[sflag:s21] =	ssyncset.done $0x0  }
0x26: {  	[sflag:s21] =	ssyncadd.s32 $0xFFFFE000  }
0x27: {  	s4 =	stileid.u32;
	[bflag:$0x0] =	sbarrier.arrive $0xFFFF  }
0x28: {  	s4 =	sshll.u32 s4, $0x6;
	s5 =	rddreg [dreg:$0x5]  }
0x29: {  	s4 =	sor.u32 $0x1C07, s4;
	s7 =	rddreg [dreg:$0xb];
	s5 =	sshrl.u32 s5, $0x3  }
0x2a: {  	[hbm:s7], [sflag:s4] =	dma.local [spmem:s5], $0x2780  }
0x2b: {  	_ =	swait.ge [sflag:s21], $0x2780  }
0x2c: {  	s22 =	rddreg [dreg:$0x14]  }
0x2d: {  	s28 =	rddreg [dreg:$0xc];
	s5 =	sadd.s32 $0x1, s22  }
0x2e: {  	p4 =	sne.s32 s5, s28  }
.Ltmp1:
0x2f: {  	_ = 	snop;
	(pc) =	sbr.rel @!p4 .LBB2_5-.Ltmp1, $3  }
0x30: {  	_ =	sdelay $0x1  }
0x31: {  	[sflag:s21] =	ssyncset.done $0x0  }
0x32: {  	[sflag:s21] =	ssyncadd.s32 $0xFFFFD880  }
.LBB2_1:
0x33: {  	[dreg:$0x14] =	wrdreg s5  }
0x34: {  	s5 =	rddreg [dreg:$0x4]  }
0x35: {  	s4 =	rddreg [dreg:$0xe]  }
0x36: {  	s7 =	rddreg [dreg:$0xf]  }
0x37: {  	[spmem:s7], [sflag:s4] =	dma.local @p0 [hbm:s5], $0x2780  }
0x38: {  	s7 =	rddreg [dreg:$0x6]  }
0x39: {  	s4 =	simm.s32 @!p3 $0x1FC5;
	s10 =	rddreg [dreg:$0x10]  }
0x3a: {  	[spmem:s10], [sflag:s4] =	dma.local @!p3 [hbm:s7], $0x2080  }
0x3b: {  	s4 =	simm.s32 @!p3 $0x1FC7;
	s7 =	rddreg [dreg:$0x11]  }
0x3c: {  	[spmem:s7], [sflag:s4] =	dma.local @!p3 [hbm:s5], $0x700  }
0x3d: {  	s4 =	simm.s32 @!p3 $0x7  }
0x3e: {  	_ =	swait.ge @!p3 [sflag:s4], $0x700  }
0x3f: {  	s5 =	rddreg [dreg:$0x12]  }
0x40: {  	[sflag:s4] =	ssyncset.done @!p3 $0x0;
	s7 =	rddreg [dreg:$0x13]  }
0x41: {  	[sflag:s4] =	ssyncadd.s32 @!p3 $0xFFFFF900;
	s4 =	rddreg [dreg:$0x7]  }
0x42: {  	[spmem:s7], [sflag:s5] =	dma.local @p1 [hbm:s4], $0x2780  }
0x43: {  	s28 =	simm.s32 $0x0;
	s5 =	rddreg [dreg:$0x9]  }
0x44: {  	[tilespmem:s28], [sflag:$0x7] =	stream.linear.gather [hbm4b:s5+s28], $0x2800, $0x38;
	[tilespmem:$0x1EC00] =	vst v63  }
0x45: {  	_ =	swait.ge [sflag:s21], $0x2800  }
0x46: {  	[sflag:s21] =	ssyncset.done $0x0  }
0x47: {  	s20 =	simm.s32 $0x2800;
	s10 =	rddreg [dreg:$0x8];
	[sflag:s21] =	ssyncadd.s32 $0xFFFFD800  }
0x48: {  	[tilespmem:s20], [sflag:$0x7] =	stream.linear.gather [hbm4b:s10+s28], $0x400, $0x38;
	[tilespmem:$0x1EC00] =	vst v63  }
0x49: {  	_ =	swait.ge [sflag:s21], $0x400  }
0x4a: {  	[sflag:s21] =	ssyncset.done $0x0  }
0x4b: {  	s22 =	rddreg [dreg:$0xa];
	[sflag:s21] =	ssyncadd.s32 $0xFFFFFC00  }
0x4c: {  	[tilespmem:s23], [sflag:$0x6] =	stream.linear.gather [hbm4b:s22+s28], $0x400, $0x38;
	[tilespmem:$0x1EC00] =	vst v63  }
0x4d: {  	_ = 	snop  }
0x4e: {  	[tilespmem:s25], [sflag:$0x1] =	stream.indirect.gather [hbm4b:s1+s24], $0x80, s28, s24, $0xb8;
	[tilespmem:$0x1EC00] =	vst v63  }
0x4f: {  	p4 =	por @!p1 $0x0, $0x0  }
0x50: {  	[tilespmem:s26], [sflag:$0x2] =	stream.indirect.gather [hbm4b:s1+s24], $0x80, s24, s24, $0xb8;
	[tilespmem:$0x1EC00] =	vst v63  }
0x51: {  	p5 =	por @!p3 $0x1, $0x1;
	s4 =	simm.s32 @p2 $0x5;
	s28 =	simm.s32 $0x80  }
0x52: {  	[tilespmem:s29], [sflag:$0x3] =	stream.indirect.gather [hbm4b:s1+s24], $0x80, s28, s24, $0xb8;
	[tilespmem:$0x1EC00] =	vst v63  }
0x53: {  	p4 =	por @!p3 p5, p5;
	p5 =	por @p1 $0x0, $0x0;
	_ =	swait.ge @p2 [sflag:s4], $0x2780  }
0x54: {  	p5 =	por @!p1 p4, p4;
	[sflag:s4] =	ssyncset.done @p2 $0x0  }
0x55: {  	[sflag:s4] =	ssyncadd.s32 @p2 $0xFFFFD880;
	s4 =	simm.s32 @p5 $0x5  }
0x56: {  	_ =	swait.ge @p5 [sflag:s4], $0x2080  }
0x57: {  	[sflag:s4] =	ssyncset.done @p5 $0x0  }
0x58: {  	[sflag:s4] =	ssyncadd.s32 @p5 $0xFFFFDF80  }
0x59: {  	[bflag:$0x0] =	sbarrier.arrive $0xFFFF  }
0x5a: {  	s5 =	simm.s32 $0x0;
	s20 =	rddreg [dreg:$0xd]  }
.LBB2_2:
0x5b: {  	p4 =	seq.s32 s5, $0x0  }
0x5c: {  	s4 =	simm.s32 @!p4 $0x5  }
0x5d: {  	_ =	swait.ge @!p4 [sflag:s4], $0x400  }
0x5e: {  	[sflag:s4] =	ssyncset.done @!p4 $0x0  }
0x5f: {  	[sflag:s4] =	ssyncadd.s32 @!p4 $0xFFFFFC00  }
0x60: {  	_ =	swait.ge [sflag:s30], $0x2000  }
0x61: {  	s4 =	sshra.s32 s5, $0x2;
	[sflag:s30] =	ssyncset.done $0x0  }
0x62: {  	s22 =	sadd.s32 $0xC0, s4;
	[sflag:s30] =	ssyncadd.s32 $0xFFFFE000  }
0x63: {  	[tilespmem:s31], [sflag:$0x4] =	stream.indirect.gather [hbm4b:s1+s24], $0x80, s22, s24, $0xb8;
	[tilespmem:$0x1EC00] =	vst v63  }
0x64: {  	s7 =	simm.s32 $0x2800  }
0x65: {  	[spmem:s3] =	stream.indirect.scatter.add.f32 [tilespmem:s25], [sflag:$0x7], $0x80, s7, s24, $0xb8;
	[tilespmem:$0x1EC00] =	vst v63  }
0x66: {  	_ =	swait.ge [sflag:s21], $0x2000  }
0x67: {  	[sflag:s21] =	ssyncset.done $0x0  }
0x68: {  	[sflag:s21] =	ssyncadd.s32 $0xFFFFE000  }
0x69: {  	_ =	swait.ge [sflag:s2], $0x2000  }
0x6a: {  	[sflag:s2] =	ssyncset.done $0x0  }
0x6b: {  	s10 =	sadd.s32 $0x100, s4;
	[sflag:s2] =	ssyncadd.s32 $0xFFFFE000  }
0x6c: {  	[tilespmem:s25], [sflag:$0x1] =	stream.indirect.gather [hbm4b:s1+s24], $0x80, s10, s24, $0xb8;
	[tilespmem:$0x1EC00] =	vst v63  }
0x6d: {  	s28 =	simm.s32 $0x2880  }
0x6e: {  	[spmem:s3] =	stream.indirect.scatter.add.f32 [tilespmem:s26], [sflag:$0x7], $0x80, s28, s24, $0xb8;
	[tilespmem:$0x1EC00] =	vst v63  }
0x6f: {  	_ =	swait.ge [sflag:s21], $0x2000  }
0x70: {  	[sflag:s21] =	ssyncset.done $0x0  }
0x71: {  	[sflag:s21] =	ssyncadd.s32 $0xFFFFE000  }
0x72: {  	_ =	swait.ge [sflag:s0], $0x2000  }
0x73: {  	[sflag:s0] =	ssyncset.done $0x0  }
0x74: {  	s10 =	sadd.s32 $0x140, s4;
	[sflag:s0] =	ssyncadd.s32 $0xFFFFE000  }
0x75: {  	[tilespmem:s26], [sflag:$0x2] =	stream.indirect.gather [hbm4b:s1+s24], $0x80, s10, s24, $0xb8;
	[tilespmem:$0x1EC00] =	vst v63  }
0x76: {  	s28 =	simm.s32 $0x2900  }
0x77: {  	[spmem:s3] =	stream.indirect.scatter.add.f32 [tilespmem:s29], [sflag:$0x7], $0x80, s28, s24, $0xb8;
	[tilespmem:$0x1EC00] =	vst v63  }
0x78: {  	_ =	swait.ge [sflag:s21], $0x2000  }
0x79: {  	[sflag:s21] =	ssyncset.done $0x0  }
0x7a: {  	[sflag:s21] =	ssyncadd.s32 $0xFFFFE000  }
0x7b: {  	_ =	swait.ge [sflag:s8], $0x2000  }
0x7c: {  	[sflag:s8] =	ssyncset.done $0x0  }
0x7d: {  	s10 =	sadd.s32 $0x180, s4;
	[sflag:s8] =	ssyncadd.s32 $0xFFFFE000  }
0x7e: {  	[tilespmem:s29], [sflag:$0x3] =	stream.indirect.gather [hbm4b:s1+s24], $0x80, s10, s24, $0xb8;
	[tilespmem:$0x1EC00] =	vst v63  }
0x7f: {  	s28 =	simm.s32 $0x2980  }
0x80: {  	[spmem:s3] =	stream.indirect.scatter.add.f32 [tilespmem:s31], [sflag:$0x7], $0x80, s28, s24, $0xb8;
	[tilespmem:$0x1EC00] =	vst v63  }
0x81: {  	_ =	swait.ge [sflag:s21], $0x2000  }
0x82: {  	[sflag:s21] =	ssyncset.done $0x0  }
0x83: {  	[sflag:s21] =	ssyncadd.s32 $0xFFFFE000  }
0x84: {  	_ =	swait.ge [sflag:s30], $0x2000  }
0x85: {  	[sflag:s30] =	ssyncset.done $0x0  }
0x86: {  	s10 =	sadd.s32 $0x1C0, s4;
	[sflag:s30] =	ssyncadd.s32 $0xFFFFE000  }
0x87: {  	[tilespmem:s31], [sflag:$0x4] =	stream.indirect.gather [hbm4b:s1+s24], $0x80, s10, s24, $0xb8;
	[tilespmem:$0x1EC00] =	vst v63  }
0x88: {  	s22 =	simm.s32 $0x2A00  }
0x89: {  	[spmem:s3] =	stream.indirect.scatter.add.f32 [tilespmem:s25], [sflag:$0x7], $0x80, s22, s24, $0xb8;
	[tilespmem:$0x1EC00] =	vst v63  }
0x8a: {  	_ =	swait.ge [sflag:s21], $0x2000  }
0x8b: {  	[sflag:s21] =	ssyncset.done $0x0  }
0x8c: {  	[sflag:s21] =	ssyncadd.s32 $0xFFFFE000  }
0x8d: {  	_ =	swait.ge [sflag:s2], $0x2000  }
0x8e: {  	[sflag:s2] =	ssyncset.done $0x0  }
0x8f: {  	s28 =	sadd.s32 $0x200, s4;
	[sflag:s2] =	ssyncadd.s32 $0xFFFFE000  }
0x90: {  	[tilespmem:s25], [sflag:$0x1] =	stream.indirect.gather [hbm4b:s1+s24], $0x80, s28, s24, $0xb8;
	[tilespmem:$0x1EC00] =	vst v63  }
0x91: {  	_ = 	snop  }
0x92: {  	[spmem:s3] =	stream.indirect.scatter.add.f32 [tilespmem:s26], [sflag:$0x7], $0x80, s12, s24, $0xb8;
	[tilespmem:$0x1EC00] =	vst v63  }
0x93: {  	_ =	swait.ge [sflag:s21], $0x2000  }
0x94: {  	[sflag:s21] =	ssyncset.done $0x0  }
0x95: {  	[sflag:s21] =	ssyncadd.s32 $0xFFFFE000  }
0x96: {  	_ =	swait.ge [sflag:s0], $0x2000  }
0x97: {  	[sflag:s0] =	ssyncset.done $0x0  }
0x98: {  	s7 =	sadd.s32 $0x240, s4;
	[sflag:s0] =	ssyncadd.s32 $0xFFFFE000  }
0x99: {  	[tilespmem:s26], [sflag:$0x2] =	stream.indirect.gather [hbm4b:s1+s24], $0x80, s7, s24, $0xb8;
	[tilespmem:$0x1EC00] =	vst v63  }
0x9a: {  	_ = 	snop  }
0x9b: {  	[spmem:s3] =	stream.indirect.scatter.add.f32 [tilespmem:s29], [sflag:$0x7], $0x80, s13, s24, $0xb8;
	[tilespmem:$0x1EC00] =	vst v63  }
0x9c: {  	_ =	swait.ge [sflag:s21], $0x2000  }
0x9d: {  	[sflag:s21] =	ssyncset.done $0x0  }
0x9e: {  	[sflag:s21] =	ssyncadd.s32 $0xFFFFE000  }
0x9f: {  	_ =	swait.ge [sflag:s8], $0x2000  }
0xa0: {  	[sflag:s8] =	ssyncset.done $0x0  }
0xa1: {  	s10 =	sadd.s32 $0x280, s4;
	[sflag:s8] =	ssyncadd.s32 $0xFFFFE000  }
0xa2: {  	[tilespmem:s29], [sflag:$0x3] =	stream.indirect.gather [hbm4b:s1+s24], $0x80, s10, s24, $0xb8;
	[tilespmem:$0x1EC00] =	vst v63  }
0xa3: {  	_ = 	snop  }
0xa4: {  	[spmem:s3] =	stream.indirect.scatter.add.f32 [tilespmem:s31], [sflag:$0x7], $0x80, s6, s24, $0xb8;
	[tilespmem:$0x1EC00] =	vst v63  }
0xa5: {  	_ =	swait.ge [sflag:s21], $0x2000  }
0xa6: {  	[sflag:s21] =	ssyncset.done $0x0  }
0xa7: {  	[sflag:s21] =	ssyncadd.s32 $0xFFFFE000  }
0xa8: {  	p4 =	seq.s32 s5, $0x9000;
	_ =	swait.ge [sflag:s9], $0x400  }
0xa9: {  	s22 =	sadd.s32 @!p4 $0xFFFFFF80, s20;
	[sflag:s9] =	ssyncset.done $0x0  }
0xaa: {  	s28 =	simm.s32 @!p4 $0x0;
	s7 =	simm.s32 @!p4 $0x2800;
	[sflag:s9] =	ssyncadd.s32 $0xFFFFFC00  }
0xab: {  	[tilespmem:s7], [sflag:$0x5] =	stream.linear.gather @!p4 [hbm4b:s22+s28], $0x400, $0x38;
	[tilespmem:$0x1EC00] =	vst v63  }
0xac: {  	_ =	swait.ge [sflag:s30], $0x2000  }
0xad: {  	[sflag:s30] =	ssyncset.done $0x0  }
0xae: {  	s22 =	sadd.s32 $0x2C0, s4;
	[sflag:s30] =	ssyncadd.s32 $0xFFFFE000  }
0xaf: {  	[tilespmem:s31], [sflag:$0x4] =	stream.indirect.gather [hbm4b:s1+s24], $0x80, s22, s24, $0xb8;
	[tilespmem:$0x1EC00] =	vst v63  }
0xb0: {  	_ = 	snop  }
0xb1: {  	[spmem:s3] =	stream.indirect.scatter.add.f32 [tilespmem:s25], [sflag:$0x7], $0x80, s23, s24, $0xb8;
	[tilespmem:$0x1EC00] =	vst v63  }
0xb2: {  	_ =	swait.ge [sflag:s21], $0x2000  }
0xb3: {  	[sflag:s21] =	ssyncset.done $0x0  }
0xb4: {  	[sflag:s21] =	ssyncadd.s32 $0xFFFFE000  }
0xb5: {  	_ =	swait.ge [sflag:s2], $0x2000  }
0xb6: {  	[sflag:s2] =	ssyncset.done $0x0  }
0xb7: {  	s28 =	sadd.s32 $0x300, s4;
	[sflag:s2] =	ssyncadd.s32 $0xFFFFE000  }
0xb8: {  	[tilespmem:s25], [sflag:$0x1] =	stream.indirect.gather [hbm4b:s1+s24], $0x80, s28, s24, $0xb8;
	[tilespmem:$0x1EC00] =	vst v63  }
0xb9: {  	_ = 	snop  }
0xba: {  	[spmem:s3] =	stream.indirect.scatter.add.f32 [tilespmem:s26], [sflag:$0x7], $0x80, s15, s24, $0xb8;
	[tilespmem:$0x1EC00] =	vst v63  }
0xbb: {  	_ =	swait.ge [sflag:s21], $0x2000  }
0xbc: {  	[sflag:s21] =	ssyncset.done $0x0  }
0xbd: {  	[sflag:s21] =	ssyncadd.s32 $0xFFFFE000  }
0xbe: {  	_ =	swait.ge [sflag:s0], $0x2000  }
0xbf: {  	[sflag:s0] =	ssyncset.done $0x0  }
0xc0: {  	s10 =	sadd.s32 $0x340, s4;
	[sflag:s0] =	ssyncadd.s32 $0xFFFFE000  }
0xc1: {  	[tilespmem:s26], [sflag:$0x2] =	stream.indirect.gather [hbm4b:s1+s24], $0x80, s10, s24, $0xb8;
	[tilespmem:$0x1EC00] =	vst v63  }
0xc2: {  	_ = 	snop  }
0xc3: {  	[spmem:s3] =	stream.indirect.scatter.add.f32 [tilespmem:s29], [sflag:$0x7], $0x80, s16, s24, $0xb8;
	[tilespmem:$0x1EC00] =	vst v63  }
0xc4: {  	_ =	swait.ge [sflag:s21], $0x2000  }
0xc5: {  	[sflag:s21] =	ssyncset.done $0x0  }
0xc6: {  	[sflag:s21] =	ssyncadd.s32 $0xFFFFE000  }
0xc7: {  	_ =	swait.ge [sflag:s8], $0x2000  }
0xc8: {  	[sflag:s8] =	ssyncset.done $0x0  }
0xc9: {  	s22 =	sadd.s32 $0x380, s4;
	[sflag:s8] =	ssyncadd.s32 $0xFFFFE000  }
0xca: {  	[tilespmem:s29], [sflag:$0x3] =	stream.indirect.gather [hbm4b:s1+s24], $0x80, s22, s24, $0xb8;
	[tilespmem:$0x1EC00] =	vst v63  }
0xcb: {  	_ = 	snop  }
0xcc: {  	[spmem:s3] =	stream.indirect.scatter.add.f32 [tilespmem:s31], [sflag:$0x7], $0x80, s14, s24, $0xb8;
	[tilespmem:$0x1EC00] =	vst v63  }
0xcd: {  	_ =	swait.ge [sflag:s21], $0x2000  }
0xce: {  	[sflag:s21] =	ssyncset.done $0x0  }
0xcf: {  	[sflag:s21] =	ssyncadd.s32 $0xFFFFE000  }
0xd0: {  	_ =	swait.ge [sflag:s30], $0x2000  }
0xd1: {  	[sflag:s30] =	ssyncset.done $0x0  }
0xd2: {  	s28 =	sadd.s32 $0x3C0, s4;
	[sflag:s30] =	ssyncadd.s32 $0xFFFFE000  }
0xd3: {  	[tilespmem:s31], [sflag:$0x4] =	stream.indirect.gather [hbm4b:s1+s24], $0x80, s28, s24, $0xb8;
	[tilespmem:$0x1EC00] =	vst v63  }
0xd4: {  	_ = 	snop  }
0xd5: {  	[spmem:s3] =	stream.indirect.scatter.add.f32 [tilespmem:s25], [sflag:$0x7], $0x80, s17, s24, $0xb8;
	[tilespmem:$0x1EC00] =	vst v63  }
0xd6: {  	_ =	swait.ge [sflag:s21], $0x2000  }
0xd7: {  	[sflag:s21] =	ssyncset.done $0x0  }
0xd8: {  	[sflag:s21] =	ssyncadd.s32 $0xFFFFE000  }
0xd9: {  	_ =	swait.ge [sflag:s2], $0x2000  }
0xda: {  	s7 =	simm.s32 @p4 $0x40;
	[sflag:s2] =	ssyncset.done $0x0  }
0xdb: {  	s22 =	simm.s32 @p4 $0x2E80;
	s28 =	simm.s32 @p4 $0x5000;
	[sflag:s2] =	ssyncadd.s32 $0xFFFFE000  }
0xdc: {  	[spmem:s3] =	stream.indirect.scatter.add.f32 @p4 [tilespmem:s28], [sflag:$0x7], $0x80, s22, s7, $0xb8;
	[tilespmem:$0x1EC00] =	vst v63  }
0xdd: {  	s7 =	simm.s32 @p4 $0x7  }
0xde: {  	_ =	swait.ge @p4 [sflag:s7], $0x2000  }
0xdf: {  	[sflag:s7] =	ssyncset.done @p4 $0x0  }
0xe0: {  	[sflag:s7] =	ssyncadd.s32 @p4 $0xFFFFE000;
	s7 =	simm.s32 @p4 $0x3  }
0xe1: {  	_ =	swait.ge @p4 [sflag:s7], $0x2000  }
0xe2: {  	[sflag:s7] =	ssyncset.done @p4 $0x0  }
0xe3: {  	[sflag:s7] =	ssyncadd.s32 @p4 $0xFFFFE000;
	s7 =	sshra.s32 @!p4 s5, $0x2  }
0xe4: {  	s10 =	simm.s32 @!p4 $0x3000;
	s28 =	simm.s32 @!p4 $0x40;
	s22 =	sadd.s32 @!p4 $0x400, s7  }
0xe5: {  	[tilespmem:s10], [sflag:$0x1] =	stream.indirect.gather @!p4 [hbm4b:s1+s28], $0x80, s22, s28, $0xb8;
	[tilespmem:$0x1EC00] =	vst v63  }
0xe6: {  	s10 =	simm.s32 @!p4 $0x2E80;
	s22 =	simm.s32 @!p4 $0x5000  }
0xe7: {  	[spmem:s3] =	stream.indirect.scatter.add.f32 @!p4 [tilespmem:s22], [sflag:$0x7], $0x80, s10, s28, $0xb8;
	[tilespmem:$0x1EC00] =	vst v63  }
0xe8: {  	s10 =	simm.s32 @!p4 $0x7  }
0xe9: {  	_ =	swait.ge @!p4 [sflag:s10], $0x2000  }
0xea: {  	[sflag:s10] =	ssyncset.done @!p4 $0x0  }
0xeb: {  	[sflag:s10] =	ssyncadd.s32 @!p4 $0xFFFFE000;
	s10 =	simm.s32 @!p4 $0x3  }
0xec: {  	_ =	swait.ge @!p4 [sflag:s10], $0x2000  }
0xed: {  	[sflag:s10] =	ssyncset.done @!p4 $0x0  }
0xee: {  	s7 =	sadd.s32 @!p4 $0x440, s7;
	[sflag:s10] =	ssyncadd.s32 @!p4 $0xFFFFE000  }
0xef: {  	[tilespmem:s22], [sflag:$0x2] =	stream.indirect.gather @!p4 [hbm4b:s1+s28], $0x80, s7, s28, $0xb8;
	[tilespmem:$0x1EC00] =	vst v63  }
0xf0: {  	_ = 	snop  }
0xf1: {  	[spmem:s3] =	stream.indirect.scatter.add.f32 [tilespmem:s29], [sflag:$0x7], $0x80, s18, s24, $0xb8;
	[tilespmem:$0x1EC00] =	vst v63  }
0xf2: {  	_ =	swait.ge [sflag:s21], $0x2000  }
.Ltmp2:
0xf3: {  	[sflag:s21] =	ssyncset.done $0x0;
	(pc) =	sbr.rel @p4 .LBB2_4-.Ltmp2, $4  }
0xf4: {  	[sflag:s21] =	ssyncadd.s32 $0xFFFFE000  }
0xf5: {  	_ =	swait.ge [sflag:s8], $0x2000  }
0xf6: {  	[sflag:s8] =	ssyncset.done $0x0  }
0xf7: {  	[sflag:s8] =	ssyncadd.s32 $0xFFFFE000  }
0xf8: {  	s4 =	sadd.s32 $0x480, s4  }
0xf9: {  	[tilespmem:s29], [sflag:$0x3] =	stream.indirect.gather [hbm4b:s1+s24], $0x80, s4, s24, $0xb8;
	[tilespmem:$0x1EC00] =	vst v63  }
0xfa: {  	_ = 	snop  }
0xfb: {  	[spmem:s3] =	stream.indirect.scatter.add.f32 [tilespmem:s31], [sflag:$0x7], $0x80, s19, s24, $0xb8;
	[tilespmem:$0x1EC00] =	vst v63  }
.Ltmp3:
0xfc: {  	_ =	swait.ge [sflag:s21], $0x2000;
	(pc) =	sbr.rel .LBB2_2-.Ltmp3, $4  }
0xfd: {  	[sflag:s21] =	ssyncset.done $0x0  }
0xfe: {  	[sflag:s21] =	ssyncadd.s32 $0xFFFFE000  }
0xff: {  	[tilespmem:s23], [sflag:$0x6] =	stream.linear.gather [hbm4b:s20+s11], $0x400, $0x38;
	[tilespmem:$0x1EC00] =	vst v63  }
0x100: {  	s5 =	sadd.s32 $0x1000, s5;
	s20 =	sadd.s32 $0x100, s20  }
.LBB2_5:
0x101: {  	_ =	sfence.sel $0x180000  }
0x102: {  	[bflag:$0x0] =	sbarrier.arrive $0xFFFF  }
0x103: {  	_ =	strace $0x9000004A  }
0x104: {  	s0 =	stileid.u32;
	[bflag:$0x2] =	sbarrier.arrive $0xFFFF  }
0x105: {  	p0 =	sne.s32 s0, $0x0;
	s0 =	rddreg [dreg:$0x3]  }
0x106: {  	s0 =	sadd.s32 @!p0 $0x100000, s0  }
0x107: {  	[sflag:s0] =	ssyncadd.tile.s32 @!p0 $0x1;
	_ =	shalt  }
.Lfunc_end2:
_tile_overlayer_lowered:
.L_overlay_start_2:
0x108: {  	(tag) =	ssettag $0x2  }
0x109: {  	s0 =	rddreg [dreg:$0x0];
	s2 =	stileid.u32  }
0x10a: {  	s1 =	rddreg [dreg:$0x1];
	p0 =	sne.s32 s2, $0x0  }
0x10b: {  	s3 =	rddreg [dreg:$0x2];
	[bflag:$0x3] =	sbarrier.arrive $0xFFFF;
	s2 =	simm.s32 @!p0 $0x1C07  }
0x10c: {  	[timem:s3], [sflag:s2] =	dma.local @!p0 [hbm:s0], s1  }
0x10d: {  	s0 =	simm.s32 @!p0 $0x7  }
0x10e: {  	_ =	swait.ge @!p0 [sflag:s0], s1  }
0x10f: {  	s1 =	ssub.s32 @!p0 $0x0, s1;
	[sflag:s0] =	ssyncset.done @!p0 $0x0  }
0x110: {  	[sflag:s0] =	ssyncadd.s32 @!p0 s1  }
0x111: {  	[bflag:$0x3] =	sbarrier.arrive $0xFFFF  }
0x112: {  	_ =	shalt  }

</sc_bundles>
